<compile_context>
chip_gen: v7x
topology: tpu7x:2x2x1
jax: 0.10.2.dev20260603
libtpu: 0.0.44.dev20260713+nightly
codegen_flags: <defaults>
</compile_context>

<pallas_src>
import functools

import jax
import jax.numpy as jnp
from jax import lax
from jax.experimental import pallas as pl
from jax.experimental.pallas import tpu as pltpu
from jax.experimental.pallas import tpu_sc as plsc

N_NODES = 10000
D = 128
DH = D // 2
NC = 2
NS = 16
CHUNK = 64
GRP = 16
NBUF = 8
N_PAD = 10112
BAND = N_PAD // NS
DEGW = 16


def _sc_aggregate(h, src, dst, groups_per_tile):
    mesh = plsc.VectorSubcoreMesh(core_axis_name="c", subcore_axis_name="s")

    @functools.partial(
        pl.kernel,
        out_type=[
            jax.ShapeDtypeStruct((NC, N_PAD, DH), jnp.float32),
            jax.ShapeDtypeStruct((NC, N_PAD, DEGW), jnp.float32),
        ],
        mesh=mesh,
        compiler_params=pltpu.CompilerParams(use_tc_tiling_on_sc=False),
        scratch_types=[
            pltpu.VMEM((2, GRP, CHUNK), jnp.int32),
            pltpu.VMEM((2, GRP, CHUNK), jnp.int32),
            pltpu.VMEM((NBUF, CHUNK, DH), jnp.float32),
            pltpu.VMEM((CHUNK, DEGW), jnp.float32),
            pltpu.VMEM_SHARED((N_PAD, DH), jnp.float32),
            pltpu.VMEM_SHARED((N_PAD, DH), jnp.float32),
            pltpu.VMEM_SHARED((N_PAD, DEGW), jnp.float32),
            pltpu.SemaphoreType.DMA,
            [pltpu.SemaphoreType.DMA] * NBUF,
            [pltpu.SemaphoreType.DMA] * NBUF,
            pltpu.SemaphoreType.DMA,
        ],
    )
    def agg_kernel(h_hbm, src_hbm, dst_hbm, zagg_hbm, zdeg_hbm,
                   agg_out, deg_out,
                   src_v, dst_v, rows_v, ones_v,
                   h_sh, agg_sh, deg_sh, isem, gsems, ssems, dsem):
        cid = lax.axis_index("c")
        sid = lax.axis_index("s")
        deg_half = groups_per_tile // 2

        ones16 = jnp.ones((16,), jnp.float32)

        def fill_ones(i, _):
            ones_v[i] = ones16
            return 0

        lax.fori_loop(0, CHUNK, fill_ones, 0)

        pltpu.async_copy(src_hbm.at[sid, pl.ds(0, GRP)], src_v.at[0], isem)
        pltpu.async_copy(dst_hbm.at[sid, pl.ds(0, GRP)], dst_v.at[0], isem)

        base = sid * BAND
        col = cid * DH

        @pl.when(base + BAND <= N_NODES)
        def _stage_full():
            pltpu.async_copy(h_hbm.at[pl.ds(base, BAND), pl.ds(col, DH)],
                             h_sh.at[pl.ds(base, BAND)], gsems[0]).wait()

        @pl.when(base + BAND > N_NODES)
        def _stage_tail():
            tail = N_NODES - (NS - 1) * BAND
            pltpu.async_copy(
                h_hbm.at[pl.ds((NS - 1) * BAND, tail), pl.ds(col, DH)],
                h_sh.at[pl.ds((NS - 1) * BAND, tail)], gsems[0]).wait()
        za = pltpu.async_copy(zagg_hbm, agg_sh.at[pl.ds(base, BAND)], gsems[1])
        zd = pltpu.async_copy(zdeg_hbm, deg_sh.at[pl.ds(base, BAND)], gsems[2])
        za.wait()
        zd.wait()
        plsc.subcore_barrier()

        def group(g, _):
            cur = lax.rem(g, 2)
            sv = src_v.at[cur]
            dv = dst_v.at[cur]
            pltpu.make_async_copy(
                src_hbm.at[sid, pl.ds(g * GRP, GRP)], sv, isem).wait()
            pltpu.make_async_copy(
                dst_hbm.at[sid, pl.ds(g * GRP, GRP)], dv, isem).wait()

            pv = dst_v.at[1 - cur]

            @pl.when(g > 0)
            def _wait_prev_scatters():
                for b in range(NBUF):
                    pltpu.make_async_copy(
                        rows_v.at[b], agg_sh.at[pv.at[GRP - NBUF + b]],
                        ssems[b]).wait()

            @pl.when(g + 1 < groups_per_tile)
            def _prefetch():
                nxt = 1 - cur
                pltpu.async_copy(
                    src_hbm.at[sid, pl.ds((g + 1) * GRP, GRP)],
                    src_v.at[nxt], isem)
                pltpu.async_copy(
                    dst_hbm.at[sid, pl.ds((g + 1) * GRP, GRP)],
                    dst_v.at[nxt], isem)

            do_deg = lax.select(cid == 0, g < deg_half, g >= deg_half)

            @pl.when(do_deg)
            def _deg_scatter():
                for j in range(GRP):
                    pltpu.async_copy(ones_v, deg_sh.at[dv.at[j]], dsem,
                                     add=True)

            def gather(j, b):
                return pltpu.async_copy(
                    h_sh.at[sv.at[j]], rows_v.at[b], gsems[b])

            gd = {}
            sd = {}
            for j in range(NBUF - 1):
                gd[j] = gather(j, j)
            for j in range(GRP):
                b = j % NBUF
                jn = j + NBUF - 1
                if jn < GRP:
                    bn = jn % NBUF
                    if j >= 1:
                        sd[j - 1].wait()
                    gd[jn] = gather(jn, bn)
                gd[j].wait()
                sd[j] = pltpu.async_copy(
                    rows_v.at[b], agg_sh.at[dv.at[j]], ssems[b], add=True)

            @pl.when(do_deg)
            def _deg_drain():
                for j in range(GRP):
                    pltpu.make_async_copy(
                        ones_v, deg_sh.at[dv.at[j]], dsem).wait()

            return 0

        lax.fori_loop(0, groups_per_tile, group, 0)

        lv = dst_v.at[lax.rem(groups_per_tile - 1, 2)]
        for b in range(NBUF):
            pltpu.make_async_copy(
                rows_v.at[b], agg_sh.at[lv.at[GRP - NBUF + b]],
                ssems[b]).wait()
        plsc.subcore_barrier()

        pltpu.sync_copy(agg_sh.at[pl.ds(base, BAND)],
                        agg_out.at[cid, pl.ds(base, BAND)])
        pltpu.sync_copy(deg_sh.at[pl.ds(base, BAND)],
                        deg_out.at[cid, pl.ds(base, BAND)])

    zagg = jnp.zeros((BAND, DH), jnp.float32)
    zdeg = jnp.zeros((BAND, DEGW), jnp.float32)
    return agg_kernel(h, src, dst, zagg, zdeg)


def _tc_body(h_ref, a0_ref, a1_ref, d0_ref, d1_ref, w_ref, b_ref, o_ref):
    deg = d0_ref[0, :, 0:1] + d1_ref[0, :, 0:1]
    scale = 1.0 / jnp.maximum(deg, 1.0)
    gate = deg > 0.0
    hn0 = jnp.where(gate, a0_ref[0] * scale, h_ref[:, 0:DH])
    hn1 = jnp.where(gate, a1_ref[0] * scale, h_ref[:, DH:D])
    acc = (jnp.dot(hn0, w_ref[0:DH, :], preferred_element_type=jnp.float32)
           + jnp.dot(hn1, w_ref[DH:D, :], preferred_element_type=jnp.float32))
    o_ref[...] = jnp.maximum(acc + b_ref[...], 0.0)


def _tc_update(h, agg, deg, W, b):
    R = 2000
    grid = (N_NODES // R,)
    return pl.pallas_call(
        _tc_body,
        grid=grid,
        in_specs=[
            pl.BlockSpec((R, D), lambda i: (i, 0)),
            pl.BlockSpec((1, R, DH), lambda i: (0, i, 0)),
            pl.BlockSpec((1, R, DH), lambda i: (1, i, 0)),
            pl.BlockSpec((1, R, DEGW), lambda i: (0, i, 0)),
            pl.BlockSpec((1, R, DEGW), lambda i: (1, i, 0)),
            pl.BlockSpec((D, D), lambda i: (0, 0)),
            pl.BlockSpec((1, D), lambda i: (0, 0)),
        ],
        out_specs=pl.BlockSpec((R, D), lambda i: (i, 0)),
        out_shape=jax.ShapeDtypeStruct((N_NODES, D), jnp.float32),
    )(h, agg, agg, deg, deg, W, b)


def kernel(h, edge_index, W, b):
    src = edge_index[0].astype(jnp.int32)
    dst = edge_index[1].astype(jnp.int32)
    E = src.shape[0]
    lane = NS * GRP * CHUNK
    groups_per_tile = -(-E // lane)
    e_pad = lane * groups_per_tile
    if e_pad != E:
        src = jnp.concatenate(
            [src, jnp.zeros((e_pad - E,), jnp.int32)])
        dst = jnp.concatenate(
            [dst, jnp.full((e_pad - E,), N_NODES, jnp.int32)])
    src = src.reshape(NS, groups_per_tile * GRP, CHUNK)
    dst = dst.reshape(NS, groups_per_tile * GRP, CHUNK)

    agg_p, deg_p = _sc_aggregate(h, src, dst, groups_per_tile)

    return _tc_update(h, agg_p, deg_p, W, b.reshape(1, D))

# --- scband reference (transcript-rebuilt; emitter-appended) ---
"""Pipeline reference for scband-graph-convolution-14190571946025 (READ-ONLY COPY).

The authoritative reference and input builder live on the scoring server;
editing this copy changes nothing except your own understanding.
"""

import jax, jax.numpy as jnp
import numpy as np

N_NODES = 10000
N_EDGES = 320000
IN_DIM = 128
OUT_DIM = 128


def setup_inputs(seed: int = 0) -> dict:
    key = jax.random.key(seed)
    k_h, k_e, k_w, k_b = jax.random.split(key, 4)
    h = jax.random.normal(k_h, (N_NODES, IN_DIM), dtype=jnp.float32)
    edge_index = jax.random.randint(k_e, (2, N_EDGES), 0, N_NODES, dtype=jnp.int64)
    # nn.Linear(in_dim, out_dim) params, PyTorch-style init
    bound = 1.0 / np.sqrt(IN_DIM)
    W = jax.random.uniform(k_w, (IN_DIM, OUT_DIM), minval=-bound, maxval=bound, dtype=jnp.float32)
    b = jax.random.uniform(k_b, (OUT_DIM,), minval=-bound, maxval=bound, dtype=jnp.float32)
    return {"h": h, "edge_index": edge_index, "W": W, "b": b}


def reference(h, edge_index, W, b):
    # DGL update_all semantics:
    #   msg: m = src['h']  (gather)
    #   reduce: h = mean over mailbox (segment mean over dst)
    #           nodes with zero in-degree keep their original feature
    #   apply:  h = ReLU(W h + b) applied to all nodes
    src = edge_index[0]
    dst = edge_index[1]
    msgs = jnp.take(h, src, axis=0)                              # gather [E, d]
    agg = jax.ops.segment_sum(msgs, dst, num_segments=N_NODES)   # scatter-add
    deg = jax.ops.segment_sum(jnp.ones((edge_index.shape[1],), dtype=h.dtype), dst, num_segments=N_NODES)
    mean = agg / jnp.maximum(deg, 1.0)[:, None]
    h_new = jnp.where((deg > 0)[:, None], mean, h)
    out = jnp.maximum(h_new @ W + b, 0.0)
    return out

if __name__ == "__main__":
    import jax
    _d = setup_inputs()
    print(jax.jit(kernel)(*tuple(_d.values())))

</pallas_src>

<mosaic_0001>
#map = affine_map<(d0, d1) -> (0, 0)>
#map1 = affine_map<(d0, d1) -> (0, 0, 0)>
module attributes {stable_mosaic.version = 14 : i64} {
  func.func @agg_kernel(%arg0: i32, %arg1: i32, %arg2: memref<10000x128xf32, #tpu.memory_space<hbm>>, %arg3: memref<16x320x64xi32, #tpu.memory_space<hbm>>, %arg4: memref<16x320x64xi32, #tpu.memory_space<hbm>>, %arg5: memref<632x64xf32, #tpu.memory_space<hbm>>, %arg6: memref<632x16xf32, #tpu.memory_space<hbm>>, %arg7: memref<2x10112x64xf32, #tpu.memory_space<hbm>>, %arg8: memref<2x10112x16xf32, #tpu.memory_space<hbm>>, %arg9: memref<2x16x64xi32, #tpu.memory_space<vmem>>, %arg10: memref<2x16x64xi32, #tpu.memory_space<vmem>>, %arg11: memref<8x64x64xf32, #tpu.memory_space<vmem>>, %arg12: memref<64x16xf32, #tpu.memory_space<vmem>>, %arg13: memref<10112x64xf32, #tpu.memory_space<vmem_shared>>, %arg14: memref<10112x64xf32, #tpu.memory_space<vmem_shared>>, %arg15: memref<10112x16xf32, #tpu.memory_space<vmem_shared>>, %arg16: memref<!tpu.dma_semaphore, #tpu.memory_space<semaphore_mem>>, %arg17: memref<!tpu.dma_semaphore, #tpu.memory_space<semaphore_mem>>, %arg18: memref<!tpu.dma_semaphore, #tpu.memory_space<semaphore_mem>>, %arg19: memref<!tpu.dma_semaphore, #tpu.memory_space<semaphore_mem>>, %arg20: memref<!tpu.dma_semaphore, #tpu.memory_space<semaphore_mem>>, %arg21: memref<!tpu.dma_semaphore, #tpu.memory_space<semaphore_mem>>, %arg22: memref<!tpu.dma_semaphore, #tpu.memory_space<semaphore_mem>>, %arg23: memref<!tpu.dma_semaphore, #tpu.memory_space<semaphore_mem>>, %arg24: memref<!tpu.dma_semaphore, #tpu.memory_space<semaphore_mem>>, %arg25: memref<!tpu.dma_semaphore, #tpu.memory_space<semaphore_mem>>, %arg26: memref<!tpu.dma_semaphore, #tpu.memory_space<semaphore_mem>>, %arg27: memref<!tpu.dma_semaphore, #tpu.memory_space<semaphore_mem>>, %arg28: memref<!tpu.dma_semaphore, #tpu.memory_space<semaphore_mem>>, %arg29: memref<!tpu.dma_semaphore, #tpu.memory_space<semaphore_mem>>, %arg30: memref<!tpu.dma_semaphore, #tpu.memory_space<semaphore_mem>>, %arg31: memref<!tpu.dma_semaphore, #tpu.memory_space<semaphore_mem>>, %arg32: memref<!tpu.dma_semaphore, #tpu.memory_space<semaphore_mem>>, %arg33: memref<!tpu.dma_semaphore, #tpu.memory_space<semaphore_mem>>) attributes {dimension_semantics = [#tpu.dimension_semantics<core_parallel>, #tpu.dimension_semantics<subcore_parallel>], iteration_bounds = array<i64: 2, 16>, scalar_prefetch = 0 : i64, scratch_operands = 25 : i64, tpu.core_type = #tpu.core_type<sc_vector_subcore>, window_params = [{transform_indices = #map}, {transform_indices = #map1}, {transform_indices = #map1}, {transform_indices = #map}, {transform_indices = #map}, {transform_indices = #map1}, {transform_indices = #map1}]} {
    %broadcast_in_dim3A = arith.constant 1.000000e+00 : f32
    %broadcast_in_dim3A_0 = vector.broadcast %broadcast_in_dim3A : f32 to vector<16xf32>
    %scan3A = arith.constant 0 : i32
    %scan3A_1 = arith.constant 0 : i32
    %scan3A_2 = arith.constant 64 : i32
    %scan3A_3 = arith.addi %scan3A_1, %scan3A_2 : i32
    %scan3A_4 = arith.constant 1 : i32
    %scan3A_5 = scf.for %scan3A_197 = %scan3A_1 to %scan3A_3 step %scan3A_4 iter_args(%scan3A_198 = %scan3A) -> (i32)  : i32 {
      %swap3A = arith.index_cast %scan3A_197 : i32 to index
      %swap3A_199 = arith.constant 0 : index
      %swap3A_200 = tpu.vector_load %arg12[%swap3A, %swap3A_199] {strides = array<i32>} : memref<64x16xf32, #tpu.memory_space<vmem>>, vector<1x16xf32>,
      %swap3A_201 = vector.shape_cast %swap3A_200 : vector<1x16xf32> to vector<16xf32>
      %swap3A_202 = vector.shape_cast %broadcast_in_dim3A_0 : vector<16xf32> to vector<1x16xf32>
      tpu.vector_store %arg12[%swap3A, %swap3A_199], %swap3A_202 {strides = array<i32>} : memref<64x16xf32, #tpu.memory_space<vmem>>, vector<1x16xf32>,
      %scan3A_203 = arith.constant 0 : i32
      scf.yield %scan3A_203 : i32
    }
    %scan3A_6 = arith.constant 64 : i32
    %dma_start3A = arith.constant 0 : i32
    %dma_start3A_7 = arith.constant 0 : i32
    %dma_start3A_8 = arith.constant 0 : i32
    %dma_start3A_9 = tpu.memref_slice %arg9[%dma_start3A, %dma_start3A_7, %dma_start3A_8] : memref<2x16x64xi32, #tpu.memory_space<vmem>> -> memref<1x16x64xi32, #tpu.memory_space<vmem>>
    %dma_start3A_10 = tpu.memref_squeeze %dma_start3A_9 : memref<1x16x64xi32, #tpu.memory_space<vmem>> -> memref<16x64xi32, #tpu.memory_space<vmem>>
    %dma_start3A_11 = arith.constant 0 : i32
    %dma_start3A_12 = arith.constant 0 : i32
    %dma_start3A_13 = tpu.memref_slice %arg3[%arg1, %dma_start3A_11, %dma_start3A_12] : memref<16x320x64xi32, #tpu.memory_space<hbm>> -> memref<1x16x64xi32, #tpu.memory_space<hbm>>
    %dma_start3A_14 = tpu.memref_squeeze %dma_start3A_13 : memref<1x16x64xi32, #tpu.memory_space<hbm>> -> memref<16x64xi32, #tpu.memory_space<hbm>>
    %dma_start3A_15 = arith.constant 0 : i32
    %dma_start3A_16 = arith.constant 0 : i32
    %dma_start3A_17 = tpu.memref_slice %arg9[%dma_start3A, %dma_start3A_15, %dma_start3A_16] : memref<2x16x64xi32, #tpu.memory_space<vmem>> -> memref<1x16x64xi32, #tpu.memory_space<vmem>>
    %dma_start3A_18 = tpu.memref_squeeze %dma_start3A_17 : memref<1x16x64xi32, #tpu.memory_space<vmem>> -> memref<16x64xi32, #tpu.memory_space<vmem>>
    %dma_start3A_19 = arith.constant 0 : i32
    %dma_start3A_20 = arith.constant 0 : i32
    %dma_start3A_21 = tpu.memref_slice %arg3[%arg1, %dma_start3A_19, %dma_start3A_20] : memref<16x320x64xi32, #tpu.memory_space<hbm>> -> memref<1x16x64xi32, #tpu.memory_space<hbm>>
    %dma_start3A_22 = tpu.memref_squeeze %dma_start3A_21 : memref<1x16x64xi32, #tpu.memory_space<hbm>> -> memref<16x64xi32, #tpu.memory_space<hbm>>
    tpu.enqueue_dma source(%dma_start3A_22 : memref<16x64xi32, #tpu.memory_space<hbm>>) target(%dma_start3A_18 : memref<16x64xi32, #tpu.memory_space<vmem>>) target_semaphore(%arg16 : memref<!tpu.dma_semaphore, #tpu.memory_space<semaphore_mem>>)
    %dma_start3A_23 = arith.constant 0 : i32
    %dma_start3A_24 = arith.constant 0 : i32
    %dma_start3A_25 = arith.constant 0 : i32
    %dma_start3A_26 = tpu.memref_slice %arg10[%dma_start3A_23, %dma_start3A_24, %dma_start3A_25] : memref<2x16x64xi32, #tpu.memory_space<vmem>> -> memref<1x16x64xi32, #tpu.memory_space<vmem>>
    %dma_start3A_27 = tpu.memref_squeeze %dma_start3A_26 : memref<1x16x64xi32, #tpu.memory_space<vmem>> -> memref<16x64xi32, #tpu.memory_space<vmem>>
    %dma_start3A_28 = arith.constant 0 : i32
    %dma_start3A_29 = arith.constant 0 : i32
    %dma_start3A_30 = tpu.memref_slice %arg4[%arg1, %dma_start3A_28, %dma_start3A_29] : memref<16x320x64xi32, #tpu.memory_space<hbm>> -> memref<1x16x64xi32, #tpu.memory_space<hbm>>
    %dma_start3A_31 = tpu.memref_squeeze %dma_start3A_30 : memref<1x16x64xi32, #tpu.memory_space<hbm>> -> memref<16x64xi32, #tpu.memory_space<hbm>>
    %dma_start3A_32 = arith.constant 0 : i32
    %dma_start3A_33 = arith.constant 0 : i32
    %dma_start3A_34 = tpu.memref_slice %arg10[%dma_start3A_23, %dma_start3A_32, %dma_start3A_33] : memref<2x16x64xi32, #tpu.memory_space<vmem>> -> memref<1x16x64xi32, #tpu.memory_space<vmem>>
    %dma_start3A_35 = tpu.memref_squeeze %dma_start3A_34 : memref<1x16x64xi32, #tpu.memory_space<vmem>> -> memref<16x64xi32, #tpu.memory_space<vmem>>
    %dma_start3A_36 = arith.constant 0 : i32
    %dma_start3A_37 = arith.constant 0 : i32
    %dma_start3A_38 = tpu.memref_slice %arg4[%arg1, %dma_start3A_36, %dma_start3A_37] : memref<16x320x64xi32, #tpu.memory_space<hbm>> -> memref<1x16x64xi32, #tpu.memory_space<hbm>>
    %dma_start3A_39 = tpu.memref_squeeze %dma_start3A_38 : memref<1x16x64xi32, #tpu.memory_space<hbm>> -> memref<16x64xi32, #tpu.memory_space<hbm>>
    tpu.enqueue_dma source(%dma_start3A_39 : memref<16x64xi32, #tpu.memory_space<hbm>>) target(%dma_start3A_35 : memref<16x64xi32, #tpu.memory_space<vmem>>) target_semaphore(%arg16 : memref<!tpu.dma_semaphore, #tpu.memory_space<semaphore_mem>>)
    %mul3A = arith.constant 632 : i32
    %mul3A_40 = arith.muli %arg1, %mul3A : i32
    %mul3A_41 = arith.constant 64 : i32
    %mul3A_42 = arith.muli %arg0, %mul3A_41 : i32
    %add3A = arith.constant 632 : i32
    %add3A_43 = arith.addi %mul3A_40, %add3A : i32
    %le3A = arith.constant 10000 : i32
    %le3A_44 = arith.cmpi sle, %add3A_43, %le3A : i32
    %convert_element_type3A = arith.extui %le3A_44 : i1 to i32
    %cond3A = arith.constant 0 : i32
    %cond3A_45 = arith.cmpi ne, %convert_element_type3A, %cond3A : i32
    scf.if %cond3A_45 {
      %dma_start3A_197 = arith.constant 0 : i32
      %dma_start3A_198 = tpu.memref_slice %arg13[%mul3A_40, %dma_start3A_197] : memref<10112x64xf32, #tpu.memory_space<vmem_shared>> -> memref<632x64xf32, #tpu.memory_space<vmem_shared>>
      %dma_start3A_199 = tpu.memref_slice %arg2[%mul3A_40, %mul3A_42] : memref<10000x128xf32, #tpu.memory_space<hbm>> -> memref<632x64xf32, #tpu.memory_space<hbm>>
      tpu.enqueue_dma source(%dma_start3A_199 : memref<632x64xf32, #tpu.memory_space<hbm>>) target(%dma_start3A_198 : memref<632x64xf32, #tpu.memory_space<vmem_shared>>) target_semaphore(%arg17 : memref<!tpu.dma_semaphore, #tpu.memory_space<semaphore_mem>>)
      %dma_wait3A_200 = arith.constant 0 : i32
      %dma_wait3A_201 = tpu.memref_slice %arg13[%mul3A_40, %dma_wait3A_200] : memref<10112x64xf32, #tpu.memory_space<vmem_shared>> -> memref<632x64xf32, #tpu.memory_space<vmem_shared>>
      %dma_wait3A_202 = tpu.memref_slice %arg2[%mul3A_40, %mul3A_42] : memref<10000x128xf32, #tpu.memory_space<hbm>> -> memref<632x64xf32, #tpu.memory_space<hbm>>
      tpu.wait_dma2 semaphore(%arg17 : memref<!tpu.dma_semaphore, #tpu.memory_space<semaphore_mem>>) src(%dma_wait3A_202 : memref<632x64xf32, #tpu.memory_space<hbm>>) dst(%dma_wait3A_201 : memref<632x64xf32, #tpu.memory_space<vmem_shared>>)
    } else {
    }
    %add3A_46 = arith.constant 632 : i32
    %add3A_47 = arith.addi %mul3A_40, %add3A_46 : i32
    %gt3A = arith.constant 10000 : i32
    %gt3A_48 = arith.cmpi sgt, %add3A_47, %gt3A : i32
    %convert_element_type3A_49 = arith.extui %gt3A_48 : i1 to i32
    %cond3A_50 = arith.constant 0 : i32
    %cond3A_51 = arith.cmpi ne, %convert_element_type3A_49, %cond3A_50 : i32
    scf.if %cond3A_51 {
      %dma_start3A_197 = arith.constant 9480 : i32
      %dma_start3A_198 = arith.constant 0 : i32
      %dma_start3A_199 = tpu.memref_slice %arg13[%dma_start3A_197, %dma_start3A_198] : memref<10112x64xf32, #tpu.memory_space<vmem_shared>> -> memref<520x64xf32, #tpu.memory_space<vmem_shared>>
      %dma_start3A_200 = arith.constant 9480 : i32
      %dma_start3A_201 = tpu.memref_slice %arg2[%dma_start3A_200, %mul3A_42] : memref<10000x128xf32, #tpu.memory_space<hbm>> -> memref<520x64xf32, #tpu.memory_space<hbm>>
      tpu.enqueue_dma source(%dma_start3A_201 : memref<520x64xf32, #tpu.memory_space<hbm>>) target(%dma_start3A_199 : memref<520x64xf32, #tpu.memory_space<vmem_shared>>) target_semaphore(%arg17 : memref<!tpu.dma_semaphore, #tpu.memory_space<semaphore_mem>>)
      %dma_wait3A_202 = arith.constant 9480 : i32
      %dma_wait3A_203 = arith.constant 0 : i32
      %dma_wait3A_204 = tpu.memref_slice %arg13[%dma_wait3A_202, %dma_wait3A_203] : memref<10112x64xf32, #tpu.memory_space<vmem_shared>> -> memref<520x64xf32, #tpu.memory_space<vmem_shared>>
      %dma_wait3A_205 = arith.constant 9480 : i32
      %dma_wait3A_206 = tpu.memref_slice %arg2[%dma_wait3A_205, %mul3A_42] : memref<10000x128xf32, #tpu.memory_space<hbm>> -> memref<520x64xf32, #tpu.memory_space<hbm>>
      tpu.wait_dma2 semaphore(%arg17 : memref<!tpu.dma_semaphore, #tpu.memory_space<semaphore_mem>>) src(%dma_wait3A_206 : memref<520x64xf32, #tpu.memory_space<hbm>>) dst(%dma_wait3A_204 : memref<520x64xf32, #tpu.memory_space<vmem_shared>>)
    } else {
    }
    %dma_start3A_52 = arith.constant 0 : i32
    %dma_start3A_53 = tpu.memref_slice %arg14[%mul3A_40, %dma_start3A_52] : memref<10112x64xf32, #tpu.memory_space<vmem_shared>> -> memref<632x64xf32, #tpu.memory_space<vmem_shared>>
    tpu.enqueue_dma source(%arg5 : memref<632x64xf32, #tpu.memory_space<hbm>>) target(%dma_start3A_53 : memref<632x64xf32, #tpu.memory_space<vmem_shared>>) target_semaphore(%arg18 : memref<!tpu.dma_semaphore, #tpu.memory_space<semaphore_mem>>)
    %dma_start3A_54 = arith.constant 0 : i32
    %dma_start3A_55 = tpu.memref_slice %arg15[%mul3A_40, %dma_start3A_54] : memref<10112x16xf32, #tpu.memory_space<vmem_shared>> -> memref<632x16xf32, #tpu.memory_space<vmem_shared>>
    tpu.enqueue_dma source(%arg6 : memref<632x16xf32, #tpu.memory_space<hbm>>) target(%dma_start3A_55 : memref<632x16xf32, #tpu.memory_space<vmem_shared>>) target_semaphore(%arg19 : memref<!tpu.dma_semaphore, #tpu.memory_space<semaphore_mem>>)
    %dma_wait3A = arith.constant 0 : i32
    %dma_wait3A_56 = tpu.memref_slice %arg14[%mul3A_40, %dma_wait3A] : memref<10112x64xf32, #tpu.memory_space<vmem_shared>> -> memref<632x64xf32, #tpu.memory_space<vmem_shared>>
    tpu.wait_dma2 semaphore(%arg18 : memref<!tpu.dma_semaphore, #tpu.memory_space<semaphore_mem>>) src(%arg5 : memref<632x64xf32, #tpu.memory_space<hbm>>) dst(%dma_wait3A_56 : memref<632x64xf32, #tpu.memory_space<vmem_shared>>)
    %dma_wait3A_57 = arith.constant 0 : i32
    %dma_wait3A_58 = tpu.memref_slice %arg15[%mul3A_40, %dma_wait3A_57] : memref<10112x16xf32, #tpu.memory_space<vmem_shared>> -> memref<632x16xf32, #tpu.memory_space<vmem_shared>>
    tpu.wait_dma2 semaphore(%arg19 : memref<!tpu.dma_semaphore, #tpu.memory_space<semaphore_mem>>) src(%arg6 : memref<632x16xf32, #tpu.memory_space<hbm>>) dst(%dma_wait3A_58 : memref<632x16xf32, #tpu.memory_space<vmem_shared>>)
    %barrier3A = arith.constant 0 : index
    tpu.barrier barrier_id(%barrier3A)
    %scan3A_59 = arith.constant 0 : i32
    %scan3A_60 = arith.constant 0 : i32
    %scan3A_61 = arith.constant 20 : i32
    %scan3A_62 = arith.addi %scan3A_60, %scan3A_61 : i32
    %scan3A_63 = arith.constant 1 : i32
    %scan3A_64 = scf.for %scan3A_197 = %scan3A_60 to %scan3A_62 step %scan3A_63 iter_args(%scan3A_198 = %scan3A_59) -> (i32)  : i32 {
      %rem3A_199 = arith.constant 2 : i32
      %rem3A_200 = arith.remsi %scan3A_197, %rem3A_199 : i32
      %mul3A_201 = arith.constant 16 : i32
      %mul3A_202 = arith.muli %scan3A_197, %mul3A_201 : i32
      %dma_wait3A_203 = arith.constant 0 : i32
      %dma_wait3A_204 = arith.constant 0 : i32
      %dma_wait3A_205 = tpu.memref_slice %arg9[%rem3A_200, %dma_wait3A_203, %dma_wait3A_204] : memref<2x16x64xi32, #tpu.memory_space<vmem>> -> memref<1x16x64xi32, #tpu.memory_space<vmem>>
      %dma_wait3A_206 = tpu.memref_squeeze %dma_wait3A_205 : memref<1x16x64xi32, #tpu.memory_space<vmem>> -> memref<16x64xi32, #tpu.memory_space<vmem>>
      %dma_wait3A_207 = arith.constant 0 : i32
      %dma_wait3A_208 = tpu.memref_slice %arg3[%arg1, %mul3A_202, %dma_wait3A_207] : memref<16x320x64xi32, #tpu.memory_space<hbm>> -> memref<1x16x64xi32, #tpu.memory_space<hbm>>
      %dma_wait3A_209 = tpu.memref_squeeze %dma_wait3A_208 : memref<1x16x64xi32, #tpu.memory_space<hbm>> -> memref<16x64xi32, #tpu.memory_space<hbm>>
      %dma_wait3A_210 = arith.constant 0 : i32
      %dma_wait3A_211 = arith.constant 0 : i32
      %dma_wait3A_212 = tpu.memref_slice %arg9[%rem3A_200, %dma_wait3A_210, %dma_wait3A_211] : memref<2x16x64xi32, #tpu.memory_space<vmem>> -> memref<1x16x64xi32, #tpu.memory_space<vmem>>
      %dma_wait3A_213 = tpu.memref_squeeze %dma_wait3A_212 : memref<1x16x64xi32, #tpu.memory_space<vmem>> -> memref<16x64xi32, #tpu.memory_space<vmem>>
      %dma_wait3A_214 = arith.constant 0 : i32
      %dma_wait3A_215 = tpu.memref_slice %arg3[%arg1, %mul3A_202, %dma_wait3A_214] : memref<16x320x64xi32, #tpu.memory_space<hbm>> -> memref<1x16x64xi32, #tpu.memory_space<hbm>>
      %dma_wait3A_216 = tpu.memref_squeeze %dma_wait3A_215 : memref<1x16x64xi32, #tpu.memory_space<hbm>> -> memref<16x64xi32, #tpu.memory_space<hbm>>
      tpu.wait_dma2 semaphore(%arg16 : memref<!tpu.dma_semaphore, #tpu.memory_space<semaphore_mem>>) src(%dma_wait3A_216 : memref<16x64xi32, #tpu.memory_space<hbm>>) dst(%dma_wait3A_213 : memref<16x64xi32, #tpu.memory_space<vmem>>)
      %mul3A_217 = arith.constant 16 : i32
      %mul3A_218 = arith.muli %scan3A_197, %mul3A_217 : i32
      %dma_wait3A_219 = arith.constant 0 : i32
      %dma_wait3A_220 = arith.constant 0 : i32
      %dma_wait3A_221 = tpu.memref_slice %arg10[%rem3A_200, %dma_wait3A_219, %dma_wait3A_220] : memref<2x16x64xi32, #tpu.memory_space<vmem>> -> memref<1x16x64xi32, #tpu.memory_space<vmem>>
      %dma_wait3A_222 = tpu.memref_squeeze %dma_wait3A_221 : memref<1x16x64xi32, #tpu.memory_space<vmem>> -> memref<16x64xi32, #tpu.memory_space<vmem>>
      %dma_wait3A_223 = arith.constant 0 : i32
      %dma_wait3A_224 = tpu.memref_slice %arg4[%arg1, %mul3A_218, %dma_wait3A_223] : memref<16x320x64xi32, #tpu.memory_space<hbm>> -> memref<1x16x64xi32, #tpu.memory_space<hbm>>
      %dma_wait3A_225 = tpu.memref_squeeze %dma_wait3A_224 : memref<1x16x64xi32, #tpu.memory_space<hbm>> -> memref<16x64xi32, #tpu.memory_space<hbm>>
      %dma_wait3A_226 = arith.constant 0 : i32
      %dma_wait3A_227 = arith.constant 0 : i32
      %dma_wait3A_228 = tpu.memref_slice %arg10[%rem3A_200, %dma_wait3A_226, %dma_wait3A_227] : memref<2x16x64xi32, #tpu.memory_space<vmem>> -> memref<1x16x64xi32, #tpu.memory_space<vmem>>
      %dma_wait3A_229 = tpu.memref_squeeze %dma_wait3A_228 : memref<1x16x64xi32, #tpu.memory_space<vmem>> -> memref<16x64xi32, #tpu.memory_space<vmem>>
      %dma_wait3A_230 = arith.constant 0 : i32
      %dma_wait3A_231 = tpu.memref_slice %arg4[%arg1, %mul3A_218, %dma_wait3A_230] : memref<16x320x64xi32, #tpu.memory_space<hbm>> -> memref<1x16x64xi32, #tpu.memory_space<hbm>>
      %dma_wait3A_232 = tpu.memref_squeeze %dma_wait3A_231 : memref<1x16x64xi32, #tpu.memory_space<hbm>> -> memref<16x64xi32, #tpu.memory_space<hbm>>
      tpu.wait_dma2 semaphore(%arg16 : memref<!tpu.dma_semaphore, #tpu.memory_space<semaphore_mem>>) src(%dma_wait3A_232 : memref<16x64xi32, #tpu.memory_space<hbm>>) dst(%dma_wait3A_229 : memref<16x64xi32, #tpu.memory_space<vmem>>)
      %sub3A = arith.constant 1 : i32
      %sub3A_233 = arith.subi %sub3A, %rem3A_200 : i32
      %gt3A_234 = arith.constant 0 : i32
      %gt3A_235 = arith.cmpi sgt, %scan3A_197, %gt3A_234 : i32
      %convert_element_type3A_236 = arith.extui %gt3A_235 : i1 to i32
      %cond3A_237 = arith.constant 0 : i32
      %cond3A_238 = arith.cmpi ne, %convert_element_type3A_236, %cond3A_237 : i32
      scf.if %cond3A_238 {
        %dma_wait3A_1152 = arith.constant 0 : i32
        %dma_wait3A_1153 = arith.constant 8 : i32
        %dma_wait3A_1154 = arith.constant 0 : i32
        %dma_wait3A_1155 = arith.constant 0 : i32
        %dma_wait3A_1156 = tpu.memref_slice %arg11[%dma_wait3A_1152, %dma_wait3A_1154, %dma_wait3A_1155] : memref<8x64x64xf32, #tpu.memory_space<vmem>> -> memref<1x64x64xf32, #tpu.memory_space<vmem>>
        %dma_wait3A_1157 = tpu.memref_squeeze %dma_wait3A_1156 : memref<1x64x64xf32, #tpu.memory_space<vmem>> -> memref<64x64xf32, #tpu.memory_space<vmem>>
        %dma_wait3A_1158 = arith.constant 0 : i32
        %dma_wait3A_1159 = arith.constant 0 : i32
        %dma_wait3A_1160 = tpu.memref_slice %arg10[%sub3A_233, %dma_wait3A_1158, %dma_wait3A_1159] : memref<2x16x64xi32, #tpu.memory_space<vmem>> -> memref<1x16x64xi32, #tpu.memory_space<vmem>>
        %dma_wait3A_1161 = tpu.memref_squeeze %dma_wait3A_1160 : memref<1x16x64xi32, #tpu.memory_space<vmem>> -> memref<16x64xi32, #tpu.memory_space<vmem>>
        %dma_wait3A_1162 = arith.constant 0 : i32
        %dma_wait3A_1163 = tpu.memref_slice %dma_wait3A_1161[%dma_wait3A_1153, %dma_wait3A_1162] : memref<16x64xi32, #tpu.memory_space<vmem>> -> memref<1x64xi32, #tpu.memory_space<vmem>>
        %dma_wait3A_1164 = tpu.memref_squeeze %dma_wait3A_1163 : memref<1x64xi32, #tpu.memory_space<vmem>> -> memref<64xi32, #tpu.memory_space<vmem>>
        %dma_wait3A_1165 = arith.constant 0 : i32
        %dma_wait3A_1166 = arith.constant 0 : i32
        %dma_wait3A_1167 = tpu.memref_slice %arg14[%dma_wait3A_1165, %dma_wait3A_1166] : memref<10112x64xf32, #tpu.memory_space<vmem_shared>> -> memref<10112x64xf32, #tpu.memory_space<vmem_shared>>
        tpu.wait_indirect_dma semaphore(%arg25 : memref<!tpu.dma_semaphore, #tpu.memory_space<semaphore_mem>>) src(%dma_wait3A_1157 : memref<64x64xf32, #tpu.memory_space<vmem>>) dst(%dma_wait3A_1167 : memref<10112x64xf32, #tpu.memory_space<vmem_shared>>)
        %dma_wait3A_1168 = arith.constant 1 : i32
        %dma_wait3A_1169 = arith.constant 9 : i32
        %dma_wait3A_1170 = arith.constant 0 : i32
        %dma_wait3A_1171 = arith.constant 0 : i32
        %dma_wait3A_1172 = tpu.memref_slice %arg11[%dma_wait3A_1168, %dma_wait3A_1170, %dma_wait3A_1171] : memref<8x64x64xf32, #tpu.memory_space<vmem>> -> memref<1x64x64xf32, #tpu.memory_space<vmem>>
        %dma_wait3A_1173 = tpu.memref_squeeze %dma_wait3A_1172 : memref<1x64x64xf32, #tpu.memory_space<vmem>> -> memref<64x64xf32, #tpu.memory_space<vmem>>
        %dma_wait3A_1174 = arith.constant 0 : i32
        %dma_wait3A_1175 = arith.constant 0 : i32
        %dma_wait3A_1176 = tpu.memref_slice %arg10[%sub3A_233, %dma_wait3A_1174, %dma_wait3A_1175] : memref<2x16x64xi32, #tpu.memory_space<vmem>> -> memref<1x16x64xi32, #tpu.memory_space<vmem>>
        %dma_wait3A_1177 = tpu.memref_squeeze %dma_wait3A_1176 : memref<1x16x64xi32, #tpu.memory_space<vmem>> -> memref<16x64xi32, #tpu.memory_space<vmem>>
        %dma_wait3A_1178 = arith.constant 0 : i32
        %dma_wait3A_1179 = tpu.memref_slice %dma_wait3A_1177[%dma_wait3A_1169, %dma_wait3A_1178] : memref<16x64xi32, #tpu.memory_space<vmem>> -> memref<1x64xi32, #tpu.memory_space<vmem>>
        %dma_wait3A_1180 = tpu.memref_squeeze %dma_wait3A_1179 : memref<1x64xi32, #tpu.memory_space<vmem>> -> memref<64xi32, #tpu.memory_space<vmem>>
        %dma_wait3A_1181 = arith.constant 0 : i32
        %dma_wait3A_1182 = arith.constant 0 : i32
        %dma_wait3A_1183 = tpu.memref_slice %arg14[%dma_wait3A_1181, %dma_wait3A_1182] : memref<10112x64xf32, #tpu.memory_space<vmem_shared>> -> memref<10112x64xf32, #tpu.memory_space<vmem_shared>>
        tpu.wait_indirect_dma semaphore(%arg26 : memref<!tpu.dma_semaphore, #tpu.memory_space<semaphore_mem>>) src(%dma_wait3A_1173 : memref<64x64xf32, #tpu.memory_space<vmem>>) dst(%dma_wait3A_1183 : memref<10112x64xf32, #tpu.memory_space<vmem_shared>>)
        %dma_wait3A_1184 = arith.constant 2 : i32
        %dma_wait3A_1185 = arith.constant 10 : i32
        %dma_wait3A_1186 = arith.constant 0 : i32
        %dma_wait3A_1187 = arith.constant 0 : i32
        %dma_wait3A_1188 = tpu.memref_slice %arg11[%dma_wait3A_1184, %dma_wait3A_1186, %dma_wait3A_1187] : memref<8x64x64xf32, #tpu.memory_space<vmem>> -> memref<1x64x64xf32, #tpu.memory_space<vmem>>
        %dma_wait3A_1189 = tpu.memref_squeeze %dma_wait3A_1188 : memref<1x64x64xf32, #tpu.memory_space<vmem>> -> memref<64x64xf32, #tpu.memory_space<vmem>>
        %dma_wait3A_1190 = arith.constant 0 : i32
        %dma_wait3A_1191 = arith.constant 0 : i32
        %dma_wait3A_1192 = tpu.memref_slice %arg10[%sub3A_233, %dma_wait3A_1190, %dma_wait3A_1191] : memref<2x16x64xi32, #tpu.memory_space<vmem>> -> memref<1x16x64xi32, #tpu.memory_space<vmem>>
        %dma_wait3A_1193 = tpu.memref_squeeze %dma_wait3A_1192 : memref<1x16x64xi32, #tpu.memory_space<vmem>> -> memref<16x64xi32, #tpu.memory_space<vmem>>
        %dma_wait3A_1194 = arith.constant 0 : i32
        %dma_wait3A_1195 = tpu.memref_slice %dma_wait3A_1193[%dma_wait3A_1185, %dma_wait3A_1194] : memref<16x64xi32, #tpu.memory_space<vmem>> -> memref<1x64xi32, #tpu.memory_space<vmem>>
        %dma_wait3A_1196 = tpu.memref_squeeze %dma_wait3A_1195 : memref<1x64xi32, #tpu.memory_space<vmem>> -> memref<64xi32, #tpu.memory_space<vmem>>
        %dma_wait3A_1197 = arith.constant 0 : i32
        %dma_wait3A_1198 = arith.constant 0 : i32
        %dma_wait3A_1199 = tpu.memref_slice %arg14[%dma_wait3A_1197, %dma_wait3A_1198] : memref<10112x64xf32, #tpu.memory_space<vmem_shared>> -> memref<10112x64xf32, #tpu.memory_space<vmem_shared>>
        tpu.wait_indirect_dma semaphore(%arg27 : memref<!tpu.dma_semaphore, #tpu.memory_space<semaphore_mem>>) src(%dma_wait3A_1189 : memref<64x64xf32, #tpu.memory_space<vmem>>) dst(%dma_wait3A_1199 : memref<10112x64xf32, #tpu.memory_space<vmem_shared>>)
        %dma_wait3A_1200 = arith.constant 3 : i32
        %dma_wait3A_1201 = arith.constant 11 : i32
        %dma_wait3A_1202 = arith.constant 0 : i32
        %dma_wait3A_1203 = arith.constant 0 : i32
        %dma_wait3A_1204 = tpu.memref_slice %arg11[%dma_wait3A_1200, %dma_wait3A_1202, %dma_wait3A_1203] : memref<8x64x64xf32, #tpu.memory_space<vmem>> -> memref<1x64x64xf32, #tpu.memory_space<vmem>>
        %dma_wait3A_1205 = tpu.memref_squeeze %dma_wait3A_1204 : memref<1x64x64xf32, #tpu.memory_space<vmem>> -> memref<64x64xf32, #tpu.memory_space<vmem>>
        %dma_wait3A_1206 = arith.constant 0 : i32
        %dma_wait3A_1207 = arith.constant 0 : i32
        %dma_wait3A_1208 = tpu.memref_slice %arg10[%sub3A_233, %dma_wait3A_1206, %dma_wait3A_1207] : memref<2x16x64xi32, #tpu.memory_space<vmem>> -> memref<1x16x64xi32, #tpu.memory_space<vmem>>
        %dma_wait3A_1209 = tpu.memref_squeeze %dma_wait3A_1208 : memref<1x16x64xi32, #tpu.memory_space<vmem>> -> memref<16x64xi32, #tpu.memory_space<vmem>>
        %dma_wait3A_1210 = arith.constant 0 : i32
        %dma_wait3A_1211 = tpu.memref_slice %dma_wait3A_1209[%dma_wait3A_1201, %dma_wait3A_1210] : memref<16x64xi32, #tpu.memory_space<vmem>> -> memref<1x64xi32, #tpu.memory_space<vmem>>
        %dma_wait3A_1212 = tpu.memref_squeeze %dma_wait3A_1211 : memref<1x64xi32, #tpu.memory_space<vmem>> -> memref<64xi32, #tpu.memory_space<vmem>>
        %dma_wait3A_1213 = arith.constant 0 : i32
        %dma_wait3A_1214 = arith.constant 0 : i32
        %dma_wait3A_1215 = tpu.memref_slice %arg14[%dma_wait3A_1213, %dma_wait3A_1214] : memref<10112x64xf32, #tpu.memory_space<vmem_shared>> -> memref<10112x64xf32, #tpu.memory_space<vmem_shared>>
        tpu.wait_indirect_dma semaphore(%arg28 : memref<!tpu.dma_semaphore, #tpu.memory_space<semaphore_mem>>) src(%dma_wait3A_1205 : memref<64x64xf32, #tpu.memory_space<vmem>>) dst(%dma_wait3A_1215 : memref<10112x64xf32, #tpu.memory_space<vmem_shared>>)
        %dma_wait3A_1216 = arith.constant 4 : i32
        %dma_wait3A_1217 = arith.constant 12 : i32
        %dma_wait3A_1218 = arith.constant 0 : i32
        %dma_wait3A_1219 = arith.constant 0 : i32
        %dma_wait3A_1220 = tpu.memref_slice %arg11[%dma_wait3A_1216, %dma_wait3A_1218, %dma_wait3A_1219] : memref<8x64x64xf32, #tpu.memory_space<vmem>> -> memref<1x64x64xf32, #tpu.memory_space<vmem>>
        %dma_wait3A_1221 = tpu.memref_squeeze %dma_wait3A_1220 : memref<1x64x64xf32, #tpu.memory_space<vmem>> -> memref<64x64xf32, #tpu.memory_space<vmem>>
        %dma_wait3A_1222 = arith.constant 0 : i32
        %dma_wait3A_1223 = arith.constant 0 : i32
        %dma_wait3A_1224 = tpu.memref_slice %arg10[%sub3A_233, %dma_wait3A_1222, %dma_wait3A_1223] : memref<2x16x64xi32, #tpu.memory_space<vmem>> -> memref<1x16x64xi32, #tpu.memory_space<vmem>>
        %dma_wait3A_1225 = tpu.memref_squeeze %dma_wait3A_1224 : memref<1x16x64xi32, #tpu.memory_space<vmem>> -> memref<16x64xi32, #tpu.memory_space<vmem>>
        %dma_wait3A_1226 = arith.constant 0 : i32
        %dma_wait3A_1227 = tpu.memref_slice %dma_wait3A_1225[%dma_wait3A_1217, %dma_wait3A_1226] : memref<16x64xi32, #tpu.memory_space<vmem>> -> memref<1x64xi32, #tpu.memory_space<vmem>>
        %dma_wait3A_1228 = tpu.memref_squeeze %dma_wait3A_1227 : memref<1x64xi32, #tpu.memory_space<vmem>> -> memref<64xi32, #tpu.memory_space<vmem>>
        %dma_wait3A_1229 = arith.constant 0 : i32
        %dma_wait3A_1230 = arith.constant 0 : i32
        %dma_wait3A_1231 = tpu.memref_slice %arg14[%dma_wait3A_1229, %dma_wait3A_1230] : memref<10112x64xf32, #tpu.memory_space<vmem_shared>> -> memref<10112x64xf32, #tpu.memory_space<vmem_shared>>
        tpu.wait_indirect_dma semaphore(%arg29 : memref<!tpu.dma_semaphore, #tpu.memory_space<semaphore_mem>>) src(%dma_wait3A_1221 : memref<64x64xf32, #tpu.memory_space<vmem>>) dst(%dma_wait3A_1231 : memref<10112x64xf32, #tpu.memory_space<vmem_shared>>)
        %dma_wait3A_1232 = arith.constant 5 : i32
        %dma_wait3A_1233 = arith.constant 13 : i32
        %dma_wait3A_1234 = arith.constant 0 : i32
        %dma_wait3A_1235 = arith.constant 0 : i32
        %dma_wait3A_1236 = tpu.memref_slice %arg11[%dma_wait3A_1232, %dma_wait3A_1234, %dma_wait3A_1235] : memref<8x64x64xf32, #tpu.memory_space<vmem>> -> memref<1x64x64xf32, #tpu.memory_space<vmem>>
        %dma_wait3A_1237 = tpu.memref_squeeze %dma_wait3A_1236 : memref<1x64x64xf32, #tpu.memory_space<vmem>> -> memref<64x64xf32, #tpu.memory_space<vmem>>
        %dma_wait3A_1238 = arith.constant 0 : i32
        %dma_wait3A_1239 = arith.constant 0 : i32
        %dma_wait3A_1240 = tpu.memref_slice %arg10[%sub3A_233, %dma_wait3A_1238, %dma_wait3A_1239] : memref<2x16x64xi32, #tpu.memory_space<vmem>> -> memref<1x16x64xi32, #tpu.memory_space<vmem>>
        %dma_wait3A_1241 = tpu.memref_squeeze %dma_wait3A_1240 : memref<1x16x64xi32, #tpu.memory_space<vmem>> -> memref<16x64xi32, #tpu.memory_space<vmem>>
        %dma_wait3A_1242 = arith.constant 0 : i32
        %dma_wait3A_1243 = tpu.memref_slice %dma_wait3A_1241[%dma_wait3A_1233, %dma_wait3A_1242] : memref<16x64xi32, #tpu.memory_space<vmem>> -> memref<1x64xi32, #tpu.memory_space<vmem>>
        %dma_wait3A_1244 = tpu.memref_squeeze %dma_wait3A_1243 : memref<1x64xi32, #tpu.memory_space<vmem>> -> memref<64xi32, #tpu.memory_space<vmem>>
        %dma_wait3A_1245 = arith.constant 0 : i32
        %dma_wait3A_1246 = arith.constant 0 : i32
        %dma_wait3A_1247 = tpu.memref_slice %arg14[%dma_wait3A_1245, %dma_wait3A_1246] : memref<10112x64xf32, #tpu.memory_space<vmem_shared>> -> memref<10112x64xf32, #tpu.memory_space<vmem_shared>>
        tpu.wait_indirect_dma semaphore(%arg30 : memref<!tpu.dma_semaphore, #tpu.memory_space<semaphore_mem>>) src(%dma_wait3A_1237 : memref<64x64xf32, #tpu.memory_space<vmem>>) dst(%dma_wait3A_1247 : memref<10112x64xf32, #tpu.memory_space<vmem_shared>>)
        %dma_wait3A_1248 = arith.constant 6 : i32
        %dma_wait3A_1249 = arith.constant 14 : i32
        %dma_wait3A_1250 = arith.constant 0 : i32
        %dma_wait3A_1251 = arith.constant 0 : i32
        %dma_wait3A_1252 = tpu.memref_slice %arg11[%dma_wait3A_1248, %dma_wait3A_1250, %dma_wait3A_1251] : memref<8x64x64xf32, #tpu.memory_space<vmem>> -> memref<1x64x64xf32, #tpu.memory_space<vmem>>
        %dma_wait3A_1253 = tpu.memref_squeeze %dma_wait3A_1252 : memref<1x64x64xf32, #tpu.memory_space<vmem>> -> memref<64x64xf32, #tpu.memory_space<vmem>>
        %dma_wait3A_1254 = arith.constant 0 : i32
        %dma_wait3A_1255 = arith.constant 0 : i32
        %dma_wait3A_1256 = tpu.memref_slice %arg10[%sub3A_233, %dma_wait3A_1254, %dma_wait3A_1255] : memref<2x16x64xi32, #tpu.memory_space<vmem>> -> memref<1x16x64xi32, #tpu.memory_space<vmem>>
        %dma_wait3A_1257 = tpu.memref_squeeze %dma_wait3A_1256 : memref<1x16x64xi32, #tpu.memory_space<vmem>> -> memref<16x64xi32, #tpu.memory_space<vmem>>
        %dma_wait3A_1258 = arith.constant 0 : i32
        %dma_wait3A_1259 = tpu.memref_slice %dma_wait3A_1257[%dma_wait3A_1249, %dma_wait3A_1258] : memref<16x64xi32, #tpu.memory_space<vmem>> -> memref<1x64xi32, #tpu.memory_space<vmem>>
        %dma_wait3A_1260 = tpu.memref_squeeze %dma_wait3A_1259 : memref<1x64xi32, #tpu.memory_space<vmem>> -> memref<64xi32, #tpu.memory_space<vmem>>
        %dma_wait3A_1261 = arith.constant 0 : i32
        %dma_wait3A_1262 = arith.constant 0 : i32
        %dma_wait3A_1263 = tpu.memref_slice %arg14[%dma_wait3A_1261, %dma_wait3A_1262] : memref<10112x64xf32, #tpu.memory_space<vmem_shared>> -> memref<10112x64xf32, #tpu.memory_space<vmem_shared>>
        tpu.wait_indirect_dma semaphore(%arg31 : memref<!tpu.dma_semaphore, #tpu.memory_space<semaphore_mem>>) src(%dma_wait3A_1253 : memref<64x64xf32, #tpu.memory_space<vmem>>) dst(%dma_wait3A_1263 : memref<10112x64xf32, #tpu.memory_space<vmem_shared>>)
        %dma_wait3A_1264 = arith.constant 7 : i32
        %dma_wait3A_1265 = arith.constant 15 : i32
        %dma_wait3A_1266 = arith.constant 0 : i32
        %dma_wait3A_1267 = arith.constant 0 : i32
        %dma_wait3A_1268 = tpu.memref_slice %arg11[%dma_wait3A_1264, %dma_wait3A_1266, %dma_wait3A_1267] : memref<8x64x64xf32, #tpu.memory_space<vmem>> -> memref<1x64x64xf32, #tpu.memory_space<vmem>>
        %dma_wait3A_1269 = tpu.memref_squeeze %dma_wait3A_1268 : memref<1x64x64xf32, #tpu.memory_space<vmem>> -> memref<64x64xf32, #tpu.memory_space<vmem>>
        %dma_wait3A_1270 = arith.constant 0 : i32
        %dma_wait3A_1271 = arith.constant 0 : i32
        %dma_wait3A_1272 = tpu.memref_slice %arg10[%sub3A_233, %dma_wait3A_1270, %dma_wait3A_1271] : memref<2x16x64xi32, #tpu.memory_space<vmem>> -> memref<1x16x64xi32, #tpu.memory_space<vmem>>
        %dma_wait3A_1273 = tpu.memref_squeeze %dma_wait3A_1272 : memref<1x16x64xi32, #tpu.memory_space<vmem>> -> memref<16x64xi32, #tpu.memory_space<vmem>>
        %dma_wait3A_1274 = arith.constant 0 : i32
        %dma_wait3A_1275 = tpu.memref_slice %dma_wait3A_1273[%dma_wait3A_1265, %dma_wait3A_1274] : memref<16x64xi32, #tpu.memory_space<vmem>> -> memref<1x64xi32, #tpu.memory_space<vmem>>
        %dma_wait3A_1276 = tpu.memref_squeeze %dma_wait3A_1275 : memref<1x64xi32, #tpu.memory_space<vmem>> -> memref<64xi32, #tpu.memory_space<vmem>>
        %dma_wait3A_1277 = arith.constant 0 : i32
        %dma_wait3A_1278 = arith.constant 0 : i32
        %dma_wait3A_1279 = tpu.memref_slice %arg14[%dma_wait3A_1277, %dma_wait3A_1278] : memref<10112x64xf32, #tpu.memory_space<vmem_shared>> -> memref<10112x64xf32, #tpu.memory_space<vmem_shared>>
        tpu.wait_indirect_dma semaphore(%arg32 : memref<!tpu.dma_semaphore, #tpu.memory_space<semaphore_mem>>) src(%dma_wait3A_1269 : memref<64x64xf32, #tpu.memory_space<vmem>>) dst(%dma_wait3A_1279 : memref<10112x64xf32, #tpu.memory_space<vmem_shared>>)
      } else {
      }
      %add3A_239 = arith.constant 1 : i32
      %add3A_240 = arith.addi %scan3A_197, %add3A_239 : i32
      %lt3A = arith.constant 20 : i32
      %lt3A_241 = arith.cmpi slt, %add3A_240, %lt3A : i32
      %convert_element_type3A_242 = arith.extui %lt3A_241 : i1 to i32
      %cond3A_243 = arith.constant 0 : i32
      %cond3A_244 = arith.cmpi ne, %convert_element_type3A_242, %cond3A_243 : i32
      scf.if %cond3A_244 {
        %sub3A_1152 = arith.constant 1 : i32
        %sub3A_1153 = arith.subi %sub3A_1152, %rem3A_200 : i32
        %add3A_1154 = arith.constant 1 : i32
        %add3A_1155 = arith.addi %scan3A_197, %add3A_1154 : i32
        %mul3A_1156 = arith.constant 16 : i32
        %mul3A_1157 = arith.muli %add3A_1155, %mul3A_1156 : i32
        %dma_start3A_1158 = arith.constant 0 : i32
        %dma_start3A_1159 = arith.constant 0 : i32
        %dma_start3A_1160 = tpu.memref_slice %arg9[%sub3A_1153, %dma_start3A_1158, %dma_start3A_1159] : memref<2x16x64xi32, #tpu.memory_space<vmem>> -> memref<1x16x64xi32, #tpu.memory_space<vmem>>
        %dma_start3A_1161 = tpu.memref_squeeze %dma_start3A_1160 : memref<1x16x64xi32, #tpu.memory_space<vmem>> -> memref<16x64xi32, #tpu.memory_space<vmem>>
        %dma_start3A_1162 = arith.constant 0 : i32
        %dma_start3A_1163 = tpu.memref_slice %arg3[%arg1, %mul3A_1157, %dma_start3A_1162] : memref<16x320x64xi32, #tpu.memory_space<hbm>> -> memref<1x16x64xi32, #tpu.memory_space<hbm>>
        %dma_start3A_1164 = tpu.memref_squeeze %dma_start3A_1163 : memref<1x16x64xi32, #tpu.memory_space<hbm>> -> memref<16x64xi32, #tpu.memory_space<hbm>>
        %dma_start3A_1165 = arith.constant 0 : i32
        %dma_start3A_1166 = arith.constant 0 : i32
        %dma_start3A_1167 = tpu.memref_slice %arg9[%sub3A_1153, %dma_start3A_1165, %dma_start3A_1166] : memref<2x16x64xi32, #tpu.memory_space<vmem>> -> memref<1x16x64xi32, #tpu.memory_space<vmem>>
        %dma_start3A_1168 = tpu.memref_squeeze %dma_start3A_1167 : memref<1x16x64xi32, #tpu.memory_space<vmem>> -> memref<16x64xi32, #tpu.memory_space<vmem>>
        %dma_start3A_1169 = arith.constant 0 : i32
        %dma_start3A_1170 = tpu.memref_slice %arg3[%arg1, %mul3A_1157, %dma_start3A_1169] : memref<16x320x64xi32, #tpu.memory_space<hbm>> -> memref<1x16x64xi32, #tpu.memory_space<hbm>>
        %dma_start3A_1171 = tpu.memref_squeeze %dma_start3A_1170 : memref<1x16x64xi32, #tpu.memory_space<hbm>> -> memref<16x64xi32, #tpu.memory_space<hbm>>
        tpu.enqueue_dma source(%dma_start3A_1171 : memref<16x64xi32, #tpu.memory_space<hbm>>) target(%dma_start3A_1168 : memref<16x64xi32, #tpu.memory_space<vmem>>) target_semaphore(%arg16 : memref<!tpu.dma_semaphore, #tpu.memory_space<semaphore_mem>>)
        %add3A_1172 = arith.constant 1 : i32
        %add3A_1173 = arith.addi %scan3A_197, %add3A_1172 : i32
        %mul3A_1174 = arith.constant 16 : i32
        %mul3A_1175 = arith.muli %add3A_1173, %mul3A_1174 : i32
        %dma_start3A_1176 = arith.constant 0 : i32
        %dma_start3A_1177 = arith.constant 0 : i32
        %dma_start3A_1178 = tpu.memref_slice %arg10[%sub3A_1153, %dma_start3A_1176, %dma_start3A_1177] : memref<2x16x64xi32, #tpu.memory_space<vmem>> -> memref<1x16x64xi32, #tpu.memory_space<vmem>>
        %dma_start3A_1179 = tpu.memref_squeeze %dma_start3A_1178 : memref<1x16x64xi32, #tpu.memory_space<vmem>> -> memref<16x64xi32, #tpu.memory_space<vmem>>
        %dma_start3A_1180 = arith.constant 0 : i32
        %dma_start3A_1181 = tpu.memref_slice %arg4[%arg1, %mul3A_1175, %dma_start3A_1180] : memref<16x320x64xi32, #tpu.memory_space<hbm>> -> memref<1x16x64xi32, #tpu.memory_space<hbm>>
        %dma_start3A_1182 = tpu.memref_squeeze %dma_start3A_1181 : memref<1x16x64xi32, #tpu.memory_space<hbm>> -> memref<16x64xi32, #tpu.memory_space<hbm>>
        %dma_start3A_1183 = arith.constant 0 : i32
        %dma_start3A_1184 = arith.constant 0 : i32
        %dma_start3A_1185 = tpu.memref_slice %arg10[%sub3A_1153, %dma_start3A_1183, %dma_start3A_1184] : memref<2x16x64xi32, #tpu.memory_space<vmem>> -> memref<1x16x64xi32, #tpu.memory_space<vmem>>
        %dma_start3A_1186 = tpu.memref_squeeze %dma_start3A_1185 : memref<1x16x64xi32, #tpu.memory_space<vmem>> -> memref<16x64xi32, #tpu.memory_space<vmem>>
        %dma_start3A_1187 = arith.constant 0 : i32
        %dma_start3A_1188 = tpu.memref_slice %arg4[%arg1, %mul3A_1175, %dma_start3A_1187] : memref<16x320x64xi32, #tpu.memory_space<hbm>> -> memref<1x16x64xi32, #tpu.memory_space<hbm>>
        %dma_start3A_1189 = tpu.memref_squeeze %dma_start3A_1188 : memref<1x16x64xi32, #tpu.memory_space<hbm>> -> memref<16x64xi32, #tpu.memory_space<hbm>>
        tpu.enqueue_dma source(%dma_start3A_1189 : memref<16x64xi32, #tpu.memory_space<hbm>>) target(%dma_start3A_1186 : memref<16x64xi32, #tpu.memory_space<vmem>>) target_semaphore(%arg16 : memref<!tpu.dma_semaphore, #tpu.memory_space<semaphore_mem>>)
      } else {
      }
      %eq3A = arith.constant 0 : i32
      %eq3A_245 = arith.cmpi eq, %arg0, %eq3A : i32
      %lt3A_246 = arith.constant 10 : i32
      %lt3A_247 = arith.cmpi slt, %scan3A_197, %lt3A_246 : i32
      %ge3A = arith.constant 10 : i32
      %ge3A_248 = arith.cmpi sge, %scan3A_197, %ge3A : i32
      %select_n3A = arith.select %eq3A_245, %lt3A_247, %ge3A_248 : i1
      %convert_element_type3A_249 = arith.extui %select_n3A : i1 to i32
      %cond3A_250 = arith.constant 0 : i32
      %cond3A_251 = arith.cmpi ne, %convert_element_type3A_249, %cond3A_250 : i32
      scf.if %cond3A_251 {
        %dma_start3A_1152 = arith.constant 0 : i32
        %dma_start3A_1153 = arith.constant 0 : i32
        %dma_start3A_1154 = arith.constant 0 : i32
        %dma_start3A_1155 = tpu.memref_slice %arg10[%rem3A_200, %dma_start3A_1153, %dma_start3A_1154] : memref<2x16x64xi32, #tpu.memory_space<vmem>> -> memref<1x16x64xi32, #tpu.memory_space<vmem>>
        %dma_start3A_1156 = tpu.memref_squeeze %dma_start3A_1155 : memref<1x16x64xi32, #tpu.memory_space<vmem>> -> memref<16x64xi32, #tpu.memory_space<vmem>>
        %dma_start3A_1157 = arith.constant 0 : i32
        %dma_start3A_1158 = tpu.memref_slice %dma_start3A_1156[%dma_start3A_1152, %dma_start3A_1157] : memref<16x64xi32, #tpu.memory_space<vmem>> -> memref<1x64xi32, #tpu.memory_space<vmem>>
        %dma_start3A_1159 = tpu.memref_squeeze %dma_start3A_1158 : memref<1x64xi32, #tpu.memory_space<vmem>> -> memref<64xi32, #tpu.memory_space<vmem>>
        %dma_start3A_1160 = arith.constant 0 : i32
        %dma_start3A_1161 = arith.constant 0 : i32
        %dma_start3A_1162 = tpu.memref_slice %arg15[%dma_start3A_1160, %dma_start3A_1161] : memref<10112x16xf32, #tpu.memory_space<vmem_shared>> -> memref<10112x16xf32, #tpu.memory_space<vmem_shared>>
        tpu.enqueue_indirect_dma source(%arg12 : memref<64x16xf32, #tpu.memory_space<vmem>>) target(%dma_start3A_1162 : memref<10112x16xf32, #tpu.memory_space<vmem_shared>>) offsets(%dma_start3A_1159 : memref<64xi32, #tpu.memory_space<vmem>>) semaphore(%arg33 : memref<!tpu.dma_semaphore, #tpu.memory_space<semaphore_mem>>) {add = true}
        %dma_start3A_1163 = arith.constant 1 : i32
        %dma_start3A_1164 = arith.constant 0 : i32
        %dma_start3A_1165 = arith.constant 0 : i32
        %dma_start3A_1166 = tpu.memref_slice %arg10[%rem3A_200, %dma_start3A_1164, %dma_start3A_1165] : memref<2x16x64xi32, #tpu.memory_space<vmem>> -> memref<1x16x64xi32, #tpu.memory_space<vmem>>
        %dma_start3A_1167 = tpu.memref_squeeze %dma_start3A_1166 : memref<1x16x64xi32, #tpu.memory_space<vmem>> -> memref<16x64xi32, #tpu.memory_space<vmem>>
        %dma_start3A_1168 = arith.constant 0 : i32
        %dma_start3A_1169 = tpu.memref_slice %dma_start3A_1167[%dma_start3A_1163, %dma_start3A_1168] : memref<16x64xi32, #tpu.memory_space<vmem>> -> memref<1x64xi32, #tpu.memory_space<vmem>>
        %dma_start3A_1170 = tpu.memref_squeeze %dma_start3A_1169 : memref<1x64xi32, #tpu.memory_space<vmem>> -> memref<64xi32, #tpu.memory_space<vmem>>
        %dma_start3A_1171 = arith.constant 0 : i32
        %dma_start3A_1172 = arith.constant 0 : i32
        %dma_start3A_1173 = tpu.memref_slice %arg15[%dma_start3A_1171, %dma_start3A_1172] : memref<10112x16xf32, #tpu.memory_space<vmem_shared>> -> memref<10112x16xf32, #tpu.memory_space<vmem_shared>>
        tpu.enqueue_indirect_dma source(%arg12 : memref<64x16xf32, #tpu.memory_space<vmem>>) target(%dma_start3A_1173 : memref<10112x16xf32, #tpu.memory_space<vmem_shared>>) offsets(%dma_start3A_1170 : memref<64xi32, #tpu.memory_space<vmem>>) semaphore(%arg33 : memref<!tpu.dma_semaphore, #tpu.memory_space<semaphore_mem>>) {add = true}
        %dma_start3A_1174 = arith.constant 2 : i32
        %dma_start3A_1175 = arith.constant 0 : i32
        %dma_start3A_1176 = arith.constant 0 : i32
        %dma_start3A_1177 = tpu.memref_slice %arg10[%rem3A_200, %dma_start3A_1175, %dma_start3A_1176] : memref<2x16x64xi32, #tpu.memory_space<vmem>> -> memref<1x16x64xi32, #tpu.memory_space<vmem>>
        %dma_start3A_1178 = tpu.memref_squeeze %dma_start3A_1177 : memref<1x16x64xi32, #tpu.memory_space<vmem>> -> memref<16x64xi32, #tpu.memory_space<vmem>>
        %dma_start3A_1179 = arith.constant 0 : i32
        %dma_start3A_1180 = tpu.memref_slice %dma_start3A_1178[%dma_start3A_1174, %dma_start3A_1179] : memref<16x64xi32, #tpu.memory_space<vmem>> -> memref<1x64xi32, #tpu.memory_space<vmem>>
        %dma_start3A_1181 = tpu.memref_squeeze %dma_start3A_1180 : memref<1x64xi32, #tpu.memory_space<vmem>> -> memref<64xi32, #tpu.memory_space<vmem>>
        %dma_start3A_1182 = arith.constant 0 : i32
        %dma_start3A_1183 = arith.constant 0 : i32
        %dma_start3A_1184 = tpu.memref_slice %arg15[%dma_start3A_1182, %dma_start3A_1183] : memref<10112x16xf32, #tpu.memory_space<vmem_shared>> -> memref<10112x16xf32, #tpu.memory_space<vmem_shared>>
        tpu.enqueue_indirect_dma source(%arg12 : memref<64x16xf32, #tpu.memory_space<vmem>>) target(%dma_start3A_1184 : memref<10112x16xf32, #tpu.memory_space<vmem_shared>>) offsets(%dma_start3A_1181 : memref<64xi32, #tpu.memory_space<vmem>>) semaphore(%arg33 : memref<!tpu.dma_semaphore, #tpu.memory_space<semaphore_mem>>) {add = true}
        %dma_start3A_1185 = arith.constant 3 : i32
        %dma_start3A_1186 = arith.constant 0 : i32
        %dma_start3A_1187 = arith.constant 0 : i32
        %dma_start3A_1188 = tpu.memref_slice %arg10[%rem3A_200, %dma_start3A_1186, %dma_start3A_1187] : memref<2x16x64xi32, #tpu.memory_space<vmem>> -> memref<1x16x64xi32, #tpu.memory_space<vmem>>
        %dma_start3A_1189 = tpu.memref_squeeze %dma_start3A_1188 : memref<1x16x64xi32, #tpu.memory_space<vmem>> -> memref<16x64xi32, #tpu.memory_space<vmem>>
        %dma_start3A_1190 = arith.constant 0 : i32
        %dma_start3A_1191 = tpu.memref_slice %dma_start3A_1189[%dma_start3A_1185, %dma_start3A_1190] : memref<16x64xi32, #tpu.memory_space<vmem>> -> memref<1x64xi32, #tpu.memory_space<vmem>>
        %dma_start3A_1192 = tpu.memref_squeeze %dma_start3A_1191 : memref<1x64xi32, #tpu.memory_space<vmem>> -> memref<64xi32, #tpu.memory_space<vmem>>
        %dma_start3A_1193 = arith.constant 0 : i32
        %dma_start3A_1194 = arith.constant 0 : i32
        %dma_start3A_1195 = tpu.memref_slice %arg15[%dma_start3A_1193, %dma_start3A_1194] : memref<10112x16xf32, #tpu.memory_space<vmem_shared>> -> memref<10112x16xf32, #tpu.memory_space<vmem_shared>>
        tpu.enqueue_indirect_dma source(%arg12 : memref<64x16xf32, #tpu.memory_space<vmem>>) target(%dma_start3A_1195 : memref<10112x16xf32, #tpu.memory_space<vmem_shared>>) offsets(%dma_start3A_1192 : memref<64xi32, #tpu.memory_space<vmem>>) semaphore(%arg33 : memref<!tpu.dma_semaphore, #tpu.memory_space<semaphore_mem>>) {add = true}
        %dma_start3A_1196 = arith.constant 4 : i32
        %dma_start3A_1197 = arith.constant 0 : i32
        %dma_start3A_1198 = arith.constant 0 : i32
        %dma_start3A_1199 = tpu.memref_slice %arg10[%rem3A_200, %dma_start3A_1197, %dma_start3A_1198] : memref<2x16x64xi32, #tpu.memory_space<vmem>> -> memref<1x16x64xi32, #tpu.memory_space<vmem>>
        %dma_start3A_1200 = tpu.memref_squeeze %dma_start3A_1199 : memref<1x16x64xi32, #tpu.memory_space<vmem>> -> memref<16x64xi32, #tpu.memory_space<vmem>>
        %dma_start3A_1201 = arith.constant 0 : i32
        %dma_start3A_1202 = tpu.memref_slice %dma_start3A_1200[%dma_start3A_1196, %dma_start3A_1201] : memref<16x64xi32, #tpu.memory_space<vmem>> -> memref<1x64xi32, #tpu.memory_space<vmem>>
        %dma_start3A_1203 = tpu.memref_squeeze %dma_start3A_1202 : memref<1x64xi32, #tpu.memory_space<vmem>> -> memref<64xi32, #tpu.memory_space<vmem>>
        %dma_start3A_1204 = arith.constant 0 : i32
        %dma_start3A_1205 = arith.constant 0 : i32
        %dma_start3A_1206 = tpu.memref_slice %arg15[%dma_start3A_1204, %dma_start3A_1205] : memref<10112x16xf32, #tpu.memory_space<vmem_shared>> -> memref<10112x16xf32, #tpu.memory_space<vmem_shared>>
        tpu.enqueue_indirect_dma source(%arg12 : memref<64x16xf32, #tpu.memory_space<vmem>>) target(%dma_start3A_1206 : memref<10112x16xf32, #tpu.memory_space<vmem_shared>>) offsets(%dma_start3A_1203 : memref<64xi32, #tpu.memory_space<vmem>>) semaphore(%arg33 : memref<!tpu.dma_semaphore, #tpu.memory_space<semaphore_mem>>) {add = true}
        %dma_start3A_1207 = arith.constant 5 : i32
        %dma_start3A_1208 = arith.constant 0 : i32
        %dma_start3A_1209 = arith.constant 0 : i32
        %dma_start3A_1210 = tpu.memref_slice %arg10[%rem3A_200, %dma_start3A_1208, %dma_start3A_1209] : memref<2x16x64xi32, #tpu.memory_space<vmem>> -> memref<1x16x64xi32, #tpu.memory_space<vmem>>
        %dma_start3A_1211 = tpu.memref_squeeze %dma_start3A_1210 : memref<1x16x64xi32, #tpu.memory_space<vmem>> -> memref<16x64xi32, #tpu.memory_space<vmem>>
        %dma_start3A_1212 = arith.constant 0 : i32
        %dma_start3A_1213 = tpu.memref_slice %dma_start3A_1211[%dma_start3A_1207, %dma_start3A_1212] : memref<16x64xi32, #tpu.memory_space<vmem>> -> memref<1x64xi32, #tpu.memory_space<vmem>>
        %dma_start3A_1214 = tpu.memref_squeeze %dma_start3A_1213 : memref<1x64xi32, #tpu.memory_space<vmem>> -> memref<64xi32, #tpu.memory_space<vmem>>
        %dma_start3A_1215 = arith.constant 0 : i32
        %dma_start3A_1216 = arith.constant 0 : i32
        %dma_start3A_1217 = tpu.memref_slice %arg15[%dma_start3A_1215, %dma_start3A_1216] : memref<10112x16xf32, #tpu.memory_space<vmem_shared>> -> memref<10112x16xf32, #tpu.memory_space<vmem_shared>>
        tpu.enqueue_indirect_dma source(%arg12 : memref<64x16xf32, #tpu.memory_space<vmem>>) target(%dma_start3A_1217 : memref<10112x16xf32, #tpu.memory_space<vmem_shared>>) offsets(%dma_start3A_1214 : memref<64xi32, #tpu.memory_space<vmem>>) semaphore(%arg33 : memref<!tpu.dma_semaphore, #tpu.memory_space<semaphore_mem>>) {add = true}
        %dma_start3A_1218 = arith.constant 6 : i32
        %dma_start3A_1219 = arith.constant 0 : i32
        %dma_start3A_1220 = arith.constant 0 : i32
        %dma_start3A_1221 = tpu.memref_slice %arg10[%rem3A_200, %dma_start3A_1219, %dma_start3A_1220] : memref<2x16x64xi32, #tpu.memory_space<vmem>> -> memref<1x16x64xi32, #tpu.memory_space<vmem>>
        %dma_start3A_1222 = tpu.memref_squeeze %dma_start3A_1221 : memref<1x16x64xi32, #tpu.memory_space<vmem>> -> memref<16x64xi32, #tpu.memory_space<vmem>>
        %dma_start3A_1223 = arith.constant 0 : i32
        %dma_start3A_1224 = tpu.memref_slice %dma_start3A_1222[%dma_start3A_1218, %dma_start3A_1223] : memref<16x64xi32, #tpu.memory_space<vmem>> -> memref<1x64xi32, #tpu.memory_space<vmem>>
        %dma_start3A_1225 = tpu.memref_squeeze %dma_start3A_1224 : memref<1x64xi32, #tpu.memory_space<vmem>> -> memref<64xi32, #tpu.memory_space<vmem>>
        %dma_start3A_1226 = arith.constant 0 : i32
        %dma_start3A_1227 = arith.constant 0 : i32
        %dma_start3A_1228 = tpu.memref_slice %arg15[%dma_start3A_1226, %dma_start3A_1227] : memref<10112x16xf32, #tpu.memory_space<vmem_shared>> -> memref<10112x16xf32, #tpu.memory_space<vmem_shared>>
        tpu.enqueue_indirect_dma source(%arg12 : memref<64x16xf32, #tpu.memory_space<vmem>>) target(%dma_start3A_1228 : memref<10112x16xf32, #tpu.memory_space<vmem_shared>>) offsets(%dma_start3A_1225 : memref<64xi32, #tpu.memory_space<vmem>>) semaphore(%arg33 : memref<!tpu.dma_semaphore, #tpu.memory_space<semaphore_mem>>) {add = true}
        %dma_start3A_1229 = arith.constant 7 : i32
        %dma_start3A_1230 = arith.constant 0 : i32
        %dma_start3A_1231 = arith.constant 0 : i32
        %dma_start3A_1232 = tpu.memref_slice %arg10[%rem3A_200, %dma_start3A_1230, %dma_start3A_1231] : memref<2x16x64xi32, #tpu.memory_space<vmem>> -> memref<1x16x64xi32, #tpu.memory_space<vmem>>
        %dma_start3A_1233 = tpu.memref_squeeze %dma_start3A_1232 : memref<1x16x64xi32, #tpu.memory_space<vmem>> -> memref<16x64xi32, #tpu.memory_space<vmem>>
        %dma_start3A_1234 = arith.constant 0 : i32
        %dma_start3A_1235 = tpu.memref_slice %dma_start3A_1233[%dma_start3A_1229, %dma_start3A_1234] : memref<16x64xi32, #tpu.memory_space<vmem>> -> memref<1x64xi32, #tpu.memory_space<vmem>>
        %dma_start3A_1236 = tpu.memref_squeeze %dma_start3A_1235 : memref<1x64xi32, #tpu.memory_space<vmem>> -> memref<64xi32, #tpu.memory_space<vmem>>
        %dma_start3A_1237 = arith.constant 0 : i32
        %dma_start3A_1238 = arith.constant 0 : i32
        %dma_start3A_1239 = tpu.memref_slice %arg15[%dma_start3A_1237, %dma_start3A_1238] : memref<10112x16xf32, #tpu.memory_space<vmem_shared>> -> memref<10112x16xf32, #tpu.memory_space<vmem_shared>>
        tpu.enqueue_indirect_dma source(%arg12 : memref<64x16xf32, #tpu.memory_space<vmem>>) target(%dma_start3A_1239 : memref<10112x16xf32, #tpu.memory_space<vmem_shared>>) offsets(%dma_start3A_1236 : memref<64xi32, #tpu.memory_space<vmem>>) semaphore(%arg33 : memref<!tpu.dma_semaphore, #tpu.memory_space<semaphore_mem>>) {add = true}
        %dma_start3A_1240 = arith.constant 8 : i32
        %dma_start3A_1241 = arith.constant 0 : i32
        %dma_start3A_1242 = arith.constant 0 : i32
        %dma_start3A_1243 = tpu.memref_slice %arg10[%rem3A_200, %dma_start3A_1241, %dma_start3A_1242] : memref<2x16x64xi32, #tpu.memory_space<vmem>> -> memref<1x16x64xi32, #tpu.memory_space<vmem>>
        %dma_start3A_1244 = tpu.memref_squeeze %dma_start3A_1243 : memref<1x16x64xi32, #tpu.memory_space<vmem>> -> memref<16x64xi32, #tpu.memory_space<vmem>>
        %dma_start3A_1245 = arith.constant 0 : i32
        %dma_start3A_1246 = tpu.memref_slice %dma_start3A_1244[%dma_start3A_1240, %dma_start3A_1245] : memref<16x64xi32, #tpu.memory_space<vmem>> -> memref<1x64xi32, #tpu.memory_space<vmem>>
        %dma_start3A_1247 = tpu.memref_squeeze %dma_start3A_1246 : memref<1x64xi32, #tpu.memory_space<vmem>> -> memref<64xi32, #tpu.memory_space<vmem>>
        %dma_start3A_1248 = arith.constant 0 : i32
        %dma_start3A_1249 = arith.constant 0 : i32
        %dma_start3A_1250 = tpu.memref_slice %arg15[%dma_start3A_1248, %dma_start3A_1249] : memref<10112x16xf32, #tpu.memory_space<vmem_shared>> -> memref<10112x16xf32, #tpu.memory_space<vmem_shared>>
        tpu.enqueue_indirect_dma source(%arg12 : memref<64x16xf32, #tpu.memory_space<vmem>>) target(%dma_start3A_1250 : memref<10112x16xf32, #tpu.memory_space<vmem_shared>>) offsets(%dma_start3A_1247 : memref<64xi32, #tpu.memory_space<vmem>>) semaphore(%arg33 : memref<!tpu.dma_semaphore, #tpu.memory_space<semaphore_mem>>) {add = true}
        %dma_start3A_1251 = arith.constant 9 : i32
        %dma_start3A_1252 = arith.constant 0 : i32
        %dma_start3A_1253 = arith.constant 0 : i32
        %dma_start3A_1254 = tpu.memref_slice %arg10[%rem3A_200, %dma_start3A_1252, %dma_start3A_1253] : memref<2x16x64xi32, #tpu.memory_space<vmem>> -> memref<1x16x64xi32, #tpu.memory_space<vmem>>
        %dma_start3A_1255 = tpu.memref_squeeze %dma_start3A_1254 : memref<1x16x64xi32, #tpu.memory_space<vmem>> -> memref<16x64xi32, #tpu.memory_space<vmem>>
        %dma_start3A_1256 = arith.constant 0 : i32
        %dma_start3A_1257 = tpu.memref_slice %dma_start3A_1255[%dma_start3A_1251, %dma_start3A_1256] : memref<16x64xi32, #tpu.memory_space<vmem>> -> memref<1x64xi32, #tpu.memory_space<vmem>>
        %dma_start3A_1258 = tpu.memref_squeeze %dma_start3A_1257 : memref<1x64xi32, #tpu.memory_space<vmem>> -> memref<64xi32, #tpu.memory_space<vmem>>
        %dma_start3A_1259 = arith.constant 0 : i32
        %dma_start3A_1260 = arith.constant 0 : i32
        %dma_start3A_1261 = tpu.memref_slice %arg15[%dma_start3A_1259, %dma_start3A_1260] : memref<10112x16xf32, #tpu.memory_space<vmem_shared>> -> memref<10112x16xf32, #tpu.memory_space<vmem_shared>>
        tpu.enqueue_indirect_dma source(%arg12 : memref<64x16xf32, #tpu.memory_space<vmem>>) target(%dma_start3A_1261 : memref<10112x16xf32, #tpu.memory_space<vmem_shared>>) offsets(%dma_start3A_1258 : memref<64xi32, #tpu.memory_space<vmem>>) semaphore(%arg33 : memref<!tpu.dma_semaphore, #tpu.memory_space<semaphore_mem>>) {add = true}
        %dma_start3A_1262 = arith.constant 10 : i32
        %dma_start3A_1263 = arith.constant 0 : i32
        %dma_start3A_1264 = arith.constant 0 : i32
        %dma_start3A_1265 = tpu.memref_slice %arg10[%rem3A_200, %dma_start3A_1263, %dma_start3A_1264] : memref<2x16x64xi32, #tpu.memory_space<vmem>> -> memref<1x16x64xi32, #tpu.memory_space<vmem>>
        %dma_start3A_1266 = tpu.memref_squeeze %dma_start3A_1265 : memref<1x16x64xi32, #tpu.memory_space<vmem>> -> memref<16x64xi32, #tpu.memory_space<vmem>>
        %dma_start3A_1267 = arith.constant 0 : i32
        %dma_start3A_1268 = tpu.memref_slice %dma_start3A_1266[%dma_start3A_1262, %dma_start3A_1267] : memref<16x64xi32, #tpu.memory_space<vmem>> -> memref<1x64xi32, #tpu.memory_space<vmem>>
        %dma_start3A_1269 = tpu.memref_squeeze %dma_start3A_1268 : memref<1x64xi32, #tpu.memory_space<vmem>> -> memref<64xi32, #tpu.memory_space<vmem>>
        %dma_start3A_1270 = arith.constant 0 : i32
        %dma_start3A_1271 = arith.constant 0 : i32
        %dma_start3A_1272 = tpu.memref_slice %arg15[%dma_start3A_1270, %dma_start3A_1271] : memref<10112x16xf32, #tpu.memory_space<vmem_shared>> -> memref<10112x16xf32, #tpu.memory_space<vmem_shared>>
        tpu.enqueue_indirect_dma source(%arg12 : memref<64x16xf32, #tpu.memory_space<vmem>>) target(%dma_start3A_1272 : memref<10112x16xf32, #tpu.memory_space<vmem_shared>>) offsets(%dma_start3A_1269 : memref<64xi32, #tpu.memory_space<vmem>>) semaphore(%arg33 : memref<!tpu.dma_semaphore, #tpu.memory_space<semaphore_mem>>) {add = true}
        %dma_start3A_1273 = arith.constant 11 : i32
        %dma_start3A_1274 = arith.constant 0 : i32
        %dma_start3A_1275 = arith.constant 0 : i32
        %dma_start3A_1276 = tpu.memref_slice %arg10[%rem3A_200, %dma_start3A_1274, %dma_start3A_1275] : memref<2x16x64xi32, #tpu.memory_space<vmem>> -> memref<1x16x64xi32, #tpu.memory_space<vmem>>
        %dma_start3A_1277 = tpu.memref_squeeze %dma_start3A_1276 : memref<1x16x64xi32, #tpu.memory_space<vmem>> -> memref<16x64xi32, #tpu.memory_space<vmem>>
        %dma_start3A_1278 = arith.constant 0 : i32
        %dma_start3A_1279 = tpu.memref_slice %dma_start3A_1277[%dma_start3A_1273, %dma_start3A_1278] : memref<16x64xi32, #tpu.memory_space<vmem>> -> memref<1x64xi32, #tpu.memory_space<vmem>>
        %dma_start3A_1280 = tpu.memref_squeeze %dma_start3A_1279 : memref<1x64xi32, #tpu.memory_space<vmem>> -> memref<64xi32, #tpu.memory_space<vmem>>
        %dma_start3A_1281 = arith.constant 0 : i32
        %dma_start3A_1282 = arith.constant 0 : i32
        %dma_start3A_1283 = tpu.memref_slice %arg15[%dma_start3A_1281, %dma_start3A_1282] : memref<10112x16xf32, #tpu.memory_space<vmem_shared>> -> memref<10112x16xf32, #tpu.memory_space<vmem_shared>>
        tpu.enqueue_indirect_dma source(%arg12 : memref<64x16xf32, #tpu.memory_space<vmem>>) target(%dma_start3A_1283 : memref<10112x16xf32, #tpu.memory_space<vmem_shared>>) offsets(%dma_start3A_1280 : memref<64xi32, #tpu.memory_space<vmem>>) semaphore(%arg33 : memref<!tpu.dma_semaphore, #tpu.memory_space<semaphore_mem>>) {add = true}
        %dma_start3A_1284 = arith.constant 12 : i32
        %dma_start3A_1285 = arith.constant 0 : i32
        %dma_start3A_1286 = arith.constant 0 : i32
        %dma_start3A_1287 = tpu.memref_slice %arg10[%rem3A_200, %dma_start3A_1285, %dma_start3A_1286] : memref<2x16x64xi32, #tpu.memory_space<vmem>> -> memref<1x16x64xi32, #tpu.memory_space<vmem>>
        %dma_start3A_1288 = tpu.memref_squeeze %dma_start3A_1287 : memref<1x16x64xi32, #tpu.memory_space<vmem>> -> memref<16x64xi32, #tpu.memory_space<vmem>>
        %dma_start3A_1289 = arith.constant 0 : i32
        %dma_start3A_1290 = tpu.memref_slice %dma_start3A_1288[%dma_start3A_1284, %dma_start3A_1289] : memref<16x64xi32, #tpu.memory_space<vmem>> -> memref<1x64xi32, #tpu.memory_space<vmem>>
        %dma_start3A_1291 = tpu.memref_squeeze %dma_start3A_1290 : memref<1x64xi32, #tpu.memory_space<vmem>> -> memref<64xi32, #tpu.memory_space<vmem>>
        %dma_start3A_1292 = arith.constant 0 : i32
        %dma_start3A_1293 = arith.constant 0 : i32
        %dma_start3A_1294 = tpu.memref_slice %arg15[%dma_start3A_1292, %dma_start3A_1293] : memref<10112x16xf32, #tpu.memory_space<vmem_shared>> -> memref<10112x16xf32, #tpu.memory_space<vmem_shared>>
        tpu.enqueue_indirect_dma source(%arg12 : memref<64x16xf32, #tpu.memory_space<vmem>>) target(%dma_start3A_1294 : memref<10112x16xf32, #tpu.memory_space<vmem_shared>>) offsets(%dma_start3A_1291 : memref<64xi32, #tpu.memory_space<vmem>>) semaphore(%arg33 : memref<!tpu.dma_semaphore, #tpu.memory_space<semaphore_mem>>) {add = true}
        %dma_start3A_1295 = arith.constant 13 : i32
        %dma_start3A_1296 = arith.constant 0 : i32
        %dma_start3A_1297 = arith.constant 0 : i32
        %dma_start3A_1298 = tpu.memref_slice %arg10[%rem3A_200, %dma_start3A_1296, %dma_start3A_1297] : memref<2x16x64xi32, #tpu.memory_space<vmem>> -> memref<1x16x64xi32, #tpu.memory_space<vmem>>
        %dma_start3A_1299 = tpu.memref_squeeze %dma_start3A_1298 : memref<1x16x64xi32, #tpu.memory_space<vmem>> -> memref<16x64xi32, #tpu.memory_space<vmem>>
        %dma_start3A_1300 = arith.constant 0 : i32
        %dma_start3A_1301 = tpu.memref_slice %dma_start3A_1299[%dma_start3A_1295, %dma_start3A_1300] : memref<16x64xi32, #tpu.memory_space<vmem>> -> memref<1x64xi32, #tpu.memory_space<vmem>>
        %dma_start3A_1302 = tpu.memref_squeeze %dma_start3A_1301 : memref<1x64xi32, #tpu.memory_space<vmem>> -> memref<64xi32, #tpu.memory_space<vmem>>
        %dma_start3A_1303 = arith.constant 0 : i32
        %dma_start3A_1304 = arith.constant 0 : i32
        %dma_start3A_1305 = tpu.memref_slice %arg15[%dma_start3A_1303, %dma_start3A_1304] : memref<10112x16xf32, #tpu.memory_space<vmem_shared>> -> memref<10112x16xf32, #tpu.memory_space<vmem_shared>>
        tpu.enqueue_indirect_dma source(%arg12 : memref<64x16xf32, #tpu.memory_space<vmem>>) target(%dma_start3A_1305 : memref<10112x16xf32, #tpu.memory_space<vmem_shared>>) offsets(%dma_start3A_1302 : memref<64xi32, #tpu.memory_space<vmem>>) semaphore(%arg33 : memref<!tpu.dma_semaphore, #tpu.memory_space<semaphore_mem>>) {add = true}
        %dma_start3A_1306 = arith.constant 14 : i32
        %dma_start3A_1307 = arith.constant 0 : i32
        %dma_start3A_1308 = arith.constant 0 : i32
        %dma_start3A_1309 = tpu.memref_slice %arg10[%rem3A_200, %dma_start3A_1307, %dma_start3A_1308] : memref<2x16x64xi32, #tpu.memory_space<vmem>> -> memref<1x16x64xi32, #tpu.memory_space<vmem>>
        %dma_start3A_1310 = tpu.memref_squeeze %dma_start3A_1309 : memref<1x16x64xi32, #tpu.memory_space<vmem>> -> memref<16x64xi32, #tpu.memory_space<vmem>>
        %dma_start3A_1311 = arith.constant 0 : i32
        %dma_start3A_1312 = tpu.memref_slice %dma_start3A_1310[%dma_start3A_1306, %dma_start3A_1311] : memref<16x64xi32, #tpu.memory_space<vmem>> -> memref<1x64xi32, #tpu.memory_space<vmem>>
        %dma_start3A_1313 = tpu.memref_squeeze %dma_start3A_1312 : memref<1x64xi32, #tpu.memory_space<vmem>> -> memref<64xi32, #tpu.memory_space<vmem>>
        %dma_start3A_1314 = arith.constant 0 : i32
        %dma_start3A_1315 = arith.constant 0 : i32
        %dma_start3A_1316 = tpu.memref_slice %arg15[%dma_start3A_1314, %dma_start3A_1315] : memref<10112x16xf32, #tpu.memory_space<vmem_shared>> -> memref<10112x16xf32, #tpu.memory_space<vmem_shared>>
        tpu.enqueue_indirect_dma source(%arg12 : memref<64x16xf32, #tpu.memory_space<vmem>>) target(%dma_start3A_1316 : memref<10112x16xf32, #tpu.memory_space<vmem_shared>>) offsets(%dma_start3A_1313 : memref<64xi32, #tpu.memory_space<vmem>>) semaphore(%arg33 : memref<!tpu.dma_semaphore, #tpu.memory_space<semaphore_mem>>) {add = true}
        %dma_start3A_1317 = arith.constant 15 : i32
        %dma_start3A_1318 = arith.constant 0 : i32
        %dma_start3A_1319 = arith.constant 0 : i32
        %dma_start3A_1320 = tpu.memref_slice %arg10[%rem3A_200, %dma_start3A_1318, %dma_start3A_1319] : memref<2x16x64xi32, #tpu.memory_space<vmem>> -> memref<1x16x64xi32, #tpu.memory_space<vmem>>
        %dma_start3A_1321 = tpu.memref_squeeze %dma_start3A_1320 : memref<1x16x64xi32, #tpu.memory_space<vmem>> -> memref<16x64xi32, #tpu.memory_space<vmem>>
        %dma_start3A_1322 = arith.constant 0 : i32
        %dma_start3A_1323 = tpu.memref_slice %dma_start3A_1321[%dma_start3A_1317, %dma_start3A_1322] : memref<16x64xi32, #tpu.memory_space<vmem>> -> memref<1x64xi32, #tpu.memory_space<vmem>>
        %dma_start3A_1324 = tpu.memref_squeeze %dma_start3A_1323 : memref<1x64xi32, #tpu.memory_space<vmem>> -> memref<64xi32, #tpu.memory_space<vmem>>
        %dma_start3A_1325 = arith.constant 0 : i32
        %dma_start3A_1326 = arith.constant 0 : i32
        %dma_start3A_1327 = tpu.memref_slice %arg15[%dma_start3A_1325, %dma_start3A_1326] : memref<10112x16xf32, #tpu.memory_space<vmem_shared>> -> memref<10112x16xf32, #tpu.memory_space<vmem_shared>>
        tpu.enqueue_indirect_dma source(%arg12 : memref<64x16xf32, #tpu.memory_space<vmem>>) target(%dma_start3A_1327 : memref<10112x16xf32, #tpu.memory_space<vmem_shared>>) offsets(%dma_start3A_1324 : memref<64xi32, #tpu.memory_space<vmem>>) semaphore(%arg33 : memref<!tpu.dma_semaphore, #tpu.memory_space<semaphore_mem>>) {add = true}
      } else {
      }
      %dma_start3A_252 = arith.constant 0 : i32
      %dma_start3A_253 = arith.constant 0 : i32
      %dma_start3A_254 = arith.constant 0 : i32
      %dma_start3A_255 = arith.constant 0 : i32
      %dma_start3A_256 = tpu.memref_slice %arg11[%dma_start3A_253, %dma_start3A_254, %dma_start3A_255] : memref<8x64x64xf32, #tpu.memory_space<vmem>> -> memref<1x64x64xf32, #tpu.memory_space<vmem>>
      %dma_start3A_257 = tpu.memref_squeeze %dma_start3A_256 : memref<1x64x64xf32, #tpu.memory_space<vmem>> -> memref<64x64xf32, #tpu.memory_space<vmem>>
      %dma_start3A_258 = arith.constant 0 : i32
      %dma_start3A_259 = arith.constant 0 : i32
      %dma_start3A_260 = tpu.memref_slice %arg9[%rem3A_200, %dma_start3A_258, %dma_start3A_259] : memref<2x16x64xi32, #tpu.memory_space<vmem>> -> memref<1x16x64xi32, #tpu.memory_space<vmem>>
      %dma_start3A_261 = tpu.memref_squeeze %dma_start3A_260 : memref<1x16x64xi32, #tpu.memory_space<vmem>> -> memref<16x64xi32, #tpu.memory_space<vmem>>
      %dma_start3A_262 = arith.constant 0 : i32
      %dma_start3A_263 = tpu.memref_slice %dma_start3A_261[%dma_start3A_252, %dma_start3A_262] : memref<16x64xi32, #tpu.memory_space<vmem>> -> memref<1x64xi32, #tpu.memory_space<vmem>>
      %dma_start3A_264 = tpu.memref_squeeze %dma_start3A_263 : memref<1x64xi32, #tpu.memory_space<vmem>> -> memref<64xi32, #tpu.memory_space<vmem>>
      %dma_start3A_265 = arith.constant 0 : i32
      %dma_start3A_266 = arith.constant 0 : i32
      %dma_start3A_267 = tpu.memref_slice %arg13[%dma_start3A_265, %dma_start3A_266] : memref<10112x64xf32, #tpu.memory_space<vmem_shared>> -> memref<10112x64xf32, #tpu.memory_space<vmem_shared>>
      tpu.enqueue_indirect_dma source(%dma_start3A_267 : memref<10112x64xf32, #tpu.memory_space<vmem_shared>>) target(%dma_start3A_257 : memref<64x64xf32, #tpu.memory_space<vmem>>) offsets(%dma_start3A_264 : memref<64xi32, #tpu.memory_space<vmem>>) semaphore(%arg17 : memref<!tpu.dma_semaphore, #tpu.memory_space<semaphore_mem>>)
      %dma_start3A_268 = arith.constant 1 : i32
      %dma_start3A_269 = arith.constant 1 : i32
      %dma_start3A_270 = arith.constant 0 : i32
      %dma_start3A_271 = arith.constant 0 : i32
      %dma_start3A_272 = tpu.memref_slice %arg11[%dma_start3A_269, %dma_start3A_270, %dma_start3A_271] : memref<8x64x64xf32, #tpu.memory_space<vmem>> -> memref<1x64x64xf32, #tpu.memory_space<vmem>>
      %dma_start3A_273 = tpu.memref_squeeze %dma_start3A_272 : memref<1x64x64xf32, #tpu.memory_space<vmem>> -> memref<64x64xf32, #tpu.memory_space<vmem>>
      %dma_start3A_274 = arith.constant 0 : i32
      %dma_start3A_275 = arith.constant 0 : i32
      %dma_start3A_276 = tpu.memref_slice %arg9[%rem3A_200, %dma_start3A_274, %dma_start3A_275] : memref<2x16x64xi32, #tpu.memory_space<vmem>> -> memref<1x16x64xi32, #tpu.memory_space<vmem>>
      %dma_start3A_277 = tpu.memref_squeeze %dma_start3A_276 : memref<1x16x64xi32, #tpu.memory_space<vmem>> -> memref<16x64xi32, #tpu.memory_space<vmem>>
      %dma_start3A_278 = arith.constant 0 : i32
      %dma_start3A_279 = tpu.memref_slice %dma_start3A_277[%dma_start3A_268, %dma_start3A_278] : memref<16x64xi32, #tpu.memory_space<vmem>> -> memref<1x64xi32, #tpu.memory_space<vmem>>
      %dma_start3A_280 = tpu.memref_squeeze %dma_start3A_279 : memref<1x64xi32, #tpu.memory_space<vmem>> -> memref<64xi32, #tpu.memory_space<vmem>>
      %dma_start3A_281 = arith.constant 0 : i32
      %dma_start3A_282 = arith.constant 0 : i32
      %dma_start3A_283 = tpu.memref_slice %arg13[%dma_start3A_281, %dma_start3A_282] : memref<10112x64xf32, #tpu.memory_space<vmem_shared>> -> memref<10112x64xf32, #tpu.memory_space<vmem_shared>>
      tpu.enqueue_indirect_dma source(%dma_start3A_283 : memref<10112x64xf32, #tpu.memory_space<vmem_shared>>) target(%dma_start3A_273 : memref<64x64xf32, #tpu.memory_space<vmem>>) offsets(%dma_start3A_280 : memref<64xi32, #tpu.memory_space<vmem>>) semaphore(%arg18 : memref<!tpu.dma_semaphore, #tpu.memory_space<semaphore_mem>>)
      %dma_start3A_284 = arith.constant 2 : i32
      %dma_start3A_285 = arith.constant 2 : i32
      %dma_start3A_286 = arith.constant 0 : i32
      %dma_start3A_287 = arith.constant 0 : i32
      %dma_start3A_288 = tpu.memref_slice %arg11[%dma_start3A_285, %dma_start3A_286, %dma_start3A_287] : memref<8x64x64xf32, #tpu.memory_space<vmem>> -> memref<1x64x64xf32, #tpu.memory_space<vmem>>
      %dma_start3A_289 = tpu.memref_squeeze %dma_start3A_288 : memref<1x64x64xf32, #tpu.memory_space<vmem>> -> memref<64x64xf32, #tpu.memory_space<vmem>>
      %dma_start3A_290 = arith.constant 0 : i32
      %dma_start3A_291 = arith.constant 0 : i32
      %dma_start3A_292 = tpu.memref_slice %arg9[%rem3A_200, %dma_start3A_290, %dma_start3A_291] : memref<2x16x64xi32, #tpu.memory_space<vmem>> -> memref<1x16x64xi32, #tpu.memory_space<vmem>>
      %dma_start3A_293 = tpu.memref_squeeze %dma_start3A_292 : memref<1x16x64xi32, #tpu.memory_space<vmem>> -> memref<16x64xi32, #tpu.memory_space<vmem>>
      %dma_start3A_294 = arith.constant 0 : i32
      %dma_start3A_295 = tpu.memref_slice %dma_start3A_293[%dma_start3A_284, %dma_start3A_294] : memref<16x64xi32, #tpu.memory_space<vmem>> -> memref<1x64xi32, #tpu.memory_space<vmem>>
      %dma_start3A_296 = tpu.memref_squeeze %dma_start3A_295 : memref<1x64xi32, #tpu.memory_space<vmem>> -> memref<64xi32, #tpu.memory_space<vmem>>
      %dma_start3A_297 = arith.constant 0 : i32
      %dma_start3A_298 = arith.constant 0 : i32
      %dma_start3A_299 = tpu.memref_slice %arg13[%dma_start3A_297, %dma_start3A_298] : memref<10112x64xf32, #tpu.memory_space<vmem_shared>> -> memref<10112x64xf32, #tpu.memory_space<vmem_shared>>
      tpu.enqueue_indirect_dma source(%dma_start3A_299 : memref<10112x64xf32, #tpu.memory_space<vmem_shared>>) target(%dma_start3A_289 : memref<64x64xf32, #tpu.memory_space<vmem>>) offsets(%dma_start3A_296 : memref<64xi32, #tpu.memory_space<vmem>>) semaphore(%arg19 : memref<!tpu.dma_semaphore, #tpu.memory_space<semaphore_mem>>)
      %dma_start3A_300 = arith.constant 3 : i32
      %dma_start3A_301 = arith.constant 3 : i32
      %dma_start3A_302 = arith.constant 0 : i32
      %dma_start3A_303 = arith.constant 0 : i32
      %dma_start3A_304 = tpu.memref_slice %arg11[%dma_start3A_301, %dma_start3A_302, %dma_start3A_303] : memref<8x64x64xf32, #tpu.memory_space<vmem>> -> memref<1x64x64xf32, #tpu.memory_space<vmem>>
      %dma_start3A_305 = tpu.memref_squeeze %dma_start3A_304 : memref<1x64x64xf32, #tpu.memory_space<vmem>> -> memref<64x64xf32, #tpu.memory_space<vmem>>
      %dma_start3A_306 = arith.constant 0 : i32
      %dma_start3A_307 = arith.constant 0 : i32
      %dma_start3A_308 = tpu.memref_slice %arg9[%rem3A_200, %dma_start3A_306, %dma_start3A_307] : memref<2x16x64xi32, #tpu.memory_space<vmem>> -> memref<1x16x64xi32, #tpu.memory_space<vmem>>
      %dma_start3A_309 = tpu.memref_squeeze %dma_start3A_308 : memref<1x16x64xi32, #tpu.memory_space<vmem>> -> memref<16x64xi32, #tpu.memory_space<vmem>>
      %dma_start3A_310 = arith.constant 0 : i32
      %dma_start3A_311 = tpu.memref_slice %dma_start3A_309[%dma_start3A_300, %dma_start3A_310] : memref<16x64xi32, #tpu.memory_space<vmem>> -> memref<1x64xi32, #tpu.memory_space<vmem>>
      %dma_start3A_312 = tpu.memref_squeeze %dma_start3A_311 : memref<1x64xi32, #tpu.memory_space<vmem>> -> memref<64xi32, #tpu.memory_space<vmem>>
      %dma_start3A_313 = arith.constant 0 : i32
      %dma_start3A_314 = arith.constant 0 : i32
      %dma_start3A_315 = tpu.memref_slice %arg13[%dma_start3A_313, %dma_start3A_314] : memref<10112x64xf32, #tpu.memory_space<vmem_shared>> -> memref<10112x64xf32, #tpu.memory_space<vmem_shared>>
      tpu.enqueue_indirect_dma source(%dma_start3A_315 : memref<10112x64xf32, #tpu.memory_space<vmem_shared>>) target(%dma_start3A_305 : memref<64x64xf32, #tpu.memory_space<vmem>>) offsets(%dma_start3A_312 : memref<64xi32, #tpu.memory_space<vmem>>) semaphore(%arg20 : memref<!tpu.dma_semaphore, #tpu.memory_space<semaphore_mem>>)
      %dma_start3A_316 = arith.constant 4 : i32
      %dma_start3A_317 = arith.constant 4 : i32
      %dma_start3A_318 = arith.constant 0 : i32
      %dma_start3A_319 = arith.constant 0 : i32
      %dma_start3A_320 = tpu.memref_slice %arg11[%dma_start3A_317, %dma_start3A_318, %dma_start3A_319] : memref<8x64x64xf32, #tpu.memory_space<vmem>> -> memref<1x64x64xf32, #tpu.memory_space<vmem>>
      %dma_start3A_321 = tpu.memref_squeeze %dma_start3A_320 : memref<1x64x64xf32, #tpu.memory_space<vmem>> -> memref<64x64xf32, #tpu.memory_space<vmem>>
      %dma_start3A_322 = arith.constant 0 : i32
      %dma_start3A_323 = arith.constant 0 : i32
      %dma_start3A_324 = tpu.memref_slice %arg9[%rem3A_200, %dma_start3A_322, %dma_start3A_323] : memref<2x16x64xi32, #tpu.memory_space<vmem>> -> memref<1x16x64xi32, #tpu.memory_space<vmem>>
      %dma_start3A_325 = tpu.memref_squeeze %dma_start3A_324 : memref<1x16x64xi32, #tpu.memory_space<vmem>> -> memref<16x64xi32, #tpu.memory_space<vmem>>
      %dma_start3A_326 = arith.constant 0 : i32
      %dma_start3A_327 = tpu.memref_slice %dma_start3A_325[%dma_start3A_316, %dma_start3A_326] : memref<16x64xi32, #tpu.memory_space<vmem>> -> memref<1x64xi32, #tpu.memory_space<vmem>>
      %dma_start3A_328 = tpu.memref_squeeze %dma_start3A_327 : memref<1x64xi32, #tpu.memory_space<vmem>> -> memref<64xi32, #tpu.memory_space<vmem>>
      %dma_start3A_329 = arith.constant 0 : i32
      %dma_start3A_330 = arith.constant 0 : i32
      %dma_start3A_331 = tpu.memref_slice %arg13[%dma_start3A_329, %dma_start3A_330] : memref<10112x64xf32, #tpu.memory_space<vmem_shared>> -> memref<10112x64xf32, #tpu.memory_space<vmem_shared>>
      tpu.enqueue_indirect_dma source(%dma_start3A_331 : memref<10112x64xf32, #tpu.memory_space<vmem_shared>>) target(%dma_start3A_321 : memref<64x64xf32, #tpu.memory_space<vmem>>) offsets(%dma_start3A_328 : memref<64xi32, #tpu.memory_space<vmem>>) semaphore(%arg21 : memref<!tpu.dma_semaphore, #tpu.memory_space<semaphore_mem>>)
      %dma_start3A_332 = arith.constant 5 : i32
      %dma_start3A_333 = arith.constant 5 : i32
      %dma_start3A_334 = arith.constant 0 : i32
      %dma_start3A_335 = arith.constant 0 : i32
      %dma_start3A_336 = tpu.memref_slice %arg11[%dma_start3A_333, %dma_start3A_334, %dma_start3A_335] : memref<8x64x64xf32, #tpu.memory_space<vmem>> -> memref<1x64x64xf32, #tpu.memory_space<vmem>>
      %dma_start3A_337 = tpu.memref_squeeze %dma_start3A_336 : memref<1x64x64xf32, #tpu.memory_space<vmem>> -> memref<64x64xf32, #tpu.memory_space<vmem>>
      %dma_start3A_338 = arith.constant 0 : i32
      %dma_start3A_339 = arith.constant 0 : i32
      %dma_start3A_340 = tpu.memref_slice %arg9[%rem3A_200, %dma_start3A_338, %dma_start3A_339] : memref<2x16x64xi32, #tpu.memory_space<vmem>> -> memref<1x16x64xi32, #tpu.memory_space<vmem>>
      %dma_start3A_341 = tpu.memref_squeeze %dma_start3A_340 : memref<1x16x64xi32, #tpu.memory_space<vmem>> -> memref<16x64xi32, #tpu.memory_space<vmem>>
      %dma_start3A_342 = arith.constant 0 : i32
      %dma_start3A_343 = tpu.memref_slice %dma_start3A_341[%dma_start3A_332, %dma_start3A_342] : memref<16x64xi32, #tpu.memory_space<vmem>> -> memref<1x64xi32, #tpu.memory_space<vmem>>
      %dma_start3A_344 = tpu.memref_squeeze %dma_start3A_343 : memref<1x64xi32, #tpu.memory_space<vmem>> -> memref<64xi32, #tpu.memory_space<vmem>>
      %dma_start3A_345 = arith.constant 0 : i32
      %dma_start3A_346 = arith.constant 0 : i32
      %dma_start3A_347 = tpu.memref_slice %arg13[%dma_start3A_345, %dma_start3A_346] : memref<10112x64xf32, #tpu.memory_space<vmem_shared>> -> memref<10112x64xf32, #tpu.memory_space<vmem_shared>>
      tpu.enqueue_indirect_dma source(%dma_start3A_347 : memref<10112x64xf32, #tpu.memory_space<vmem_shared>>) target(%dma_start3A_337 : memref<64x64xf32, #tpu.memory_space<vmem>>) offsets(%dma_start3A_344 : memref<64xi32, #tpu.memory_space<vmem>>) semaphore(%arg22 : memref<!tpu.dma_semaphore, #tpu.memory_space<semaphore_mem>>)
      %dma_start3A_348 = arith.constant 6 : i32
      %dma_start3A_349 = arith.constant 6 : i32
      %dma_start3A_350 = arith.constant 0 : i32
      %dma_start3A_351 = arith.constant 0 : i32
      %dma_start3A_352 = tpu.memref_slice %arg11[%dma_start3A_349, %dma_start3A_350, %dma_start3A_351] : memref<8x64x64xf32, #tpu.memory_space<vmem>> -> memref<1x64x64xf32, #tpu.memory_space<vmem>>
      %dma_start3A_353 = tpu.memref_squeeze %dma_start3A_352 : memref<1x64x64xf32, #tpu.memory_space<vmem>> -> memref<64x64xf32, #tpu.memory_space<vmem>>
      %dma_start3A_354 = arith.constant 0 : i32
      %dma_start3A_355 = arith.constant 0 : i32
      %dma_start3A_356 = tpu.memref_slice %arg9[%rem3A_200, %dma_start3A_354, %dma_start3A_355] : memref<2x16x64xi32, #tpu.memory_space<vmem>> -> memref<1x16x64xi32, #tpu.memory_space<vmem>>
      %dma_start3A_357 = tpu.memref_squeeze %dma_start3A_356 : memref<1x16x64xi32, #tpu.memory_space<vmem>> -> memref<16x64xi32, #tpu.memory_space<vmem>>
      %dma_start3A_358 = arith.constant 0 : i32
      %dma_start3A_359 = tpu.memref_slice %dma_start3A_357[%dma_start3A_348, %dma_start3A_358] : memref<16x64xi32, #tpu.memory_space<vmem>> -> memref<1x64xi32, #tpu.memory_space<vmem>>
      %dma_start3A_360 = tpu.memref_squeeze %dma_start3A_359 : memref<1x64xi32, #tpu.memory_space<vmem>> -> memref<64xi32, #tpu.memory_space<vmem>>
      %dma_start3A_361 = arith.constant 0 : i32
      %dma_start3A_362 = arith.constant 0 : i32
      %dma_start3A_363 = tpu.memref_slice %arg13[%dma_start3A_361, %dma_start3A_362] : memref<10112x64xf32, #tpu.memory_space<vmem_shared>> -> memref<10112x64xf32, #tpu.memory_space<vmem_shared>>
      tpu.enqueue_indirect_dma source(%dma_start3A_363 : memref<10112x64xf32, #tpu.memory_space<vmem_shared>>) target(%dma_start3A_353 : memref<64x64xf32, #tpu.memory_space<vmem>>) offsets(%dma_start3A_360 : memref<64xi32, #tpu.memory_space<vmem>>) semaphore(%arg23 : memref<!tpu.dma_semaphore, #tpu.memory_space<semaphore_mem>>)
      %dma_start3A_364 = arith.constant 7 : i32
      %dma_start3A_365 = arith.constant 7 : i32
      %dma_start3A_366 = arith.constant 0 : i32
      %dma_start3A_367 = arith.constant 0 : i32
      %dma_start3A_368 = tpu.memref_slice %arg11[%dma_start3A_365, %dma_start3A_366, %dma_start3A_367] : memref<8x64x64xf32, #tpu.memory_space<vmem>> -> memref<1x64x64xf32, #tpu.memory_space<vmem>>
      %dma_start3A_369 = tpu.memref_squeeze %dma_start3A_368 : memref<1x64x64xf32, #tpu.memory_space<vmem>> -> memref<64x64xf32, #tpu.memory_space<vmem>>
      %dma_start3A_370 = arith.constant 0 : i32
      %dma_start3A_371 = arith.constant 0 : i32
      %dma_start3A_372 = tpu.memref_slice %arg9[%rem3A_200, %dma_start3A_370, %dma_start3A_371] : memref<2x16x64xi32, #tpu.memory_space<vmem>> -> memref<1x16x64xi32, #tpu.memory_space<vmem>>
      %dma_start3A_373 = tpu.memref_squeeze %dma_start3A_372 : memref<1x16x64xi32, #tpu.memory_space<vmem>> -> memref<16x64xi32, #tpu.memory_space<vmem>>
      %dma_start3A_374 = arith.constant 0 : i32
      %dma_start3A_375 = tpu.memref_slice %dma_start3A_373[%dma_start3A_364, %dma_start3A_374] : memref<16x64xi32, #tpu.memory_space<vmem>> -> memref<1x64xi32, #tpu.memory_space<vmem>>
      %dma_start3A_376 = tpu.memref_squeeze %dma_start3A_375 : memref<1x64xi32, #tpu.memory_space<vmem>> -> memref<64xi32, #tpu.memory_space<vmem>>
      %dma_start3A_377 = arith.constant 0 : i32
      %dma_start3A_378 = arith.constant 0 : i32
      %dma_start3A_379 = tpu.memref_slice %arg13[%dma_start3A_377, %dma_start3A_378] : memref<10112x64xf32, #tpu.memory_space<vmem_shared>> -> memref<10112x64xf32, #tpu.memory_space<vmem_shared>>
      tpu.enqueue_indirect_dma source(%dma_start3A_379 : memref<10112x64xf32, #tpu.memory_space<vmem_shared>>) target(%dma_start3A_369 : memref<64x64xf32, #tpu.memory_space<vmem>>) offsets(%dma_start3A_376 : memref<64xi32, #tpu.memory_space<vmem>>) semaphore(%arg24 : memref<!tpu.dma_semaphore, #tpu.memory_space<semaphore_mem>>)
      %dma_wait3A_380 = arith.constant 0 : i32
      %dma_wait3A_381 = arith.constant 0 : i32
      %dma_wait3A_382 = arith.constant 0 : i32
      %dma_wait3A_383 = arith.constant 0 : i32
      %dma_wait3A_384 = tpu.memref_slice %arg11[%dma_wait3A_381, %dma_wait3A_382, %dma_wait3A_383] : memref<8x64x64xf32, #tpu.memory_space<vmem>> -> memref<1x64x64xf32, #tpu.memory_space<vmem>>
      %dma_wait3A_385 = tpu.memref_squeeze %dma_wait3A_384 : memref<1x64x64xf32, #tpu.memory_space<vmem>> -> memref<64x64xf32, #tpu.memory_space<vmem>>
      %dma_wait3A_386 = arith.constant 0 : i32
      %dma_wait3A_387 = arith.constant 0 : i32
      %dma_wait3A_388 = tpu.memref_slice %arg9[%rem3A_200, %dma_wait3A_386, %dma_wait3A_387] : memref<2x16x64xi32, #tpu.memory_space<vmem>> -> memref<1x16x64xi32, #tpu.memory_space<vmem>>
      %dma_wait3A_389 = tpu.memref_squeeze %dma_wait3A_388 : memref<1x16x64xi32, #tpu.memory_space<vmem>> -> memref<16x64xi32, #tpu.memory_space<vmem>>
      %dma_wait3A_390 = arith.constant 0 : i32
      %dma_wait3A_391 = tpu.memref_slice %dma_wait3A_389[%dma_wait3A_380, %dma_wait3A_390] : memref<16x64xi32, #tpu.memory_space<vmem>> -> memref<1x64xi32, #tpu.memory_space<vmem>>
      %dma_wait3A_392 = tpu.memref_squeeze %dma_wait3A_391 : memref<1x64xi32, #tpu.memory_space<vmem>> -> memref<64xi32, #tpu.memory_space<vmem>>
      %dma_wait3A_393 = arith.constant 0 : i32
      %dma_wait3A_394 = arith.constant 0 : i32
      %dma_wait3A_395 = tpu.memref_slice %arg13[%dma_wait3A_393, %dma_wait3A_394] : memref<10112x64xf32, #tpu.memory_space<vmem_shared>> -> memref<10112x64xf32, #tpu.memory_space<vmem_shared>>
      tpu.wait_indirect_dma semaphore(%arg17 : memref<!tpu.dma_semaphore, #tpu.memory_space<semaphore_mem>>) src(%dma_wait3A_395 : memref<10112x64xf32, #tpu.memory_space<vmem_shared>>) dst(%dma_wait3A_385 : memref<64x64xf32, #tpu.memory_space<vmem>>)
      %dma_start3A_396 = arith.constant 0 : i32
      %dma_start3A_397 = arith.constant 0 : i32
      %dma_start3A_398 = arith.constant 0 : i32
      %dma_start3A_399 = arith.constant 0 : i32
      %dma_start3A_400 = tpu.memref_slice %arg11[%dma_start3A_396, %dma_start3A_398, %dma_start3A_399] : memref<8x64x64xf32, #tpu.memory_space<vmem>> -> memref<1x64x64xf32, #tpu.memory_space<vmem>>
      %dma_start3A_401 = tpu.memref_squeeze %dma_start3A_400 : memref<1x64x64xf32, #tpu.memory_space<vmem>> -> memref<64x64xf32, #tpu.memory_space<vmem>>
      %dma_start3A_402 = arith.constant 0 : i32
      %dma_start3A_403 = arith.constant 0 : i32
      %dma_start3A_404 = tpu.memref_slice %arg10[%rem3A_200, %dma_start3A_402, %dma_start3A_403] : memref<2x16x64xi32, #tpu.memory_space<vmem>> -> memref<1x16x64xi32, #tpu.memory_space<vmem>>
      %dma_start3A_405 = tpu.memref_squeeze %dma_start3A_404 : memref<1x16x64xi32, #tpu.memory_space<vmem>> -> memref<16x64xi32, #tpu.memory_space<vmem>>
      %dma_start3A_406 = arith.constant 0 : i32
      %dma_start3A_407 = tpu.memref_slice %dma_start3A_405[%dma_start3A_397, %dma_start3A_406] : memref<16x64xi32, #tpu.memory_space<vmem>> -> memref<1x64xi32, #tpu.memory_space<vmem>>
      %dma_start3A_408 = tpu.memref_squeeze %dma_start3A_407 : memref<1x64xi32, #tpu.memory_space<vmem>> -> memref<64xi32, #tpu.memory_space<vmem>>
      %dma_start3A_409 = arith.constant 0 : i32
      %dma_start3A_410 = arith.constant 0 : i32
      %dma_start3A_411 = tpu.memref_slice %arg14[%dma_start3A_409, %dma_start3A_410] : memref<10112x64xf32, #tpu.memory_space<vmem_shared>> -> memref<10112x64xf32, #tpu.memory_space<vmem_shared>>
      tpu.enqueue_indirect_dma source(%dma_start3A_401 : memref<64x64xf32, #tpu.memory_space<vmem>>) target(%dma_start3A_411 : memref<10112x64xf32, #tpu.memory_space<vmem_shared>>) offsets(%dma_start3A_408 : memref<64xi32, #tpu.memory_space<vmem>>) semaphore(%arg25 : memref<!tpu.dma_semaphore, #tpu.memory_space<semaphore_mem>>) {add = true}
      %dma_wait3A_412 = arith.constant 0 : i32
      %dma_wait3A_413 = arith.constant 0 : i32
      %dma_wait3A_414 = arith.constant 0 : i32
      %dma_wait3A_415 = arith.constant 0 : i32
      %dma_wait3A_416 = tpu.memref_slice %arg11[%dma_wait3A_412, %dma_wait3A_414, %dma_wait3A_415] : memref<8x64x64xf32, #tpu.memory_space<vmem>> -> memref<1x64x64xf32, #tpu.memory_space<vmem>>
      %dma_wait3A_417 = tpu.memref_squeeze %dma_wait3A_416 : memref<1x64x64xf32, #tpu.memory_space<vmem>> -> memref<64x64xf32, #tpu.memory_space<vmem>>
      %dma_wait3A_418 = arith.constant 0 : i32
      %dma_wait3A_419 = arith.constant 0 : i32
      %dma_wait3A_420 = tpu.memref_slice %arg10[%rem3A_200, %dma_wait3A_418, %dma_wait3A_419] : memref<2x16x64xi32, #tpu.memory_space<vmem>> -> memref<1x16x64xi32, #tpu.memory_space<vmem>>
      %dma_wait3A_421 = tpu.memref_squeeze %dma_wait3A_420 : memref<1x16x64xi32, #tpu.memory_space<vmem>> -> memref<16x64xi32, #tpu.memory_space<vmem>>
      %dma_wait3A_422 = arith.constant 0 : i32
      %dma_wait3A_423 = tpu.memref_slice %dma_wait3A_421[%dma_wait3A_413, %dma_wait3A_422] : memref<16x64xi32, #tpu.memory_space<vmem>> -> memref<1x64xi32, #tpu.memory_space<vmem>>
      %dma_wait3A_424 = tpu.memref_squeeze %dma_wait3A_423 : memref<1x64xi32, #tpu.memory_space<vmem>> -> memref<64xi32, #tpu.memory_space<vmem>>
      %dma_wait3A_425 = arith.constant 0 : i32
      %dma_wait3A_426 = arith.constant 0 : i32
      %dma_wait3A_427 = tpu.memref_slice %arg14[%dma_wait3A_425, %dma_wait3A_426] : memref<10112x64xf32, #tpu.memory_space<vmem_shared>> -> memref<10112x64xf32, #tpu.memory_space<vmem_shared>>
      tpu.wait_indirect_dma semaphore(%arg25 : memref<!tpu.dma_semaphore, #tpu.memory_space<semaphore_mem>>) src(%dma_wait3A_417 : memref<64x64xf32, #tpu.memory_space<vmem>>) dst(%dma_wait3A_427 : memref<10112x64xf32, #tpu.memory_space<vmem_shared>>)
      %dma_start3A_428 = arith.constant 8 : i32
      %dma_start3A_429 = arith.constant 0 : i32
      %dma_start3A_430 = arith.constant 0 : i32
      %dma_start3A_431 = arith.constant 0 : i32
      %dma_start3A_432 = tpu.memref_slice %arg11[%dma_start3A_429, %dma_start3A_430, %dma_start3A_431] : memref<8x64x64xf32, #tpu.memory_space<vmem>> -> memref<1x64x64xf32, #tpu.memory_space<vmem>>
      %dma_start3A_433 = tpu.memref_squeeze %dma_start3A_432 : memref<1x64x64xf32, #tpu.memory_space<vmem>> -> memref<64x64xf32, #tpu.memory_space<vmem>>
      %dma_start3A_434 = arith.constant 0 : i32
      %dma_start3A_435 = arith.constant 0 : i32
      %dma_start3A_436 = tpu.memref_slice %arg9[%rem3A_200, %dma_start3A_434, %dma_start3A_435] : memref<2x16x64xi32, #tpu.memory_space<vmem>> -> memref<1x16x64xi32, #tpu.memory_space<vmem>>
      %dma_start3A_437 = tpu.memref_squeeze %dma_start3A_436 : memref<1x16x64xi32, #tpu.memory_space<vmem>> -> memref<16x64xi32, #tpu.memory_space<vmem>>
      %dma_start3A_438 = arith.constant 0 : i32
      %dma_start3A_439 = tpu.memref_slice %dma_start3A_437[%dma_start3A_428, %dma_start3A_438] : memref<16x64xi32, #tpu.memory_space<vmem>> -> memref<1x64xi32, #tpu.memory_space<vmem>>
      %dma_start3A_440 = tpu.memref_squeeze %dma_start3A_439 : memref<1x64xi32, #tpu.memory_space<vmem>> -> memref<64xi32, #tpu.memory_space<vmem>>
      %dma_start3A_441 = arith.constant 0 : i32
      %dma_start3A_442 = arith.constant 0 : i32
      %dma_start3A_443 = tpu.memref_slice %arg13[%dma_start3A_441, %dma_start3A_442] : memref<10112x64xf32, #tpu.memory_space<vmem_shared>> -> memref<10112x64xf32, #tpu.memory_space<vmem_shared>>
      tpu.enqueue_indirect_dma source(%dma_start3A_443 : memref<10112x64xf32, #tpu.memory_space<vmem_shared>>) target(%dma_start3A_433 : memref<64x64xf32, #tpu.memory_space<vmem>>) offsets(%dma_start3A_440 : memref<64xi32, #tpu.memory_space<vmem>>) semaphore(%arg17 : memref<!tpu.dma_semaphore, #tpu.memory_space<semaphore_mem>>)
      %dma_wait3A_444 = arith.constant 1 : i32
      %dma_wait3A_445 = arith.constant 1 : i32
      %dma_wait3A_446 = arith.constant 0 : i32
      %dma_wait3A_447 = arith.constant 0 : i32
      %dma_wait3A_448 = tpu.memref_slice %arg11[%dma_wait3A_445, %dma_wait3A_446, %dma_wait3A_447] : memref<8x64x64xf32, #tpu.memory_space<vmem>> -> memref<1x64x64xf32, #tpu.memory_space<vmem>>
      %dma_wait3A_449 = tpu.memref_squeeze %dma_wait3A_448 : memref<1x64x64xf32, #tpu.memory_space<vmem>> -> memref<64x64xf32, #tpu.memory_space<vmem>>
      %dma_wait3A_450 = arith.constant 0 : i32
      %dma_wait3A_451 = arith.constant 0 : i32
      %dma_wait3A_452 = tpu.memref_slice %arg9[%rem3A_200, %dma_wait3A_450, %dma_wait3A_451] : memref<2x16x64xi32, #tpu.memory_space<vmem>> -> memref<1x16x64xi32, #tpu.memory_space<vmem>>
      %dma_wait3A_453 = tpu.memref_squeeze %dma_wait3A_452 : memref<1x16x64xi32, #tpu.memory_space<vmem>> -> memref<16x64xi32, #tpu.memory_space<vmem>>
      %dma_wait3A_454 = arith.constant 0 : i32
      %dma_wait3A_455 = tpu.memref_slice %dma_wait3A_453[%dma_wait3A_444, %dma_wait3A_454] : memref<16x64xi32, #tpu.memory_space<vmem>> -> memref<1x64xi32, #tpu.memory_space<vmem>>
      %dma_wait3A_456 = tpu.memref_squeeze %dma_wait3A_455 : memref<1x64xi32, #tpu.memory_space<vmem>> -> memref<64xi32, #tpu.memory_space<vmem>>
      %dma_wait3A_457 = arith.constant 0 : i32
      %dma_wait3A_458 = arith.constant 0 : i32
      %dma_wait3A_459 = tpu.memref_slice %arg13[%dma_wait3A_457, %dma_wait3A_458] : memref<10112x64xf32, #tpu.memory_space<vmem_shared>> -> memref<10112x64xf32, #tpu.memory_space<vmem_shared>>
      tpu.wait_indirect_dma semaphore(%arg18 : memref<!tpu.dma_semaphore, #tpu.memory_space<semaphore_mem>>) src(%dma_wait3A_459 : memref<10112x64xf32, #tpu.memory_space<vmem_shared>>) dst(%dma_wait3A_449 : memref<64x64xf32, #tpu.memory_space<vmem>>)
      %dma_start3A_460 = arith.constant 1 : i32
      %dma_start3A_461 = arith.constant 1 : i32
      %dma_start3A_462 = arith.constant 0 : i32
      %dma_start3A_463 = arith.constant 0 : i32
      %dma_start3A_464 = tpu.memref_slice %arg11[%dma_start3A_460, %dma_start3A_462, %dma_start3A_463] : memref<8x64x64xf32, #tpu.memory_space<vmem>> -> memref<1x64x64xf32, #tpu.memory_space<vmem>>
      %dma_start3A_465 = tpu.memref_squeeze %dma_start3A_464 : memref<1x64x64xf32, #tpu.memory_space<vmem>> -> memref<64x64xf32, #tpu.memory_space<vmem>>
      %dma_start3A_466 = arith.constant 0 : i32
      %dma_start3A_467 = arith.constant 0 : i32
      %dma_start3A_468 = tpu.memref_slice %arg10[%rem3A_200, %dma_start3A_466, %dma_start3A_467] : memref<2x16x64xi32, #tpu.memory_space<vmem>> -> memref<1x16x64xi32, #tpu.memory_space<vmem>>
      %dma_start3A_469 = tpu.memref_squeeze %dma_start3A_468 : memref<1x16x64xi32, #tpu.memory_space<vmem>> -> memref<16x64xi32, #tpu.memory_space<vmem>>
      %dma_start3A_470 = arith.constant 0 : i32
      %dma_start3A_471 = tpu.memref_slice %dma_start3A_469[%dma_start3A_461, %dma_start3A_470] : memref<16x64xi32, #tpu.memory_space<vmem>> -> memref<1x64xi32, #tpu.memory_space<vmem>>
      %dma_start3A_472 = tpu.memref_squeeze %dma_start3A_471 : memref<1x64xi32, #tpu.memory_space<vmem>> -> memref<64xi32, #tpu.memory_space<vmem>>
      %dma_start3A_473 = arith.constant 0 : i32
      %dma_start3A_474 = arith.constant 0 : i32
      %dma_start3A_475 = tpu.memref_slice %arg14[%dma_start3A_473, %dma_start3A_474] : memref<10112x64xf32, #tpu.memory_space<vmem_shared>> -> memref<10112x64xf32, #tpu.memory_space<vmem_shared>>
      tpu.enqueue_indirect_dma source(%dma_start3A_465 : memref<64x64xf32, #tpu.memory_space<vmem>>) target(%dma_start3A_475 : memref<10112x64xf32, #tpu.memory_space<vmem_shared>>) offsets(%dma_start3A_472 : memref<64xi32, #tpu.memory_space<vmem>>) semaphore(%arg26 : memref<!tpu.dma_semaphore, #tpu.memory_space<semaphore_mem>>) {add = true}
      %dma_wait3A_476 = arith.constant 1 : i32
      %dma_wait3A_477 = arith.constant 1 : i32
      %dma_wait3A_478 = arith.constant 0 : i32
      %dma_wait3A_479 = arith.constant 0 : i32
      %dma_wait3A_480 = tpu.memref_slice %arg11[%dma_wait3A_476, %dma_wait3A_478, %dma_wait3A_479] : memref<8x64x64xf32, #tpu.memory_space<vmem>> -> memref<1x64x64xf32, #tpu.memory_space<vmem>>
      %dma_wait3A_481 = tpu.memref_squeeze %dma_wait3A_480 : memref<1x64x64xf32, #tpu.memory_space<vmem>> -> memref<64x64xf32, #tpu.memory_space<vmem>>
      %dma_wait3A_482 = arith.constant 0 : i32
      %dma_wait3A_483 = arith.constant 0 : i32
      %dma_wait3A_484 = tpu.memref_slice %arg10[%rem3A_200, %dma_wait3A_482, %dma_wait3A_483] : memref<2x16x64xi32, #tpu.memory_space<vmem>> -> memref<1x16x64xi32, #tpu.memory_space<vmem>>
      %dma_wait3A_485 = tpu.memref_squeeze %dma_wait3A_484 : memref<1x16x64xi32, #tpu.memory_space<vmem>> -> memref<16x64xi32, #tpu.memory_space<vmem>>
      %dma_wait3A_486 = arith.constant 0 : i32
      %dma_wait3A_487 = tpu.memref_slice %dma_wait3A_485[%dma_wait3A_477, %dma_wait3A_486] : memref<16x64xi32, #tpu.memory_space<vmem>> -> memref<1x64xi32, #tpu.memory_space<vmem>>
      %dma_wait3A_488 = tpu.memref_squeeze %dma_wait3A_487 : memref<1x64xi32, #tpu.memory_space<vmem>> -> memref<64xi32, #tpu.memory_space<vmem>>
      %dma_wait3A_489 = arith.constant 0 : i32
      %dma_wait3A_490 = arith.constant 0 : i32
      %dma_wait3A_491 = tpu.memref_slice %arg14[%dma_wait3A_489, %dma_wait3A_490] : memref<10112x64xf32, #tpu.memory_space<vmem_shared>> -> memref<10112x64xf32, #tpu.memory_space<vmem_shared>>
      tpu.wait_indirect_dma semaphore(%arg26 : memref<!tpu.dma_semaphore, #tpu.memory_space<semaphore_mem>>) src(%dma_wait3A_481 : memref<64x64xf32, #tpu.memory_space<vmem>>) dst(%dma_wait3A_491 : memref<10112x64xf32, #tpu.memory_space<vmem_shared>>)
      %dma_start3A_492 = arith.constant 9 : i32
      %dma_start3A_493 = arith.constant 1 : i32
      %dma_start3A_494 = arith.constant 0 : i32
      %dma_start3A_495 = arith.constant 0 : i32
      %dma_start3A_496 = tpu.memref_slice %arg11[%dma_start3A_493, %dma_start3A_494, %dma_start3A_495] : memref<8x64x64xf32, #tpu.memory_space<vmem>> -> memref<1x64x64xf32, #tpu.memory_space<vmem>>
      %dma_start3A_497 = tpu.memref_squeeze %dma_start3A_496 : memref<1x64x64xf32, #tpu.memory_space<vmem>> -> memref<64x64xf32, #tpu.memory_space<vmem>>
      %dma_start3A_498 = arith.constant 0 : i32
      %dma_start3A_499 = arith.constant 0 : i32
      %dma_start3A_500 = tpu.memref_slice %arg9[%rem3A_200, %dma_start3A_498, %dma_start3A_499] : memref<2x16x64xi32, #tpu.memory_space<vmem>> -> memref<1x16x64xi32, #tpu.memory_space<vmem>>
      %dma_start3A_501 = tpu.memref_squeeze %dma_start3A_500 : memref<1x16x64xi32, #tpu.memory_space<vmem>> -> memref<16x64xi32, #tpu.memory_space<vmem>>
      %dma_start3A_502 = arith.constant 0 : i32
      %dma_start3A_503 = tpu.memref_slice %dma_start3A_501[%dma_start3A_492, %dma_start3A_502] : memref<16x64xi32, #tpu.memory_space<vmem>> -> memref<1x64xi32, #tpu.memory_space<vmem>>
      %dma_start3A_504 = tpu.memref_squeeze %dma_start3A_503 : memref<1x64xi32, #tpu.memory_space<vmem>> -> memref<64xi32, #tpu.memory_space<vmem>>
      %dma_start3A_505 = arith.constant 0 : i32
      %dma_start3A_506 = arith.constant 0 : i32
      %dma_start3A_507 = tpu.memref_slice %arg13[%dma_start3A_505, %dma_start3A_506] : memref<10112x64xf32, #tpu.memory_space<vmem_shared>> -> memref<10112x64xf32, #tpu.memory_space<vmem_shared>>
      tpu.enqueue_indirect_dma source(%dma_start3A_507 : memref<10112x64xf32, #tpu.memory_space<vmem_shared>>) target(%dma_start3A_497 : memref<64x64xf32, #tpu.memory_space<vmem>>) offsets(%dma_start3A_504 : memref<64xi32, #tpu.memory_space<vmem>>) semaphore(%arg18 : memref<!tpu.dma_semaphore, #tpu.memory_space<semaphore_mem>>)
      %dma_wait3A_508 = arith.constant 2 : i32
      %dma_wait3A_509 = arith.constant 2 : i32
      %dma_wait3A_510 = arith.constant 0 : i32
      %dma_wait3A_511 = arith.constant 0 : i32
      %dma_wait3A_512 = tpu.memref_slice %arg11[%dma_wait3A_509, %dma_wait3A_510, %dma_wait3A_511] : memref<8x64x64xf32, #tpu.memory_space<vmem>> -> memref<1x64x64xf32, #tpu.memory_space<vmem>>
      %dma_wait3A_513 = tpu.memref_squeeze %dma_wait3A_512 : memref<1x64x64xf32, #tpu.memory_space<vmem>> -> memref<64x64xf32, #tpu.memory_space<vmem>>
      %dma_wait3A_514 = arith.constant 0 : i32
      %dma_wait3A_515 = arith.constant 0 : i32
      %dma_wait3A_516 = tpu.memref_slice %arg9[%rem3A_200, %dma_wait3A_514, %dma_wait3A_515] : memref<2x16x64xi32, #tpu.memory_space<vmem>> -> memref<1x16x64xi32, #tpu.memory_space<vmem>>
      %dma_wait3A_517 = tpu.memref_squeeze %dma_wait3A_516 : memref<1x16x64xi32, #tpu.memory_space<vmem>> -> memref<16x64xi32, #tpu.memory_space<vmem>>
      %dma_wait3A_518 = arith.constant 0 : i32
      %dma_wait3A_519 = tpu.memref_slice %dma_wait3A_517[%dma_wait3A_508, %dma_wait3A_518] : memref<16x64xi32, #tpu.memory_space<vmem>> -> memref<1x64xi32, #tpu.memory_space<vmem>>
      %dma_wait3A_520 = tpu.memref_squeeze %dma_wait3A_519 : memref<1x64xi32, #tpu.memory_space<vmem>> -> memref<64xi32, #tpu.memory_space<vmem>>
      %dma_wait3A_521 = arith.constant 0 : i32
      %dma_wait3A_522 = arith.constant 0 : i32
      %dma_wait3A_523 = tpu.memref_slice %arg13[%dma_wait3A_521, %dma_wait3A_522] : memref<10112x64xf32, #tpu.memory_space<vmem_shared>> -> memref<10112x64xf32, #tpu.memory_space<vmem_shared>>
      tpu.wait_indirect_dma semaphore(%arg19 : memref<!tpu.dma_semaphore, #tpu.memory_space<semaphore_mem>>) src(%dma_wait3A_523 : memref<10112x64xf32, #tpu.memory_space<vmem_shared>>) dst(%dma_wait3A_513 : memref<64x64xf32, #tpu.memory_space<vmem>>)
      %dma_start3A_524 = arith.constant 2 : i32
      %dma_start3A_525 = arith.constant 2 : i32
      %dma_start3A_526 = arith.constant 0 : i32
      %dma_start3A_527 = arith.constant 0 : i32
      %dma_start3A_528 = tpu.memref_slice %arg11[%dma_start3A_524, %dma_start3A_526, %dma_start3A_527] : memref<8x64x64xf32, #tpu.memory_space<vmem>> -> memref<1x64x64xf32, #tpu.memory_space<vmem>>
      %dma_start3A_529 = tpu.memref_squeeze %dma_start3A_528 : memref<1x64x64xf32, #tpu.memory_space<vmem>> -> memref<64x64xf32, #tpu.memory_space<vmem>>
      %dma_start3A_530 = arith.constant 0 : i32
      %dma_start3A_531 = arith.constant 0 : i32
      %dma_start3A_532 = tpu.memref_slice %arg10[%rem3A_200, %dma_start3A_530, %dma_start3A_531] : memref<2x16x64xi32, #tpu.memory_space<vmem>> -> memref<1x16x64xi32, #tpu.memory_space<vmem>>
      %dma_start3A_533 = tpu.memref_squeeze %dma_start3A_532 : memref<1x16x64xi32, #tpu.memory_space<vmem>> -> memref<16x64xi32, #tpu.memory_space<vmem>>
      %dma_start3A_534 = arith.constant 0 : i32
      %dma_start3A_535 = tpu.memref_slice %dma_start3A_533[%dma_start3A_525, %dma_start3A_534] : memref<16x64xi32, #tpu.memory_space<vmem>> -> memref<1x64xi32, #tpu.memory_space<vmem>>
      %dma_start3A_536 = tpu.memref_squeeze %dma_start3A_535 : memref<1x64xi32, #tpu.memory_space<vmem>> -> memref<64xi32, #tpu.memory_space<vmem>>
      %dma_start3A_537 = arith.constant 0 : i32
      %dma_start3A_538 = arith.constant 0 : i32
      %dma_start3A_539 = tpu.memref_slice %arg14[%dma_start3A_537, %dma_start3A_538] : memref<10112x64xf32, #tpu.memory_space<vmem_shared>> -> memref<10112x64xf32, #tpu.memory_space<vmem_shared>>
      tpu.enqueue_indirect_dma source(%dma_start3A_529 : memref<64x64xf32, #tpu.memory_space<vmem>>) target(%dma_start3A_539 : memref<10112x64xf32, #tpu.memory_space<vmem_shared>>) offsets(%dma_start3A_536 : memref<64xi32, #tpu.memory_space<vmem>>) semaphore(%arg27 : memref<!tpu.dma_semaphore, #tpu.memory_space<semaphore_mem>>) {add = true}
      %dma_wait3A_540 = arith.constant 2 : i32
      %dma_wait3A_541 = arith.constant 2 : i32
      %dma_wait3A_542 = arith.constant 0 : i32
      %dma_wait3A_543 = arith.constant 0 : i32
      %dma_wait3A_544 = tpu.memref_slice %arg11[%dma_wait3A_540, %dma_wait3A_542, %dma_wait3A_543] : memref<8x64x64xf32, #tpu.memory_space<vmem>> -> memref<1x64x64xf32, #tpu.memory_space<vmem>>
      %dma_wait3A_545 = tpu.memref_squeeze %dma_wait3A_544 : memref<1x64x64xf32, #tpu.memory_space<vmem>> -> memref<64x64xf32, #tpu.memory_space<vmem>>
      %dma_wait3A_546 = arith.constant 0 : i32
      %dma_wait3A_547 = arith.constant 0 : i32
      %dma_wait3A_548 = tpu.memref_slice %arg10[%rem3A_200, %dma_wait3A_546, %dma_wait3A_547] : memref<2x16x64xi32, #tpu.memory_space<vmem>> -> memref<1x16x64xi32, #tpu.memory_space<vmem>>
      %dma_wait3A_549 = tpu.memref_squeeze %dma_wait3A_548 : memref<1x16x64xi32, #tpu.memory_space<vmem>> -> memref<16x64xi32, #tpu.memory_space<vmem>>
      %dma_wait3A_550 = arith.constant 0 : i32
      %dma_wait3A_551 = tpu.memref_slice %dma_wait3A_549[%dma_wait3A_541, %dma_wait3A_550] : memref<16x64xi32, #tpu.memory_space<vmem>> -> memref<1x64xi32, #tpu.memory_space<vmem>>
      %dma_wait3A_552 = tpu.memref_squeeze %dma_wait3A_551 : memref<1x64xi32, #tpu.memory_space<vmem>> -> memref<64xi32, #tpu.memory_space<vmem>>
      %dma_wait3A_553 = arith.constant 0 : i32
      %dma_wait3A_554 = arith.constant 0 : i32
      %dma_wait3A_555 = tpu.memref_slice %arg14[%dma_wait3A_553, %dma_wait3A_554] : memref<10112x64xf32, #tpu.memory_space<vmem_shared>> -> memref<10112x64xf32, #tpu.memory_space<vmem_shared>>
      tpu.wait_indirect_dma semaphore(%arg27 : memref<!tpu.dma_semaphore, #tpu.memory_space<semaphore_mem>>) src(%dma_wait3A_545 : memref<64x64xf32, #tpu.memory_space<vmem>>) dst(%dma_wait3A_555 : memref<10112x64xf32, #tpu.memory_space<vmem_shared>>)
      %dma_start3A_556 = arith.constant 10 : i32
      %dma_start3A_557 = arith.constant 2 : i32
      %dma_start3A_558 = arith.constant 0 : i32
      %dma_start3A_559 = arith.constant 0 : i32
      %dma_start3A_560 = tpu.memref_slice %arg11[%dma_start3A_557, %dma_start3A_558, %dma_start3A_559] : memref<8x64x64xf32, #tpu.memory_space<vmem>> -> memref<1x64x64xf32, #tpu.memory_space<vmem>>
      %dma_start3A_561 = tpu.memref_squeeze %dma_start3A_560 : memref<1x64x64xf32, #tpu.memory_space<vmem>> -> memref<64x64xf32, #tpu.memory_space<vmem>>
      %dma_start3A_562 = arith.constant 0 : i32
      %dma_start3A_563 = arith.constant 0 : i32
      %dma_start3A_564 = tpu.memref_slice %arg9[%rem3A_200, %dma_start3A_562, %dma_start3A_563] : memref<2x16x64xi32, #tpu.memory_space<vmem>> -> memref<1x16x64xi32, #tpu.memory_space<vmem>>
      %dma_start3A_565 = tpu.memref_squeeze %dma_start3A_564 : memref<1x16x64xi32, #tpu.memory_space<vmem>> -> memref<16x64xi32, #tpu.memory_space<vmem>>
      %dma_start3A_566 = arith.constant 0 : i32
      %dma_start3A_567 = tpu.memref_slice %dma_start3A_565[%dma_start3A_556, %dma_start3A_566] : memref<16x64xi32, #tpu.memory_space<vmem>> -> memref<1x64xi32, #tpu.memory_space<vmem>>
      %dma_start3A_568 = tpu.memref_squeeze %dma_start3A_567 : memref<1x64xi32, #tpu.memory_space<vmem>> -> memref<64xi32, #tpu.memory_space<vmem>>
      %dma_start3A_569 = arith.constant 0 : i32
      %dma_start3A_570 = arith.constant 0 : i32
      %dma_start3A_571 = tpu.memref_slice %arg13[%dma_start3A_569, %dma_start3A_570] : memref<10112x64xf32, #tpu.memory_space<vmem_shared>> -> memref<10112x64xf32, #tpu.memory_space<vmem_shared>>
      tpu.enqueue_indirect_dma source(%dma_start3A_571 : memref<10112x64xf32, #tpu.memory_space<vmem_shared>>) target(%dma_start3A_561 : memref<64x64xf32, #tpu.memory_space<vmem>>) offsets(%dma_start3A_568 : memref<64xi32, #tpu.memory_space<vmem>>) semaphore(%arg19 : memref<!tpu.dma_semaphore, #tpu.memory_space<semaphore_mem>>)
      %dma_wait3A_572 = arith.constant 3 : i32
      %dma_wait3A_573 = arith.constant 3 : i32
      %dma_wait3A_574 = arith.constant 0 : i32
      %dma_wait3A_575 = arith.constant 0 : i32
      %dma_wait3A_576 = tpu.memref_slice %arg11[%dma_wait3A_573, %dma_wait3A_574, %dma_wait3A_575] : memref<8x64x64xf32, #tpu.memory_space<vmem>> -> memref<1x64x64xf32, #tpu.memory_space<vmem>>
      %dma_wait3A_577 = tpu.memref_squeeze %dma_wait3A_576 : memref<1x64x64xf32, #tpu.memory_space<vmem>> -> memref<64x64xf32, #tpu.memory_space<vmem>>
      %dma_wait3A_578 = arith.constant 0 : i32
      %dma_wait3A_579 = arith.constant 0 : i32
      %dma_wait3A_580 = tpu.memref_slice %arg9[%rem3A_200, %dma_wait3A_578, %dma_wait3A_579] : memref<2x16x64xi32, #tpu.memory_space<vmem>> -> memref<1x16x64xi32, #tpu.memory_space<vmem>>
      %dma_wait3A_581 = tpu.memref_squeeze %dma_wait3A_580 : memref<1x16x64xi32, #tpu.memory_space<vmem>> -> memref<16x64xi32, #tpu.memory_space<vmem>>
      %dma_wait3A_582 = arith.constant 0 : i32
      %dma_wait3A_583 = tpu.memref_slice %dma_wait3A_581[%dma_wait3A_572, %dma_wait3A_582] : memref<16x64xi32, #tpu.memory_space<vmem>> -> memref<1x64xi32, #tpu.memory_space<vmem>>
      %dma_wait3A_584 = tpu.memref_squeeze %dma_wait3A_583 : memref<1x64xi32, #tpu.memory_space<vmem>> -> memref<64xi32, #tpu.memory_space<vmem>>
      %dma_wait3A_585 = arith.constant 0 : i32
      %dma_wait3A_586 = arith.constant 0 : i32
      %dma_wait3A_587 = tpu.memref_slice %arg13[%dma_wait3A_585, %dma_wait3A_586] : memref<10112x64xf32, #tpu.memory_space<vmem_shared>> -> memref<10112x64xf32, #tpu.memory_space<vmem_shared>>
      tpu.wait_indirect_dma semaphore(%arg20 : memref<!tpu.dma_semaphore, #tpu.memory_space<semaphore_mem>>) src(%dma_wait3A_587 : memref<10112x64xf32, #tpu.memory_space<vmem_shared>>) dst(%dma_wait3A_577 : memref<64x64xf32, #tpu.memory_space<vmem>>)
      %dma_start3A_588 = arith.constant 3 : i32
      %dma_start3A_589 = arith.constant 3 : i32
      %dma_start3A_590 = arith.constant 0 : i32
      %dma_start3A_591 = arith.constant 0 : i32
      %dma_start3A_592 = tpu.memref_slice %arg11[%dma_start3A_588, %dma_start3A_590, %dma_start3A_591] : memref<8x64x64xf32, #tpu.memory_space<vmem>> -> memref<1x64x64xf32, #tpu.memory_space<vmem>>
      %dma_start3A_593 = tpu.memref_squeeze %dma_start3A_592 : memref<1x64x64xf32, #tpu.memory_space<vmem>> -> memref<64x64xf32, #tpu.memory_space<vmem>>
      %dma_start3A_594 = arith.constant 0 : i32
      %dma_start3A_595 = arith.constant 0 : i32
      %dma_start3A_596 = tpu.memref_slice %arg10[%rem3A_200, %dma_start3A_594, %dma_start3A_595] : memref<2x16x64xi32, #tpu.memory_space<vmem>> -> memref<1x16x64xi32, #tpu.memory_space<vmem>>
      %dma_start3A_597 = tpu.memref_squeeze %dma_start3A_596 : memref<1x16x64xi32, #tpu.memory_space<vmem>> -> memref<16x64xi32, #tpu.memory_space<vmem>>
      %dma_start3A_598 = arith.constant 0 : i32
      %dma_start3A_599 = tpu.memref_slice %dma_start3A_597[%dma_start3A_589, %dma_start3A_598] : memref<16x64xi32, #tpu.memory_space<vmem>> -> memref<1x64xi32, #tpu.memory_space<vmem>>
      %dma_start3A_600 = tpu.memref_squeeze %dma_start3A_599 : memref<1x64xi32, #tpu.memory_space<vmem>> -> memref<64xi32, #tpu.memory_space<vmem>>
      %dma_start3A_601 = arith.constant 0 : i32
      %dma_start3A_602 = arith.constant 0 : i32
      %dma_start3A_603 = tpu.memref_slice %arg14[%dma_start3A_601, %dma_start3A_602] : memref<10112x64xf32, #tpu.memory_space<vmem_shared>> -> memref<10112x64xf32, #tpu.memory_space<vmem_shared>>
      tpu.enqueue_indirect_dma source(%dma_start3A_593 : memref<64x64xf32, #tpu.memory_space<vmem>>) target(%dma_start3A_603 : memref<10112x64xf32, #tpu.memory_space<vmem_shared>>) offsets(%dma_start3A_600 : memref<64xi32, #tpu.memory_space<vmem>>) semaphore(%arg28 : memref<!tpu.dma_semaphore, #tpu.memory_space<semaphore_mem>>) {add = true}
      %dma_wait3A_604 = arith.constant 3 : i32
      %dma_wait3A_605 = arith.constant 3 : i32
      %dma_wait3A_606 = arith.constant 0 : i32
      %dma_wait3A_607 = arith.constant 0 : i32
      %dma_wait3A_608 = tpu.memref_slice %arg11[%dma_wait3A_604, %dma_wait3A_606, %dma_wait3A_607] : memref<8x64x64xf32, #tpu.memory_space<vmem>> -> memref<1x64x64xf32, #tpu.memory_space<vmem>>
      %dma_wait3A_609 = tpu.memref_squeeze %dma_wait3A_608 : memref<1x64x64xf32, #tpu.memory_space<vmem>> -> memref<64x64xf32, #tpu.memory_space<vmem>>
      %dma_wait3A_610 = arith.constant 0 : i32
      %dma_wait3A_611 = arith.constant 0 : i32
      %dma_wait3A_612 = tpu.memref_slice %arg10[%rem3A_200, %dma_wait3A_610, %dma_wait3A_611] : memref<2x16x64xi32, #tpu.memory_space<vmem>> -> memref<1x16x64xi32, #tpu.memory_space<vmem>>
      %dma_wait3A_613 = tpu.memref_squeeze %dma_wait3A_612 : memref<1x16x64xi32, #tpu.memory_space<vmem>> -> memref<16x64xi32, #tpu.memory_space<vmem>>
      %dma_wait3A_614 = arith.constant 0 : i32
      %dma_wait3A_615 = tpu.memref_slice %dma_wait3A_613[%dma_wait3A_605, %dma_wait3A_614] : memref<16x64xi32, #tpu.memory_space<vmem>> -> memref<1x64xi32, #tpu.memory_space<vmem>>
      %dma_wait3A_616 = tpu.memref_squeeze %dma_wait3A_615 : memref<1x64xi32, #tpu.memory_space<vmem>> -> memref<64xi32, #tpu.memory_space<vmem>>
      %dma_wait3A_617 = arith.constant 0 : i32
      %dma_wait3A_618 = arith.constant 0 : i32
      %dma_wait3A_619 = tpu.memref_slice %arg14[%dma_wait3A_617, %dma_wait3A_618] : memref<10112x64xf32, #tpu.memory_space<vmem_shared>> -> memref<10112x64xf32, #tpu.memory_space<vmem_shared>>
      tpu.wait_indirect_dma semaphore(%arg28 : memref<!tpu.dma_semaphore, #tpu.memory_space<semaphore_mem>>) src(%dma_wait3A_609 : memref<64x64xf32, #tpu.memory_space<vmem>>) dst(%dma_wait3A_619 : memref<10112x64xf32, #tpu.memory_space<vmem_shared>>)
      %dma_start3A_620 = arith.constant 11 : i32
      %dma_start3A_621 = arith.constant 3 : i32
      %dma_start3A_622 = arith.constant 0 : i32
      %dma_start3A_623 = arith.constant 0 : i32
      %dma_start3A_624 = tpu.memref_slice %arg11[%dma_start3A_621, %dma_start3A_622, %dma_start3A_623] : memref<8x64x64xf32, #tpu.memory_space<vmem>> -> memref<1x64x64xf32, #tpu.memory_space<vmem>>
      %dma_start3A_625 = tpu.memref_squeeze %dma_start3A_624 : memref<1x64x64xf32, #tpu.memory_space<vmem>> -> memref<64x64xf32, #tpu.memory_space<vmem>>
      %dma_start3A_626 = arith.constant 0 : i32
      %dma_start3A_627 = arith.constant 0 : i32
      %dma_start3A_628 = tpu.memref_slice %arg9[%rem3A_200, %dma_start3A_626, %dma_start3A_627] : memref<2x16x64xi32, #tpu.memory_space<vmem>> -> memref<1x16x64xi32, #tpu.memory_space<vmem>>
      %dma_start3A_629 = tpu.memref_squeeze %dma_start3A_628 : memref<1x16x64xi32, #tpu.memory_space<vmem>> -> memref<16x64xi32, #tpu.memory_space<vmem>>
      %dma_start3A_630 = arith.constant 0 : i32
      %dma_start3A_631 = tpu.memref_slice %dma_start3A_629[%dma_start3A_620, %dma_start3A_630] : memref<16x64xi32, #tpu.memory_space<vmem>> -> memref<1x64xi32, #tpu.memory_space<vmem>>
      %dma_start3A_632 = tpu.memref_squeeze %dma_start3A_631 : memref<1x64xi32, #tpu.memory_space<vmem>> -> memref<64xi32, #tpu.memory_space<vmem>>
      %dma_start3A_633 = arith.constant 0 : i32
      %dma_start3A_634 = arith.constant 0 : i32
      %dma_start3A_635 = tpu.memref_slice %arg13[%dma_start3A_633, %dma_start3A_634] : memref<10112x64xf32, #tpu.memory_space<vmem_shared>> -> memref<10112x64xf32, #tpu.memory_space<vmem_shared>>
      tpu.enqueue_indirect_dma source(%dma_start3A_635 : memref<10112x64xf32, #tpu.memory_space<vmem_shared>>) target(%dma_start3A_625 : memref<64x64xf32, #tpu.memory_space<vmem>>) offsets(%dma_start3A_632 : memref<64xi32, #tpu.memory_space<vmem>>) semaphore(%arg20 : memref<!tpu.dma_semaphore, #tpu.memory_space<semaphore_mem>>)
      %dma_wait3A_636 = arith.constant 4 : i32
      %dma_wait3A_637 = arith.constant 4 : i32
      %dma_wait3A_638 = arith.constant 0 : i32
      %dma_wait3A_639 = arith.constant 0 : i32
      %dma_wait3A_640 = tpu.memref_slice %arg11[%dma_wait3A_637, %dma_wait3A_638, %dma_wait3A_639] : memref<8x64x64xf32, #tpu.memory_space<vmem>> -> memref<1x64x64xf32, #tpu.memory_space<vmem>>
      %dma_wait3A_641 = tpu.memref_squeeze %dma_wait3A_640 : memref<1x64x64xf32, #tpu.memory_space<vmem>> -> memref<64x64xf32, #tpu.memory_space<vmem>>
      %dma_wait3A_642 = arith.constant 0 : i32
      %dma_wait3A_643 = arith.constant 0 : i32
      %dma_wait3A_644 = tpu.memref_slice %arg9[%rem3A_200, %dma_wait3A_642, %dma_wait3A_643] : memref<2x16x64xi32, #tpu.memory_space<vmem>> -> memref<1x16x64xi32, #tpu.memory_space<vmem>>
      %dma_wait3A_645 = tpu.memref_squeeze %dma_wait3A_644 : memref<1x16x64xi32, #tpu.memory_space<vmem>> -> memref<16x64xi32, #tpu.memory_space<vmem>>
      %dma_wait3A_646 = arith.constant 0 : i32
      %dma_wait3A_647 = tpu.memref_slice %dma_wait3A_645[%dma_wait3A_636, %dma_wait3A_646] : memref<16x64xi32, #tpu.memory_space<vmem>> -> memref<1x64xi32, #tpu.memory_space<vmem>>
      %dma_wait3A_648 = tpu.memref_squeeze %dma_wait3A_647 : memref<1x64xi32, #tpu.memory_space<vmem>> -> memref<64xi32, #tpu.memory_space<vmem>>
      %dma_wait3A_649 = arith.constant 0 : i32
      %dma_wait3A_650 = arith.constant 0 : i32
      %dma_wait3A_651 = tpu.memref_slice %arg13[%dma_wait3A_649, %dma_wait3A_650] : memref<10112x64xf32, #tpu.memory_space<vmem_shared>> -> memref<10112x64xf32, #tpu.memory_space<vmem_shared>>
      tpu.wait_indirect_dma semaphore(%arg21 : memref<!tpu.dma_semaphore, #tpu.memory_space<semaphore_mem>>) src(%dma_wait3A_651 : memref<10112x64xf32, #tpu.memory_space<vmem_shared>>) dst(%dma_wait3A_641 : memref<64x64xf32, #tpu.memory_space<vmem>>)
      %dma_start3A_652 = arith.constant 4 : i32
      %dma_start3A_653 = arith.constant 4 : i32
      %dma_start3A_654 = arith.constant 0 : i32
      %dma_start3A_655 = arith.constant 0 : i32
      %dma_start3A_656 = tpu.memref_slice %arg11[%dma_start3A_652, %dma_start3A_654, %dma_start3A_655] : memref<8x64x64xf32, #tpu.memory_space<vmem>> -> memref<1x64x64xf32, #tpu.memory_space<vmem>>
      %dma_start3A_657 = tpu.memref_squeeze %dma_start3A_656 : memref<1x64x64xf32, #tpu.memory_space<vmem>> -> memref<64x64xf32, #tpu.memory_space<vmem>>
      %dma_start3A_658 = arith.constant 0 : i32
      %dma_start3A_659 = arith.constant 0 : i32
      %dma_start3A_660 = tpu.memref_slice %arg10[%rem3A_200, %dma_start3A_658, %dma_start3A_659] : memref<2x16x64xi32, #tpu.memory_space<vmem>> -> memref<1x16x64xi32, #tpu.memory_space<vmem>>
      %dma_start3A_661 = tpu.memref_squeeze %dma_start3A_660 : memref<1x16x64xi32, #tpu.memory_space<vmem>> -> memref<16x64xi32, #tpu.memory_space<vmem>>
      %dma_start3A_662 = arith.constant 0 : i32
      %dma_start3A_663 = tpu.memref_slice %dma_start3A_661[%dma_start3A_653, %dma_start3A_662] : memref<16x64xi32, #tpu.memory_space<vmem>> -> memref<1x64xi32, #tpu.memory_space<vmem>>
      %dma_start3A_664 = tpu.memref_squeeze %dma_start3A_663 : memref<1x64xi32, #tpu.memory_space<vmem>> -> memref<64xi32, #tpu.memory_space<vmem>>
      %dma_start3A_665 = arith.constant 0 : i32
      %dma_start3A_666 = arith.constant 0 : i32
      %dma_start3A_667 = tpu.memref_slice %arg14[%dma_start3A_665, %dma_start3A_666] : memref<10112x64xf32, #tpu.memory_space<vmem_shared>> -> memref<10112x64xf32, #tpu.memory_space<vmem_shared>>
      tpu.enqueue_indirect_dma source(%dma_start3A_657 : memref<64x64xf32, #tpu.memory_space<vmem>>) target(%dma_start3A_667 : memref<10112x64xf32, #tpu.memory_space<vmem_shared>>) offsets(%dma_start3A_664 : memref<64xi32, #tpu.memory_space<vmem>>) semaphore(%arg29 : memref<!tpu.dma_semaphore, #tpu.memory_space<semaphore_mem>>) {add = true}
      %dma_wait3A_668 = arith.constant 4 : i32
      %dma_wait3A_669 = arith.constant 4 : i32
      %dma_wait3A_670 = arith.constant 0 : i32
      %dma_wait3A_671 = arith.constant 0 : i32
      %dma_wait3A_672 = tpu.memref_slice %arg11[%dma_wait3A_668, %dma_wait3A_670, %dma_wait3A_671] : memref<8x64x64xf32, #tpu.memory_space<vmem>> -> memref<1x64x64xf32, #tpu.memory_space<vmem>>
      %dma_wait3A_673 = tpu.memref_squeeze %dma_wait3A_672 : memref<1x64x64xf32, #tpu.memory_space<vmem>> -> memref<64x64xf32, #tpu.memory_space<vmem>>
      %dma_wait3A_674 = arith.constant 0 : i32
      %dma_wait3A_675 = arith.constant 0 : i32
      %dma_wait3A_676 = tpu.memref_slice %arg10[%rem3A_200, %dma_wait3A_674, %dma_wait3A_675] : memref<2x16x64xi32, #tpu.memory_space<vmem>> -> memref<1x16x64xi32, #tpu.memory_space<vmem>>
      %dma_wait3A_677 = tpu.memref_squeeze %dma_wait3A_676 : memref<1x16x64xi32, #tpu.memory_space<vmem>> -> memref<16x64xi32, #tpu.memory_space<vmem>>
      %dma_wait3A_678 = arith.constant 0 : i32
      %dma_wait3A_679 = tpu.memref_slice %dma_wait3A_677[%dma_wait3A_669, %dma_wait3A_678] : memref<16x64xi32, #tpu.memory_space<vmem>> -> memref<1x64xi32, #tpu.memory_space<vmem>>
      %dma_wait3A_680 = tpu.memref_squeeze %dma_wait3A_679 : memref<1x64xi32, #tpu.memory_space<vmem>> -> memref<64xi32, #tpu.memory_space<vmem>>
      %dma_wait3A_681 = arith.constant 0 : i32
      %dma_wait3A_682 = arith.constant 0 : i32
      %dma_wait3A_683 = tpu.memref_slice %arg14[%dma_wait3A_681, %dma_wait3A_682] : memref<10112x64xf32, #tpu.memory_space<vmem_shared>> -> memref<10112x64xf32, #tpu.memory_space<vmem_shared>>
      tpu.wait_indirect_dma semaphore(%arg29 : memref<!tpu.dma_semaphore, #tpu.memory_space<semaphore_mem>>) src(%dma_wait3A_673 : memref<64x64xf32, #tpu.memory_space<vmem>>) dst(%dma_wait3A_683 : memref<10112x64xf32, #tpu.memory_space<vmem_shared>>)
      %dma_start3A_684 = arith.constant 12 : i32
      %dma_start3A_685 = arith.constant 4 : i32
      %dma_start3A_686 = arith.constant 0 : i32
      %dma_start3A_687 = arith.constant 0 : i32
      %dma_start3A_688 = tpu.memref_slice %arg11[%dma_start3A_685, %dma_start3A_686, %dma_start3A_687] : memref<8x64x64xf32, #tpu.memory_space<vmem>> -> memref<1x64x64xf32, #tpu.memory_space<vmem>>
      %dma_start3A_689 = tpu.memref_squeeze %dma_start3A_688 : memref<1x64x64xf32, #tpu.memory_space<vmem>> -> memref<64x64xf32, #tpu.memory_space<vmem>>
      %dma_start3A_690 = arith.constant 0 : i32
      %dma_start3A_691 = arith.constant 0 : i32
      %dma_start3A_692 = tpu.memref_slice %arg9[%rem3A_200, %dma_start3A_690, %dma_start3A_691] : memref<2x16x64xi32, #tpu.memory_space<vmem>> -> memref<1x16x64xi32, #tpu.memory_space<vmem>>
      %dma_start3A_693 = tpu.memref_squeeze %dma_start3A_692 : memref<1x16x64xi32, #tpu.memory_space<vmem>> -> memref<16x64xi32, #tpu.memory_space<vmem>>
      %dma_start3A_694 = arith.constant 0 : i32
      %dma_start3A_695 = tpu.memref_slice %dma_start3A_693[%dma_start3A_684, %dma_start3A_694] : memref<16x64xi32, #tpu.memory_space<vmem>> -> memref<1x64xi32, #tpu.memory_space<vmem>>
      %dma_start3A_696 = tpu.memref_squeeze %dma_start3A_695 : memref<1x64xi32, #tpu.memory_space<vmem>> -> memref<64xi32, #tpu.memory_space<vmem>>
      %dma_start3A_697 = arith.constant 0 : i32
      %dma_start3A_698 = arith.constant 0 : i32
      %dma_start3A_699 = tpu.memref_slice %arg13[%dma_start3A_697, %dma_start3A_698] : memref<10112x64xf32, #tpu.memory_space<vmem_shared>> -> memref<10112x64xf32, #tpu.memory_space<vmem_shared>>
      tpu.enqueue_indirect_dma source(%dma_start3A_699 : memref<10112x64xf32, #tpu.memory_space<vmem_shared>>) target(%dma_start3A_689 : memref<64x64xf32, #tpu.memory_space<vmem>>) offsets(%dma_start3A_696 : memref<64xi32, #tpu.memory_space<vmem>>) semaphore(%arg21 : memref<!tpu.dma_semaphore, #tpu.memory_space<semaphore_mem>>)
      %dma_wait3A_700 = arith.constant 5 : i32
      %dma_wait3A_701 = arith.constant 5 : i32
      %dma_wait3A_702 = arith.constant 0 : i32
      %dma_wait3A_703 = arith.constant 0 : i32
      %dma_wait3A_704 = tpu.memref_slice %arg11[%dma_wait3A_701, %dma_wait3A_702, %dma_wait3A_703] : memref<8x64x64xf32, #tpu.memory_space<vmem>> -> memref<1x64x64xf32, #tpu.memory_space<vmem>>
      %dma_wait3A_705 = tpu.memref_squeeze %dma_wait3A_704 : memref<1x64x64xf32, #tpu.memory_space<vmem>> -> memref<64x64xf32, #tpu.memory_space<vmem>>
      %dma_wait3A_706 = arith.constant 0 : i32
      %dma_wait3A_707 = arith.constant 0 : i32
      %dma_wait3A_708 = tpu.memref_slice %arg9[%rem3A_200, %dma_wait3A_706, %dma_wait3A_707] : memref<2x16x64xi32, #tpu.memory_space<vmem>> -> memref<1x16x64xi32, #tpu.memory_space<vmem>>
      %dma_wait3A_709 = tpu.memref_squeeze %dma_wait3A_708 : memref<1x16x64xi32, #tpu.memory_space<vmem>> -> memref<16x64xi32, #tpu.memory_space<vmem>>
      %dma_wait3A_710 = arith.constant 0 : i32
      %dma_wait3A_711 = tpu.memref_slice %dma_wait3A_709[%dma_wait3A_700, %dma_wait3A_710] : memref<16x64xi32, #tpu.memory_space<vmem>> -> memref<1x64xi32, #tpu.memory_space<vmem>>
      %dma_wait3A_712 = tpu.memref_squeeze %dma_wait3A_711 : memref<1x64xi32, #tpu.memory_space<vmem>> -> memref<64xi32, #tpu.memory_space<vmem>>
      %dma_wait3A_713 = arith.constant 0 : i32
      %dma_wait3A_714 = arith.constant 0 : i32
      %dma_wait3A_715 = tpu.memref_slice %arg13[%dma_wait3A_713, %dma_wait3A_714] : memref<10112x64xf32, #tpu.memory_space<vmem_shared>> -> memref<10112x64xf32, #tpu.memory_space<vmem_shared>>
      tpu.wait_indirect_dma semaphore(%arg22 : memref<!tpu.dma_semaphore, #tpu.memory_space<semaphore_mem>>) src(%dma_wait3A_715 : memref<10112x64xf32, #tpu.memory_space<vmem_shared>>) dst(%dma_wait3A_705 : memref<64x64xf32, #tpu.memory_space<vmem>>)
      %dma_start3A_716 = arith.constant 5 : i32
      %dma_start3A_717 = arith.constant 5 : i32
      %dma_start3A_718 = arith.constant 0 : i32
      %dma_start3A_719 = arith.constant 0 : i32
      %dma_start3A_720 = tpu.memref_slice %arg11[%dma_start3A_716, %dma_start3A_718, %dma_start3A_719] : memref<8x64x64xf32, #tpu.memory_space<vmem>> -> memref<1x64x64xf32, #tpu.memory_space<vmem>>
      %dma_start3A_721 = tpu.memref_squeeze %dma_start3A_720 : memref<1x64x64xf32, #tpu.memory_space<vmem>> -> memref<64x64xf32, #tpu.memory_space<vmem>>
      %dma_start3A_722 = arith.constant 0 : i32
      %dma_start3A_723 = arith.constant 0 : i32
      %dma_start3A_724 = tpu.memref_slice %arg10[%rem3A_200, %dma_start3A_722, %dma_start3A_723] : memref<2x16x64xi32, #tpu.memory_space<vmem>> -> memref<1x16x64xi32, #tpu.memory_space<vmem>>
      %dma_start3A_725 = tpu.memref_squeeze %dma_start3A_724 : memref<1x16x64xi32, #tpu.memory_space<vmem>> -> memref<16x64xi32, #tpu.memory_space<vmem>>
      %dma_start3A_726 = arith.constant 0 : i32
      %dma_start3A_727 = tpu.memref_slice %dma_start3A_725[%dma_start3A_717, %dma_start3A_726] : memref<16x64xi32, #tpu.memory_space<vmem>> -> memref<1x64xi32, #tpu.memory_space<vmem>>
      %dma_start3A_728 = tpu.memref_squeeze %dma_start3A_727 : memref<1x64xi32, #tpu.memory_space<vmem>> -> memref<64xi32, #tpu.memory_space<vmem>>
      %dma_start3A_729 = arith.constant 0 : i32
      %dma_start3A_730 = arith.constant 0 : i32
      %dma_start3A_731 = tpu.memref_slice %arg14[%dma_start3A_729, %dma_start3A_730] : memref<10112x64xf32, #tpu.memory_space<vmem_shared>> -> memref<10112x64xf32, #tpu.memory_space<vmem_shared>>
      tpu.enqueue_indirect_dma source(%dma_start3A_721 : memref<64x64xf32, #tpu.memory_space<vmem>>) target(%dma_start3A_731 : memref<10112x64xf32, #tpu.memory_space<vmem_shared>>) offsets(%dma_start3A_728 : memref<64xi32, #tpu.memory_space<vmem>>) semaphore(%arg30 : memref<!tpu.dma_semaphore, #tpu.memory_space<semaphore_mem>>) {add = true}
      %dma_wait3A_732 = arith.constant 5 : i32
      %dma_wait3A_733 = arith.constant 5 : i32
      %dma_wait3A_734 = arith.constant 0 : i32
      %dma_wait3A_735 = arith.constant 0 : i32
      %dma_wait3A_736 = tpu.memref_slice %arg11[%dma_wait3A_732, %dma_wait3A_734, %dma_wait3A_735] : memref<8x64x64xf32, #tpu.memory_space<vmem>> -> memref<1x64x64xf32, #tpu.memory_space<vmem>>
      %dma_wait3A_737 = tpu.memref_squeeze %dma_wait3A_736 : memref<1x64x64xf32, #tpu.memory_space<vmem>> -> memref<64x64xf32, #tpu.memory_space<vmem>>
      %dma_wait3A_738 = arith.constant 0 : i32
      %dma_wait3A_739 = arith.constant 0 : i32
      %dma_wait3A_740 = tpu.memref_slice %arg10[%rem3A_200, %dma_wait3A_738, %dma_wait3A_739] : memref<2x16x64xi32, #tpu.memory_space<vmem>> -> memref<1x16x64xi32, #tpu.memory_space<vmem>>
      %dma_wait3A_741 = tpu.memref_squeeze %dma_wait3A_740 : memref<1x16x64xi32, #tpu.memory_space<vmem>> -> memref<16x64xi32, #tpu.memory_space<vmem>>
      %dma_wait3A_742 = arith.constant 0 : i32
      %dma_wait3A_743 = tpu.memref_slice %dma_wait3A_741[%dma_wait3A_733, %dma_wait3A_742] : memref<16x64xi32, #tpu.memory_space<vmem>> -> memref<1x64xi32, #tpu.memory_space<vmem>>
      %dma_wait3A_744 = tpu.memref_squeeze %dma_wait3A_743 : memref<1x64xi32, #tpu.memory_space<vmem>> -> memref<64xi32, #tpu.memory_space<vmem>>
      %dma_wait3A_745 = arith.constant 0 : i32
      %dma_wait3A_746 = arith.constant 0 : i32
      %dma_wait3A_747 = tpu.memref_slice %arg14[%dma_wait3A_745, %dma_wait3A_746] : memref<10112x64xf32, #tpu.memory_space<vmem_shared>> -> memref<10112x64xf32, #tpu.memory_space<vmem_shared>>
      tpu.wait_indirect_dma semaphore(%arg30 : memref<!tpu.dma_semaphore, #tpu.memory_space<semaphore_mem>>) src(%dma_wait3A_737 : memref<64x64xf32, #tpu.memory_space<vmem>>) dst(%dma_wait3A_747 : memref<10112x64xf32, #tpu.memory_space<vmem_shared>>)
      %dma_start3A_748 = arith.constant 13 : i32
      %dma_start3A_749 = arith.constant 5 : i32
      %dma_start3A_750 = arith.constant 0 : i32
      %dma_start3A_751 = arith.constant 0 : i32
      %dma_start3A_752 = tpu.memref_slice %arg11[%dma_start3A_749, %dma_start3A_750, %dma_start3A_751] : memref<8x64x64xf32, #tpu.memory_space<vmem>> -> memref<1x64x64xf32, #tpu.memory_space<vmem>>
      %dma_start3A_753 = tpu.memref_squeeze %dma_start3A_752 : memref<1x64x64xf32, #tpu.memory_space<vmem>> -> memref<64x64xf32, #tpu.memory_space<vmem>>
      %dma_start3A_754 = arith.constant 0 : i32
      %dma_start3A_755 = arith.constant 0 : i32
      %dma_start3A_756 = tpu.memref_slice %arg9[%rem3A_200, %dma_start3A_754, %dma_start3A_755] : memref<2x16x64xi32, #tpu.memory_space<vmem>> -> memref<1x16x64xi32, #tpu.memory_space<vmem>>
      %dma_start3A_757 = tpu.memref_squeeze %dma_start3A_756 : memref<1x16x64xi32, #tpu.memory_space<vmem>> -> memref<16x64xi32, #tpu.memory_space<vmem>>
      %dma_start3A_758 = arith.constant 0 : i32
      %dma_start3A_759 = tpu.memref_slice %dma_start3A_757[%dma_start3A_748, %dma_start3A_758] : memref<16x64xi32, #tpu.memory_space<vmem>> -> memref<1x64xi32, #tpu.memory_space<vmem>>
      %dma_start3A_760 = tpu.memref_squeeze %dma_start3A_759 : memref<1x64xi32, #tpu.memory_space<vmem>> -> memref<64xi32, #tpu.memory_space<vmem>>
      %dma_start3A_761 = arith.constant 0 : i32
      %dma_start3A_762 = arith.constant 0 : i32
      %dma_start3A_763 = tpu.memref_slice %arg13[%dma_start3A_761, %dma_start3A_762] : memref<10112x64xf32, #tpu.memory_space<vmem_shared>> -> memref<10112x64xf32, #tpu.memory_space<vmem_shared>>
      tpu.enqueue_indirect_dma source(%dma_start3A_763 : memref<10112x64xf32, #tpu.memory_space<vmem_shared>>) target(%dma_start3A_753 : memref<64x64xf32, #tpu.memory_space<vmem>>) offsets(%dma_start3A_760 : memref<64xi32, #tpu.memory_space<vmem>>) semaphore(%arg22 : memref<!tpu.dma_semaphore, #tpu.memory_space<semaphore_mem>>)
      %dma_wait3A_764 = arith.constant 6 : i32
      %dma_wait3A_765 = arith.constant 6 : i32
      %dma_wait3A_766 = arith.constant 0 : i32
      %dma_wait3A_767 = arith.constant 0 : i32
      %dma_wait3A_768 = tpu.memref_slice %arg11[%dma_wait3A_765, %dma_wait3A_766, %dma_wait3A_767] : memref<8x64x64xf32, #tpu.memory_space<vmem>> -> memref<1x64x64xf32, #tpu.memory_space<vmem>>
      %dma_wait3A_769 = tpu.memref_squeeze %dma_wait3A_768 : memref<1x64x64xf32, #tpu.memory_space<vmem>> -> memref<64x64xf32, #tpu.memory_space<vmem>>
      %dma_wait3A_770 = arith.constant 0 : i32
      %dma_wait3A_771 = arith.constant 0 : i32
      %dma_wait3A_772 = tpu.memref_slice %arg9[%rem3A_200, %dma_wait3A_770, %dma_wait3A_771] : memref<2x16x64xi32, #tpu.memory_space<vmem>> -> memref<1x16x64xi32, #tpu.memory_space<vmem>>
      %dma_wait3A_773 = tpu.memref_squeeze %dma_wait3A_772 : memref<1x16x64xi32, #tpu.memory_space<vmem>> -> memref<16x64xi32, #tpu.memory_space<vmem>>
      %dma_wait3A_774 = arith.constant 0 : i32
      %dma_wait3A_775 = tpu.memref_slice %dma_wait3A_773[%dma_wait3A_764, %dma_wait3A_774] : memref<16x64xi32, #tpu.memory_space<vmem>> -> memref<1x64xi32, #tpu.memory_space<vmem>>
      %dma_wait3A_776 = tpu.memref_squeeze %dma_wait3A_775 : memref<1x64xi32, #tpu.memory_space<vmem>> -> memref<64xi32, #tpu.memory_space<vmem>>
      %dma_wait3A_777 = arith.constant 0 : i32
      %dma_wait3A_778 = arith.constant 0 : i32
      %dma_wait3A_779 = tpu.memref_slice %arg13[%dma_wait3A_777, %dma_wait3A_778] : memref<10112x64xf32, #tpu.memory_space<vmem_shared>> -> memref<10112x64xf32, #tpu.memory_space<vmem_shared>>
      tpu.wait_indirect_dma semaphore(%arg23 : memref<!tpu.dma_semaphore, #tpu.memory_space<semaphore_mem>>) src(%dma_wait3A_779 : memref<10112x64xf32, #tpu.memory_space<vmem_shared>>) dst(%dma_wait3A_769 : memref<64x64xf32, #tpu.memory_space<vmem>>)
      %dma_start3A_780 = arith.constant 6 : i32
      %dma_start3A_781 = arith.constant 6 : i32
      %dma_start3A_782 = arith.constant 0 : i32
      %dma_start3A_783 = arith.constant 0 : i32
      %dma_start3A_784 = tpu.memref_slice %arg11[%dma_start3A_780, %dma_start3A_782, %dma_start3A_783] : memref<8x64x64xf32, #tpu.memory_space<vmem>> -> memref<1x64x64xf32, #tpu.memory_space<vmem>>
      %dma_start3A_785 = tpu.memref_squeeze %dma_start3A_784 : memref<1x64x64xf32, #tpu.memory_space<vmem>> -> memref<64x64xf32, #tpu.memory_space<vmem>>
      %dma_start3A_786 = arith.constant 0 : i32
      %dma_start3A_787 = arith.constant 0 : i32
      %dma_start3A_788 = tpu.memref_slice %arg10[%rem3A_200, %dma_start3A_786, %dma_start3A_787] : memref<2x16x64xi32, #tpu.memory_space<vmem>> -> memref<1x16x64xi32, #tpu.memory_space<vmem>>
      %dma_start3A_789 = tpu.memref_squeeze %dma_start3A_788 : memref<1x16x64xi32, #tpu.memory_space<vmem>> -> memref<16x64xi32, #tpu.memory_space<vmem>>
      %dma_start3A_790 = arith.constant 0 : i32
      %dma_start3A_791 = tpu.memref_slice %dma_start3A_789[%dma_start3A_781, %dma_start3A_790] : memref<16x64xi32, #tpu.memory_space<vmem>> -> memref<1x64xi32, #tpu.memory_space<vmem>>
      %dma_start3A_792 = tpu.memref_squeeze %dma_start3A_791 : memref<1x64xi32, #tpu.memory_space<vmem>> -> memref<64xi32, #tpu.memory_space<vmem>>
      %dma_start3A_793 = arith.constant 0 : i32
      %dma_start3A_794 = arith.constant 0 : i32
      %dma_start3A_795 = tpu.memref_slice %arg14[%dma_start3A_793, %dma_start3A_794] : memref<10112x64xf32, #tpu.memory_space<vmem_shared>> -> memref<10112x64xf32, #tpu.memory_space<vmem_shared>>
      tpu.enqueue_indirect_dma source(%dma_start3A_785 : memref<64x64xf32, #tpu.memory_space<vmem>>) target(%dma_start3A_795 : memref<10112x64xf32, #tpu.memory_space<vmem_shared>>) offsets(%dma_start3A_792 : memref<64xi32, #tpu.memory_space<vmem>>) semaphore(%arg31 : memref<!tpu.dma_semaphore, #tpu.memory_space<semaphore_mem>>) {add = true}
      %dma_wait3A_796 = arith.constant 6 : i32
      %dma_wait3A_797 = arith.constant 6 : i32
      %dma_wait3A_798 = arith.constant 0 : i32
      %dma_wait3A_799 = arith.constant 0 : i32
      %dma_wait3A_800 = tpu.memref_slice %arg11[%dma_wait3A_796, %dma_wait3A_798, %dma_wait3A_799] : memref<8x64x64xf32, #tpu.memory_space<vmem>> -> memref<1x64x64xf32, #tpu.memory_space<vmem>>
      %dma_wait3A_801 = tpu.memref_squeeze %dma_wait3A_800 : memref<1x64x64xf32, #tpu.memory_space<vmem>> -> memref<64x64xf32, #tpu.memory_space<vmem>>
      %dma_wait3A_802 = arith.constant 0 : i32
      %dma_wait3A_803 = arith.constant 0 : i32
      %dma_wait3A_804 = tpu.memref_slice %arg10[%rem3A_200, %dma_wait3A_802, %dma_wait3A_803] : memref<2x16x64xi32, #tpu.memory_space<vmem>> -> memref<1x16x64xi32, #tpu.memory_space<vmem>>
      %dma_wait3A_805 = tpu.memref_squeeze %dma_wait3A_804 : memref<1x16x64xi32, #tpu.memory_space<vmem>> -> memref<16x64xi32, #tpu.memory_space<vmem>>
      %dma_wait3A_806 = arith.constant 0 : i32
      %dma_wait3A_807 = tpu.memref_slice %dma_wait3A_805[%dma_wait3A_797, %dma_wait3A_806] : memref<16x64xi32, #tpu.memory_space<vmem>> -> memref<1x64xi32, #tpu.memory_space<vmem>>
      %dma_wait3A_808 = tpu.memref_squeeze %dma_wait3A_807 : memref<1x64xi32, #tpu.memory_space<vmem>> -> memref<64xi32, #tpu.memory_space<vmem>>
      %dma_wait3A_809 = arith.constant 0 : i32
      %dma_wait3A_810 = arith.constant 0 : i32
      %dma_wait3A_811 = tpu.memref_slice %arg14[%dma_wait3A_809, %dma_wait3A_810] : memref<10112x64xf32, #tpu.memory_space<vmem_shared>> -> memref<10112x64xf32, #tpu.memory_space<vmem_shared>>
      tpu.wait_indirect_dma semaphore(%arg31 : memref<!tpu.dma_semaphore, #tpu.memory_space<semaphore_mem>>) src(%dma_wait3A_801 : memref<64x64xf32, #tpu.memory_space<vmem>>) dst(%dma_wait3A_811 : memref<10112x64xf32, #tpu.memory_space<vmem_shared>>)
      %dma_start3A_812 = arith.constant 14 : i32
      %dma_start3A_813 = arith.constant 6 : i32
      %dma_start3A_814 = arith.constant 0 : i32
      %dma_start3A_815 = arith.constant 0 : i32
      %dma_start3A_816 = tpu.memref_slice %arg11[%dma_start3A_813, %dma_start3A_814, %dma_start3A_815] : memref<8x64x64xf32, #tpu.memory_space<vmem>> -> memref<1x64x64xf32, #tpu.memory_space<vmem>>
      %dma_start3A_817 = tpu.memref_squeeze %dma_start3A_816 : memref<1x64x64xf32, #tpu.memory_space<vmem>> -> memref<64x64xf32, #tpu.memory_space<vmem>>
      %dma_start3A_818 = arith.constant 0 : i32
      %dma_start3A_819 = arith.constant 0 : i32
      %dma_start3A_820 = tpu.memref_slice %arg9[%rem3A_200, %dma_start3A_818, %dma_start3A_819] : memref<2x16x64xi32, #tpu.memory_space<vmem>> -> memref<1x16x64xi32, #tpu.memory_space<vmem>>
      %dma_start3A_821 = tpu.memref_squeeze %dma_start3A_820 : memref<1x16x64xi32, #tpu.memory_space<vmem>> -> memref<16x64xi32, #tpu.memory_space<vmem>>
      %dma_start3A_822 = arith.constant 0 : i32
      %dma_start3A_823 = tpu.memref_slice %dma_start3A_821[%dma_start3A_812, %dma_start3A_822] : memref<16x64xi32, #tpu.memory_space<vmem>> -> memref<1x64xi32, #tpu.memory_space<vmem>>
      %dma_start3A_824 = tpu.memref_squeeze %dma_start3A_823 : memref<1x64xi32, #tpu.memory_space<vmem>> -> memref<64xi32, #tpu.memory_space<vmem>>
      %dma_start3A_825 = arith.constant 0 : i32
      %dma_start3A_826 = arith.constant 0 : i32
      %dma_start3A_827 = tpu.memref_slice %arg13[%dma_start3A_825, %dma_start3A_826] : memref<10112x64xf32, #tpu.memory_space<vmem_shared>> -> memref<10112x64xf32, #tpu.memory_space<vmem_shared>>
      tpu.enqueue_indirect_dma source(%dma_start3A_827 : memref<10112x64xf32, #tpu.memory_space<vmem_shared>>) target(%dma_start3A_817 : memref<64x64xf32, #tpu.memory_space<vmem>>) offsets(%dma_start3A_824 : memref<64xi32, #tpu.memory_space<vmem>>) semaphore(%arg23 : memref<!tpu.dma_semaphore, #tpu.memory_space<semaphore_mem>>)
      %dma_wait3A_828 = arith.constant 7 : i32
      %dma_wait3A_829 = arith.constant 7 : i32
      %dma_wait3A_830 = arith.constant 0 : i32
      %dma_wait3A_831 = arith.constant 0 : i32
      %dma_wait3A_832 = tpu.memref_slice %arg11[%dma_wait3A_829, %dma_wait3A_830, %dma_wait3A_831] : memref<8x64x64xf32, #tpu.memory_space<vmem>> -> memref<1x64x64xf32, #tpu.memory_space<vmem>>
      %dma_wait3A_833 = tpu.memref_squeeze %dma_wait3A_832 : memref<1x64x64xf32, #tpu.memory_space<vmem>> -> memref<64x64xf32, #tpu.memory_space<vmem>>
      %dma_wait3A_834 = arith.constant 0 : i32
      %dma_wait3A_835 = arith.constant 0 : i32
      %dma_wait3A_836 = tpu.memref_slice %arg9[%rem3A_200, %dma_wait3A_834, %dma_wait3A_835] : memref<2x16x64xi32, #tpu.memory_space<vmem>> -> memref<1x16x64xi32, #tpu.memory_space<vmem>>
      %dma_wait3A_837 = tpu.memref_squeeze %dma_wait3A_836 : memref<1x16x64xi32, #tpu.memory_space<vmem>> -> memref<16x64xi32, #tpu.memory_space<vmem>>
      %dma_wait3A_838 = arith.constant 0 : i32
      %dma_wait3A_839 = tpu.memref_slice %dma_wait3A_837[%dma_wait3A_828, %dma_wait3A_838] : memref<16x64xi32, #tpu.memory_space<vmem>> -> memref<1x64xi32, #tpu.memory_space<vmem>>
      %dma_wait3A_840 = tpu.memref_squeeze %dma_wait3A_839 : memref<1x64xi32, #tpu.memory_space<vmem>> -> memref<64xi32, #tpu.memory_space<vmem>>
      %dma_wait3A_841 = arith.constant 0 : i32
      %dma_wait3A_842 = arith.constant 0 : i32
      %dma_wait3A_843 = tpu.memref_slice %arg13[%dma_wait3A_841, %dma_wait3A_842] : memref<10112x64xf32, #tpu.memory_space<vmem_shared>> -> memref<10112x64xf32, #tpu.memory_space<vmem_shared>>
      tpu.wait_indirect_dma semaphore(%arg24 : memref<!tpu.dma_semaphore, #tpu.memory_space<semaphore_mem>>) src(%dma_wait3A_843 : memref<10112x64xf32, #tpu.memory_space<vmem_shared>>) dst(%dma_wait3A_833 : memref<64x64xf32, #tpu.memory_space<vmem>>)
      %dma_start3A_844 = arith.constant 7 : i32
      %dma_start3A_845 = arith.constant 7 : i32
      %dma_start3A_846 = arith.constant 0 : i32
      %dma_start3A_847 = arith.constant 0 : i32
      %dma_start3A_848 = tpu.memref_slice %arg11[%dma_start3A_844, %dma_start3A_846, %dma_start3A_847] : memref<8x64x64xf32, #tpu.memory_space<vmem>> -> memref<1x64x64xf32, #tpu.memory_space<vmem>>
      %dma_start3A_849 = tpu.memref_squeeze %dma_start3A_848 : memref<1x64x64xf32, #tpu.memory_space<vmem>> -> memref<64x64xf32, #tpu.memory_space<vmem>>
      %dma_start3A_850 = arith.constant 0 : i32
      %dma_start3A_851 = arith.constant 0 : i32
      %dma_start3A_852 = tpu.memref_slice %arg10[%rem3A_200, %dma_start3A_850, %dma_start3A_851] : memref<2x16x64xi32, #tpu.memory_space<vmem>> -> memref<1x16x64xi32, #tpu.memory_space<vmem>>
      %dma_start3A_853 = tpu.memref_squeeze %dma_start3A_852 : memref<1x16x64xi32, #tpu.memory_space<vmem>> -> memref<16x64xi32, #tpu.memory_space<vmem>>
      %dma_start3A_854 = arith.constant 0 : i32
      %dma_start3A_855 = tpu.memref_slice %dma_start3A_853[%dma_start3A_845, %dma_start3A_854] : memref<16x64xi32, #tpu.memory_space<vmem>> -> memref<1x64xi32, #tpu.memory_space<vmem>>
      %dma_start3A_856 = tpu.memref_squeeze %dma_start3A_855 : memref<1x64xi32, #tpu.memory_space<vmem>> -> memref<64xi32, #tpu.memory_space<vmem>>
      %dma_start3A_857 = arith.constant 0 : i32
      %dma_start3A_858 = arith.constant 0 : i32
      %dma_start3A_859 = tpu.memref_slice %arg14[%dma_start3A_857, %dma_start3A_858] : memref<10112x64xf32, #tpu.memory_space<vmem_shared>> -> memref<10112x64xf32, #tpu.memory_space<vmem_shared>>
      tpu.enqueue_indirect_dma source(%dma_start3A_849 : memref<64x64xf32, #tpu.memory_space<vmem>>) target(%dma_start3A_859 : memref<10112x64xf32, #tpu.memory_space<vmem_shared>>) offsets(%dma_start3A_856 : memref<64xi32, #tpu.memory_space<vmem>>) semaphore(%arg32 : memref<!tpu.dma_semaphore, #tpu.memory_space<semaphore_mem>>) {add = true}
      %dma_wait3A_860 = arith.constant 7 : i32
      %dma_wait3A_861 = arith.constant 7 : i32
      %dma_wait3A_862 = arith.constant 0 : i32
      %dma_wait3A_863 = arith.constant 0 : i32
      %dma_wait3A_864 = tpu.memref_slice %arg11[%dma_wait3A_860, %dma_wait3A_862, %dma_wait3A_863] : memref<8x64x64xf32, #tpu.memory_space<vmem>> -> memref<1x64x64xf32, #tpu.memory_space<vmem>>
      %dma_wait3A_865 = tpu.memref_squeeze %dma_wait3A_864 : memref<1x64x64xf32, #tpu.memory_space<vmem>> -> memref<64x64xf32, #tpu.memory_space<vmem>>
      %dma_wait3A_866 = arith.constant 0 : i32
      %dma_wait3A_867 = arith.constant 0 : i32
      %dma_wait3A_868 = tpu.memref_slice %arg10[%rem3A_200, %dma_wait3A_866, %dma_wait3A_867] : memref<2x16x64xi32, #tpu.memory_space<vmem>> -> memref<1x16x64xi32, #tpu.memory_space<vmem>>
      %dma_wait3A_869 = tpu.memref_squeeze %dma_wait3A_868 : memref<1x16x64xi32, #tpu.memory_space<vmem>> -> memref<16x64xi32, #tpu.memory_space<vmem>>
      %dma_wait3A_870 = arith.constant 0 : i32
      %dma_wait3A_871 = tpu.memref_slice %dma_wait3A_869[%dma_wait3A_861, %dma_wait3A_870] : memref<16x64xi32, #tpu.memory_space<vmem>> -> memref<1x64xi32, #tpu.memory_space<vmem>>
      %dma_wait3A_872 = tpu.memref_squeeze %dma_wait3A_871 : memref<1x64xi32, #tpu.memory_space<vmem>> -> memref<64xi32, #tpu.memory_space<vmem>>
      %dma_wait3A_873 = arith.constant 0 : i32
      %dma_wait3A_874 = arith.constant 0 : i32
      %dma_wait3A_875 = tpu.memref_slice %arg14[%dma_wait3A_873, %dma_wait3A_874] : memref<10112x64xf32, #tpu.memory_space<vmem_shared>> -> memref<10112x64xf32, #tpu.memory_space<vmem_shared>>
      tpu.wait_indirect_dma semaphore(%arg32 : memref<!tpu.dma_semaphore, #tpu.memory_space<semaphore_mem>>) src(%dma_wait3A_865 : memref<64x64xf32, #tpu.memory_space<vmem>>) dst(%dma_wait3A_875 : memref<10112x64xf32, #tpu.memory_space<vmem_shared>>)
      %dma_start3A_876 = arith.constant 15 : i32
      %dma_start3A_877 = arith.constant 7 : i32
      %dma_start3A_878 = arith.constant 0 : i32
      %dma_start3A_879 = arith.constant 0 : i32
      %dma_start3A_880 = tpu.memref_slice %arg11[%dma_start3A_877, %dma_start3A_878, %dma_start3A_879] : memref<8x64x64xf32, #tpu.memory_space<vmem>> -> memref<1x64x64xf32, #tpu.memory_space<vmem>>
      %dma_start3A_881 = tpu.memref_squeeze %dma_start3A_880 : memref<1x64x64xf32, #tpu.memory_space<vmem>> -> memref<64x64xf32, #tpu.memory_space<vmem>>
      %dma_start3A_882 = arith.constant 0 : i32
      %dma_start3A_883 = arith.constant 0 : i32
      %dma_start3A_884 = tpu.memref_slice %arg9[%rem3A_200, %dma_start3A_882, %dma_start3A_883] : memref<2x16x64xi32, #tpu.memory_space<vmem>> -> memref<1x16x64xi32, #tpu.memory_space<vmem>>
      %dma_start3A_885 = tpu.memref_squeeze %dma_start3A_884 : memref<1x16x64xi32, #tpu.memory_space<vmem>> -> memref<16x64xi32, #tpu.memory_space<vmem>>
      %dma_start3A_886 = arith.constant 0 : i32
      %dma_start3A_887 = tpu.memref_slice %dma_start3A_885[%dma_start3A_876, %dma_start3A_886] : memref<16x64xi32, #tpu.memory_space<vmem>> -> memref<1x64xi32, #tpu.memory_space<vmem>>
      %dma_start3A_888 = tpu.memref_squeeze %dma_start3A_887 : memref<1x64xi32, #tpu.memory_space<vmem>> -> memref<64xi32, #tpu.memory_space<vmem>>
      %dma_start3A_889 = arith.constant 0 : i32
      %dma_start3A_890 = arith.constant 0 : i32
      %dma_start3A_891 = tpu.memref_slice %arg13[%dma_start3A_889, %dma_start3A_890] : memref<10112x64xf32, #tpu.memory_space<vmem_shared>> -> memref<10112x64xf32, #tpu.memory_space<vmem_shared>>
      tpu.enqueue_indirect_dma source(%dma_start3A_891 : memref<10112x64xf32, #tpu.memory_space<vmem_shared>>) target(%dma_start3A_881 : memref<64x64xf32, #tpu.memory_space<vmem>>) offsets(%dma_start3A_888 : memref<64xi32, #tpu.memory_space<vmem>>) semaphore(%arg24 : memref<!tpu.dma_semaphore, #tpu.memory_space<semaphore_mem>>)
      %dma_wait3A_892 = arith.constant 8 : i32
      %dma_wait3A_893 = arith.constant 0 : i32
      %dma_wait3A_894 = arith.constant 0 : i32
      %dma_wait3A_895 = arith.constant 0 : i32
      %dma_wait3A_896 = tpu.memref_slice %arg11[%dma_wait3A_893, %dma_wait3A_894, %dma_wait3A_895] : memref<8x64x64xf32, #tpu.memory_space<vmem>> -> memref<1x64x64xf32, #tpu.memory_space<vmem>>
      %dma_wait3A_897 = tpu.memref_squeeze %dma_wait3A_896 : memref<1x64x64xf32, #tpu.memory_space<vmem>> -> memref<64x64xf32, #tpu.memory_space<vmem>>
      %dma_wait3A_898 = arith.constant 0 : i32
      %dma_wait3A_899 = arith.constant 0 : i32
      %dma_wait3A_900 = tpu.memref_slice %arg9[%rem3A_200, %dma_wait3A_898, %dma_wait3A_899] : memref<2x16x64xi32, #tpu.memory_space<vmem>> -> memref<1x16x64xi32, #tpu.memory_space<vmem>>
      %dma_wait3A_901 = tpu.memref_squeeze %dma_wait3A_900 : memref<1x16x64xi32, #tpu.memory_space<vmem>> -> memref<16x64xi32, #tpu.memory_space<vmem>>
      %dma_wait3A_902 = arith.constant 0 : i32
      %dma_wait3A_903 = tpu.memref_slice %dma_wait3A_901[%dma_wait3A_892, %dma_wait3A_902] : memref<16x64xi32, #tpu.memory_space<vmem>> -> memref<1x64xi32, #tpu.memory_space<vmem>>
      %dma_wait3A_904 = tpu.memref_squeeze %dma_wait3A_903 : memref<1x64xi32, #tpu.memory_space<vmem>> -> memref<64xi32, #tpu.memory_space<vmem>>
      %dma_wait3A_905 = arith.constant 0 : i32
      %dma_wait3A_906 = arith.constant 0 : i32
      %dma_wait3A_907 = tpu.memref_slice %arg13[%dma_wait3A_905, %dma_wait3A_906] : memref<10112x64xf32, #tpu.memory_space<vmem_shared>> -> memref<10112x64xf32, #tpu.memory_space<vmem_shared>>
      tpu.wait_indirect_dma semaphore(%arg17 : memref<!tpu.dma_semaphore, #tpu.memory_space<semaphore_mem>>) src(%dma_wait3A_907 : memref<10112x64xf32, #tpu.memory_space<vmem_shared>>) dst(%dma_wait3A_897 : memref<64x64xf32, #tpu.memory_space<vmem>>)
      %dma_start3A_908 = arith.constant 0 : i32
      %dma_start3A_909 = arith.constant 8 : i32
      %dma_start3A_910 = arith.constant 0 : i32
      %dma_start3A_911 = arith.constant 0 : i32
      %dma_start3A_912 = tpu.memref_slice %arg11[%dma_start3A_908, %dma_start3A_910, %dma_start3A_911] : memref<8x64x64xf32, #tpu.memory_space<vmem>> -> memref<1x64x64xf32, #tpu.memory_space<vmem>>
      %dma_start3A_913 = tpu.memref_squeeze %dma_start3A_912 : memref<1x64x64xf32, #tpu.memory_space<vmem>> -> memref<64x64xf32, #tpu.memory_space<vmem>>
      %dma_start3A_914 = arith.constant 0 : i32
      %dma_start3A_915 = arith.constant 0 : i32
      %dma_start3A_916 = tpu.memref_slice %arg10[%rem3A_200, %dma_start3A_914, %dma_start3A_915] : memref<2x16x64xi32, #tpu.memory_space<vmem>> -> memref<1x16x64xi32, #tpu.memory_space<vmem>>
      %dma_start3A_917 = tpu.memref_squeeze %dma_start3A_916 : memref<1x16x64xi32, #tpu.memory_space<vmem>> -> memref<16x64xi32, #tpu.memory_space<vmem>>
      %dma_start3A_918 = arith.constant 0 : i32
      %dma_start3A_919 = tpu.memref_slice %dma_start3A_917[%dma_start3A_909, %dma_start3A_918] : memref<16x64xi32, #tpu.memory_space<vmem>> -> memref<1x64xi32, #tpu.memory_space<vmem>>
      %dma_start3A_920 = tpu.memref_squeeze %dma_start3A_919 : memref<1x64xi32, #tpu.memory_space<vmem>> -> memref<64xi32, #tpu.memory_space<vmem>>
      %dma_start3A_921 = arith.constant 0 : i32
      %dma_start3A_922 = arith.constant 0 : i32
      %dma_start3A_923 = tpu.memref_slice %arg14[%dma_start3A_921, %dma_start3A_922] : memref<10112x64xf32, #tpu.memory_space<vmem_shared>> -> memref<10112x64xf32, #tpu.memory_space<vmem_shared>>
      tpu.enqueue_indirect_dma source(%dma_start3A_913 : memref<64x64xf32, #tpu.memory_space<vmem>>) target(%dma_start3A_923 : memref<10112x64xf32, #tpu.memory_space<vmem_shared>>) offsets(%dma_start3A_920 : memref<64xi32, #tpu.memory_space<vmem>>) semaphore(%arg25 : memref<!tpu.dma_semaphore, #tpu.memory_space<semaphore_mem>>) {add = true}
      %dma_wait3A_924 = arith.constant 9 : i32
      %dma_wait3A_925 = arith.constant 1 : i32
      %dma_wait3A_926 = arith.constant 0 : i32
      %dma_wait3A_927 = arith.constant 0 : i32
      %dma_wait3A_928 = tpu.memref_slice %arg11[%dma_wait3A_925, %dma_wait3A_926, %dma_wait3A_927] : memref<8x64x64xf32, #tpu.memory_space<vmem>> -> memref<1x64x64xf32, #tpu.memory_space<vmem>>
      %dma_wait3A_929 = tpu.memref_squeeze %dma_wait3A_928 : memref<1x64x64xf32, #tpu.memory_space<vmem>> -> memref<64x64xf32, #tpu.memory_space<vmem>>
      %dma_wait3A_930 = arith.constant 0 : i32
      %dma_wait3A_931 = arith.constant 0 : i32
      %dma_wait3A_932 = tpu.memref_slice %arg9[%rem3A_200, %dma_wait3A_930, %dma_wait3A_931] : memref<2x16x64xi32, #tpu.memory_space<vmem>> -> memref<1x16x64xi32, #tpu.memory_space<vmem>>
      %dma_wait3A_933 = tpu.memref_squeeze %dma_wait3A_932 : memref<1x16x64xi32, #tpu.memory_space<vmem>> -> memref<16x64xi32, #tpu.memory_space<vmem>>
      %dma_wait3A_934 = arith.constant 0 : i32
      %dma_wait3A_935 = tpu.memref_slice %dma_wait3A_933[%dma_wait3A_924, %dma_wait3A_934] : memref<16x64xi32, #tpu.memory_space<vmem>> -> memref<1x64xi32, #tpu.memory_space<vmem>>
      %dma_wait3A_936 = tpu.memref_squeeze %dma_wait3A_935 : memref<1x64xi32, #tpu.memory_space<vmem>> -> memref<64xi32, #tpu.memory_space<vmem>>
      %dma_wait3A_937 = arith.constant 0 : i32
      %dma_wait3A_938 = arith.constant 0 : i32
      %dma_wait3A_939 = tpu.memref_slice %arg13[%dma_wait3A_937, %dma_wait3A_938] : memref<10112x64xf32, #tpu.memory_space<vmem_shared>> -> memref<10112x64xf32, #tpu.memory_space<vmem_shared>>
      tpu.wait_indirect_dma semaphore(%arg18 : memref<!tpu.dma_semaphore, #tpu.memory_space<semaphore_mem>>) src(%dma_wait3A_939 : memref<10112x64xf32, #tpu.memory_space<vmem_shared>>) dst(%dma_wait3A_929 : memref<64x64xf32, #tpu.memory_space<vmem>>)
      %dma_start3A_940 = arith.constant 1 : i32
      %dma_start3A_941 = arith.constant 9 : i32
      %dma_start3A_942 = arith.constant 0 : i32
      %dma_start3A_943 = arith.constant 0 : i32
      %dma_start3A_944 = tpu.memref_slice %arg11[%dma_start3A_940, %dma_start3A_942, %dma_start3A_943] : memref<8x64x64xf32, #tpu.memory_space<vmem>> -> memref<1x64x64xf32, #tpu.memory_space<vmem>>
      %dma_start3A_945 = tpu.memref_squeeze %dma_start3A_944 : memref<1x64x64xf32, #tpu.memory_space<vmem>> -> memref<64x64xf32, #tpu.memory_space<vmem>>
      %dma_start3A_946 = arith.constant 0 : i32
      %dma_start3A_947 = arith.constant 0 : i32
      %dma_start3A_948 = tpu.memref_slice %arg10[%rem3A_200, %dma_start3A_946, %dma_start3A_947] : memref<2x16x64xi32, #tpu.memory_space<vmem>> -> memref<1x16x64xi32, #tpu.memory_space<vmem>>
      %dma_start3A_949 = tpu.memref_squeeze %dma_start3A_948 : memref<1x16x64xi32, #tpu.memory_space<vmem>> -> memref<16x64xi32, #tpu.memory_space<vmem>>
      %dma_start3A_950 = arith.constant 0 : i32
      %dma_start3A_951 = tpu.memref_slice %dma_start3A_949[%dma_start3A_941, %dma_start3A_950] : memref<16x64xi32, #tpu.memory_space<vmem>> -> memref<1x64xi32, #tpu.memory_space<vmem>>
      %dma_start3A_952 = tpu.memref_squeeze %dma_start3A_951 : memref<1x64xi32, #tpu.memory_space<vmem>> -> memref<64xi32, #tpu.memory_space<vmem>>
      %dma_start3A_953 = arith.constant 0 : i32
      %dma_start3A_954 = arith.constant 0 : i32
      %dma_start3A_955 = tpu.memref_slice %arg14[%dma_start3A_953, %dma_start3A_954] : memref<10112x64xf32, #tpu.memory_space<vmem_shared>> -> memref<10112x64xf32, #tpu.memory_space<vmem_shared>>
      tpu.enqueue_indirect_dma source(%dma_start3A_945 : memref<64x64xf32, #tpu.memory_space<vmem>>) target(%dma_start3A_955 : memref<10112x64xf32, #tpu.memory_space<vmem_shared>>) offsets(%dma_start3A_952 : memref<64xi32, #tpu.memory_space<vmem>>) semaphore(%arg26 : memref<!tpu.dma_semaphore, #tpu.memory_space<semaphore_mem>>) {add = true}
      %dma_wait3A_956 = arith.constant 10 : i32
      %dma_wait3A_957 = arith.constant 2 : i32
      %dma_wait3A_958 = arith.constant 0 : i32
      %dma_wait3A_959 = arith.constant 0 : i32
      %dma_wait3A_960 = tpu.memref_slice %arg11[%dma_wait3A_957, %dma_wait3A_958, %dma_wait3A_959] : memref<8x64x64xf32, #tpu.memory_space<vmem>> -> memref<1x64x64xf32, #tpu.memory_space<vmem>>
      %dma_wait3A_961 = tpu.memref_squeeze %dma_wait3A_960 : memref<1x64x64xf32, #tpu.memory_space<vmem>> -> memref<64x64xf32, #tpu.memory_space<vmem>>
      %dma_wait3A_962 = arith.constant 0 : i32
      %dma_wait3A_963 = arith.constant 0 : i32
      %dma_wait3A_964 = tpu.memref_slice %arg9[%rem3A_200, %dma_wait3A_962, %dma_wait3A_963] : memref<2x16x64xi32, #tpu.memory_space<vmem>> -> memref<1x16x64xi32, #tpu.memory_space<vmem>>
      %dma_wait3A_965 = tpu.memref_squeeze %dma_wait3A_964 : memref<1x16x64xi32, #tpu.memory_space<vmem>> -> memref<16x64xi32, #tpu.memory_space<vmem>>
      %dma_wait3A_966 = arith.constant 0 : i32
      %dma_wait3A_967 = tpu.memref_slice %dma_wait3A_965[%dma_wait3A_956, %dma_wait3A_966] : memref<16x64xi32, #tpu.memory_space<vmem>> -> memref<1x64xi32, #tpu.memory_space<vmem>>
      %dma_wait3A_968 = tpu.memref_squeeze %dma_wait3A_967 : memref<1x64xi32, #tpu.memory_space<vmem>> -> memref<64xi32, #tpu.memory_space<vmem>>
      %dma_wait3A_969 = arith.constant 0 : i32
      %dma_wait3A_970 = arith.constant 0 : i32
      %dma_wait3A_971 = tpu.memref_slice %arg13[%dma_wait3A_969, %dma_wait3A_970] : memref<10112x64xf32, #tpu.memory_space<vmem_shared>> -> memref<10112x64xf32, #tpu.memory_space<vmem_shared>>
      tpu.wait_indirect_dma semaphore(%arg19 : memref<!tpu.dma_semaphore, #tpu.memory_space<semaphore_mem>>) src(%dma_wait3A_971 : memref<10112x64xf32, #tpu.memory_space<vmem_shared>>) dst(%dma_wait3A_961 : memref<64x64xf32, #tpu.memory_space<vmem>>)
      %dma_start3A_972 = arith.constant 2 : i32
      %dma_start3A_973 = arith.constant 10 : i32
      %dma_start3A_974 = arith.constant 0 : i32
      %dma_start3A_975 = arith.constant 0 : i32
      %dma_start3A_976 = tpu.memref_slice %arg11[%dma_start3A_972, %dma_start3A_974, %dma_start3A_975] : memref<8x64x64xf32, #tpu.memory_space<vmem>> -> memref<1x64x64xf32, #tpu.memory_space<vmem>>
      %dma_start3A_977 = tpu.memref_squeeze %dma_start3A_976 : memref<1x64x64xf32, #tpu.memory_space<vmem>> -> memref<64x64xf32, #tpu.memory_space<vmem>>
      %dma_start3A_978 = arith.constant 0 : i32
      %dma_start3A_979 = arith.constant 0 : i32
      %dma_start3A_980 = tpu.memref_slice %arg10[%rem3A_200, %dma_start3A_978, %dma_start3A_979] : memref<2x16x64xi32, #tpu.memory_space<vmem>> -> memref<1x16x64xi32, #tpu.memory_space<vmem>>
      %dma_start3A_981 = tpu.memref_squeeze %dma_start3A_980 : memref<1x16x64xi32, #tpu.memory_space<vmem>> -> memref<16x64xi32, #tpu.memory_space<vmem>>
      %dma_start3A_982 = arith.constant 0 : i32
      %dma_start3A_983 = tpu.memref_slice %dma_start3A_981[%dma_start3A_973, %dma_start3A_982] : memref<16x64xi32, #tpu.memory_space<vmem>> -> memref<1x64xi32, #tpu.memory_space<vmem>>
      %dma_start3A_984 = tpu.memref_squeeze %dma_start3A_983 : memref<1x64xi32, #tpu.memory_space<vmem>> -> memref<64xi32, #tpu.memory_space<vmem>>
      %dma_start3A_985 = arith.constant 0 : i32
      %dma_start3A_986 = arith.constant 0 : i32
      %dma_start3A_987 = tpu.memref_slice %arg14[%dma_start3A_985, %dma_start3A_986] : memref<10112x64xf32, #tpu.memory_space<vmem_shared>> -> memref<10112x64xf32, #tpu.memory_space<vmem_shared>>
      tpu.enqueue_indirect_dma source(%dma_start3A_977 : memref<64x64xf32, #tpu.memory_space<vmem>>) target(%dma_start3A_987 : memref<10112x64xf32, #tpu.memory_space<vmem_shared>>) offsets(%dma_start3A_984 : memref<64xi32, #tpu.memory_space<vmem>>) semaphore(%arg27 : memref<!tpu.dma_semaphore, #tpu.memory_space<semaphore_mem>>) {add = true}
      %dma_wait3A_988 = arith.constant 11 : i32
      %dma_wait3A_989 = arith.constant 3 : i32
      %dma_wait3A_990 = arith.constant 0 : i32
      %dma_wait3A_991 = arith.constant 0 : i32
      %dma_wait3A_992 = tpu.memref_slice %arg11[%dma_wait3A_989, %dma_wait3A_990, %dma_wait3A_991] : memref<8x64x64xf32, #tpu.memory_space<vmem>> -> memref<1x64x64xf32, #tpu.memory_space<vmem>>
      %dma_wait3A_993 = tpu.memref_squeeze %dma_wait3A_992 : memref<1x64x64xf32, #tpu.memory_space<vmem>> -> memref<64x64xf32, #tpu.memory_space<vmem>>
      %dma_wait3A_994 = arith.constant 0 : i32
      %dma_wait3A_995 = arith.constant 0 : i32
      %dma_wait3A_996 = tpu.memref_slice %arg9[%rem3A_200, %dma_wait3A_994, %dma_wait3A_995] : memref<2x16x64xi32, #tpu.memory_space<vmem>> -> memref<1x16x64xi32, #tpu.memory_space<vmem>>
      %dma_wait3A_997 = tpu.memref_squeeze %dma_wait3A_996 : memref<1x16x64xi32, #tpu.memory_space<vmem>> -> memref<16x64xi32, #tpu.memory_space<vmem>>
      %dma_wait3A_998 = arith.constant 0 : i32
      %dma_wait3A_999 = tpu.memref_slice %dma_wait3A_997[%dma_wait3A_988, %dma_wait3A_998] : memref<16x64xi32, #tpu.memory_space<vmem>> -> memref<1x64xi32, #tpu.memory_space<vmem>>
      %dma_wait3A_1000 = tpu.memref_squeeze %dma_wait3A_999 : memref<1x64xi32, #tpu.memory_space<vmem>> -> memref<64xi32, #tpu.memory_space<vmem>>
      %dma_wait3A_1001 = arith.constant 0 : i32
      %dma_wait3A_1002 = arith.constant 0 : i32
      %dma_wait3A_1003 = tpu.memref_slice %arg13[%dma_wait3A_1001, %dma_wait3A_1002] : memref<10112x64xf32, #tpu.memory_space<vmem_shared>> -> memref<10112x64xf32, #tpu.memory_space<vmem_shared>>
      tpu.wait_indirect_dma semaphore(%arg20 : memref<!tpu.dma_semaphore, #tpu.memory_space<semaphore_mem>>) src(%dma_wait3A_1003 : memref<10112x64xf32, #tpu.memory_space<vmem_shared>>) dst(%dma_wait3A_993 : memref<64x64xf32, #tpu.memory_space<vmem>>)
      %dma_start3A_1004 = arith.constant 3 : i32
      %dma_start3A_1005 = arith.constant 11 : i32
      %dma_start3A_1006 = arith.constant 0 : i32
      %dma_start3A_1007 = arith.constant 0 : i32
      %dma_start3A_1008 = tpu.memref_slice %arg11[%dma_start3A_1004, %dma_start3A_1006, %dma_start3A_1007] : memref<8x64x64xf32, #tpu.memory_space<vmem>> -> memref<1x64x64xf32, #tpu.memory_space<vmem>>
      %dma_start3A_1009 = tpu.memref_squeeze %dma_start3A_1008 : memref<1x64x64xf32, #tpu.memory_space<vmem>> -> memref<64x64xf32, #tpu.memory_space<vmem>>
      %dma_start3A_1010 = arith.constant 0 : i32
      %dma_start3A_1011 = arith.constant 0 : i32
      %dma_start3A_1012 = tpu.memref_slice %arg10[%rem3A_200, %dma_start3A_1010, %dma_start3A_1011] : memref<2x16x64xi32, #tpu.memory_space<vmem>> -> memref<1x16x64xi32, #tpu.memory_space<vmem>>
      %dma_start3A_1013 = tpu.memref_squeeze %dma_start3A_1012 : memref<1x16x64xi32, #tpu.memory_space<vmem>> -> memref<16x64xi32, #tpu.memory_space<vmem>>
      %dma_start3A_1014 = arith.constant 0 : i32
      %dma_start3A_1015 = tpu.memref_slice %dma_start3A_1013[%dma_start3A_1005, %dma_start3A_1014] : memref<16x64xi32, #tpu.memory_space<vmem>> -> memref<1x64xi32, #tpu.memory_space<vmem>>
      %dma_start3A_1016 = tpu.memref_squeeze %dma_start3A_1015 : memref<1x64xi32, #tpu.memory_space<vmem>> -> memref<64xi32, #tpu.memory_space<vmem>>
      %dma_start3A_1017 = arith.constant 0 : i32
      %dma_start3A_1018 = arith.constant 0 : i32
      %dma_start3A_1019 = tpu.memref_slice %arg14[%dma_start3A_1017, %dma_start3A_1018] : memref<10112x64xf32, #tpu.memory_space<vmem_shared>> -> memref<10112x64xf32, #tpu.memory_space<vmem_shared>>
      tpu.enqueue_indirect_dma source(%dma_start3A_1009 : memref<64x64xf32, #tpu.memory_space<vmem>>) target(%dma_start3A_1019 : memref<10112x64xf32, #tpu.memory_space<vmem_shared>>) offsets(%dma_start3A_1016 : memref<64xi32, #tpu.memory_space<vmem>>) semaphore(%arg28 : memref<!tpu.dma_semaphore, #tpu.memory_space<semaphore_mem>>) {add = true}
      %dma_wait3A_1020 = arith.constant 12 : i32
      %dma_wait3A_1021 = arith.constant 4 : i32
      %dma_wait3A_1022 = arith.constant 0 : i32
      %dma_wait3A_1023 = arith.constant 0 : i32
      %dma_wait3A_1024 = tpu.memref_slice %arg11[%dma_wait3A_1021, %dma_wait3A_1022, %dma_wait3A_1023] : memref<8x64x64xf32, #tpu.memory_space<vmem>> -> memref<1x64x64xf32, #tpu.memory_space<vmem>>
      %dma_wait3A_1025 = tpu.memref_squeeze %dma_wait3A_1024 : memref<1x64x64xf32, #tpu.memory_space<vmem>> -> memref<64x64xf32, #tpu.memory_space<vmem>>
      %dma_wait3A_1026 = arith.constant 0 : i32
      %dma_wait3A_1027 = arith.constant 0 : i32
      %dma_wait3A_1028 = tpu.memref_slice %arg9[%rem3A_200, %dma_wait3A_1026, %dma_wait3A_1027] : memref<2x16x64xi32, #tpu.memory_space<vmem>> -> memref<1x16x64xi32, #tpu.memory_space<vmem>>
      %dma_wait3A_1029 = tpu.memref_squeeze %dma_wait3A_1028 : memref<1x16x64xi32, #tpu.memory_space<vmem>> -> memref<16x64xi32, #tpu.memory_space<vmem>>
      %dma_wait3A_1030 = arith.constant 0 : i32
      %dma_wait3A_1031 = tpu.memref_slice %dma_wait3A_1029[%dma_wait3A_1020, %dma_wait3A_1030] : memref<16x64xi32, #tpu.memory_space<vmem>> -> memref<1x64xi32, #tpu.memory_space<vmem>>
      %dma_wait3A_1032 = tpu.memref_squeeze %dma_wait3A_1031 : memref<1x64xi32, #tpu.memory_space<vmem>> -> memref<64xi32, #tpu.memory_space<vmem>>
      %dma_wait3A_1033 = arith.constant 0 : i32
      %dma_wait3A_1034 = arith.constant 0 : i32
      %dma_wait3A_1035 = tpu.memref_slice %arg13[%dma_wait3A_1033, %dma_wait3A_1034] : memref<10112x64xf32, #tpu.memory_space<vmem_shared>> -> memref<10112x64xf32, #tpu.memory_space<vmem_shared>>
      tpu.wait_indirect_dma semaphore(%arg21 : memref<!tpu.dma_semaphore, #tpu.memory_space<semaphore_mem>>) src(%dma_wait3A_1035 : memref<10112x64xf32, #tpu.memory_space<vmem_shared>>) dst(%dma_wait3A_1025 : memref<64x64xf32, #tpu.memory_space<vmem>>)
      %dma_start3A_1036 = arith.constant 4 : i32
      %dma_start3A_1037 = arith.constant 12 : i32
      %dma_start3A_1038 = arith.constant 0 : i32
      %dma_start3A_1039 = arith.constant 0 : i32
      %dma_start3A_1040 = tpu.memref_slice %arg11[%dma_start3A_1036, %dma_start3A_1038, %dma_start3A_1039] : memref<8x64x64xf32, #tpu.memory_space<vmem>> -> memref<1x64x64xf32, #tpu.memory_space<vmem>>
      %dma_start3A_1041 = tpu.memref_squeeze %dma_start3A_1040 : memref<1x64x64xf32, #tpu.memory_space<vmem>> -> memref<64x64xf32, #tpu.memory_space<vmem>>
      %dma_start3A_1042 = arith.constant 0 : i32
      %dma_start3A_1043 = arith.constant 0 : i32
      %dma_start3A_1044 = tpu.memref_slice %arg10[%rem3A_200, %dma_start3A_1042, %dma_start3A_1043] : memref<2x16x64xi32, #tpu.memory_space<vmem>> -> memref<1x16x64xi32, #tpu.memory_space<vmem>>
      %dma_start3A_1045 = tpu.memref_squeeze %dma_start3A_1044 : memref<1x16x64xi32, #tpu.memory_space<vmem>> -> memref<16x64xi32, #tpu.memory_space<vmem>>
      %dma_start3A_1046 = arith.constant 0 : i32
      %dma_start3A_1047 = tpu.memref_slice %dma_start3A_1045[%dma_start3A_1037, %dma_start3A_1046] : memref<16x64xi32, #tpu.memory_space<vmem>> -> memref<1x64xi32, #tpu.memory_space<vmem>>
      %dma_start3A_1048 = tpu.memref_squeeze %dma_start3A_1047 : memref<1x64xi32, #tpu.memory_space<vmem>> -> memref<64xi32, #tpu.memory_space<vmem>>
      %dma_start3A_1049 = arith.constant 0 : i32
      %dma_start3A_1050 = arith.constant 0 : i32
      %dma_start3A_1051 = tpu.memref_slice %arg14[%dma_start3A_1049, %dma_start3A_1050] : memref<10112x64xf32, #tpu.memory_space<vmem_shared>> -> memref<10112x64xf32, #tpu.memory_space<vmem_shared>>
      tpu.enqueue_indirect_dma source(%dma_start3A_1041 : memref<64x64xf32, #tpu.memory_space<vmem>>) target(%dma_start3A_1051 : memref<10112x64xf32, #tpu.memory_space<vmem_shared>>) offsets(%dma_start3A_1048 : memref<64xi32, #tpu.memory_space<vmem>>) semaphore(%arg29 : memref<!tpu.dma_semaphore, #tpu.memory_space<semaphore_mem>>) {add = true}
      %dma_wait3A_1052 = arith.constant 13 : i32
      %dma_wait3A_1053 = arith.constant 5 : i32
      %dma_wait3A_1054 = arith.constant 0 : i32
      %dma_wait3A_1055 = arith.constant 0 : i32
      %dma_wait3A_1056 = tpu.memref_slice %arg11[%dma_wait3A_1053, %dma_wait3A_1054, %dma_wait3A_1055] : memref<8x64x64xf32, #tpu.memory_space<vmem>> -> memref<1x64x64xf32, #tpu.memory_space<vmem>>
      %dma_wait3A_1057 = tpu.memref_squeeze %dma_wait3A_1056 : memref<1x64x64xf32, #tpu.memory_space<vmem>> -> memref<64x64xf32, #tpu.memory_space<vmem>>
      %dma_wait3A_1058 = arith.constant 0 : i32
      %dma_wait3A_1059 = arith.constant 0 : i32
      %dma_wait3A_1060 = tpu.memref_slice %arg9[%rem3A_200, %dma_wait3A_1058, %dma_wait3A_1059] : memref<2x16x64xi32, #tpu.memory_space<vmem>> -> memref<1x16x64xi32, #tpu.memory_space<vmem>>
      %dma_wait3A_1061 = tpu.memref_squeeze %dma_wait3A_1060 : memref<1x16x64xi32, #tpu.memory_space<vmem>> -> memref<16x64xi32, #tpu.memory_space<vmem>>
      %dma_wait3A_1062 = arith.constant 0 : i32
      %dma_wait3A_1063 = tpu.memref_slice %dma_wait3A_1061[%dma_wait3A_1052, %dma_wait3A_1062] : memref<16x64xi32, #tpu.memory_space<vmem>> -> memref<1x64xi32, #tpu.memory_space<vmem>>
      %dma_wait3A_1064 = tpu.memref_squeeze %dma_wait3A_1063 : memref<1x64xi32, #tpu.memory_space<vmem>> -> memref<64xi32, #tpu.memory_space<vmem>>
      %dma_wait3A_1065 = arith.constant 0 : i32
      %dma_wait3A_1066 = arith.constant 0 : i32
      %dma_wait3A_1067 = tpu.memref_slice %arg13[%dma_wait3A_1065, %dma_wait3A_1066] : memref<10112x64xf32, #tpu.memory_space<vmem_shared>> -> memref<10112x64xf32, #tpu.memory_space<vmem_shared>>
      tpu.wait_indirect_dma semaphore(%arg22 : memref<!tpu.dma_semaphore, #tpu.memory_space<semaphore_mem>>) src(%dma_wait3A_1067 : memref<10112x64xf32, #tpu.memory_space<vmem_shared>>) dst(%dma_wait3A_1057 : memref<64x64xf32, #tpu.memory_space<vmem>>)
      %dma_start3A_1068 = arith.constant 5 : i32
      %dma_start3A_1069 = arith.constant 13 : i32
      %dma_start3A_1070 = arith.constant 0 : i32
      %dma_start3A_1071 = arith.constant 0 : i32
      %dma_start3A_1072 = tpu.memref_slice %arg11[%dma_start3A_1068, %dma_start3A_1070, %dma_start3A_1071] : memref<8x64x64xf32, #tpu.memory_space<vmem>> -> memref<1x64x64xf32, #tpu.memory_space<vmem>>
      %dma_start3A_1073 = tpu.memref_squeeze %dma_start3A_1072 : memref<1x64x64xf32, #tpu.memory_space<vmem>> -> memref<64x64xf32, #tpu.memory_space<vmem>>
      %dma_start3A_1074 = arith.constant 0 : i32
      %dma_start3A_1075 = arith.constant 0 : i32
      %dma_start3A_1076 = tpu.memref_slice %arg10[%rem3A_200, %dma_start3A_1074, %dma_start3A_1075] : memref<2x16x64xi32, #tpu.memory_space<vmem>> -> memref<1x16x64xi32, #tpu.memory_space<vmem>>
      %dma_start3A_1077 = tpu.memref_squeeze %dma_start3A_1076 : memref<1x16x64xi32, #tpu.memory_space<vmem>> -> memref<16x64xi32, #tpu.memory_space<vmem>>
      %dma_start3A_1078 = arith.constant 0 : i32
      %dma_start3A_1079 = tpu.memref_slice %dma_start3A_1077[%dma_start3A_1069, %dma_start3A_1078] : memref<16x64xi32, #tpu.memory_space<vmem>> -> memref<1x64xi32, #tpu.memory_space<vmem>>
      %dma_start3A_1080 = tpu.memref_squeeze %dma_start3A_1079 : memref<1x64xi32, #tpu.memory_space<vmem>> -> memref<64xi32, #tpu.memory_space<vmem>>
      %dma_start3A_1081 = arith.constant 0 : i32
      %dma_start3A_1082 = arith.constant 0 : i32
      %dma_start3A_1083 = tpu.memref_slice %arg14[%dma_start3A_1081, %dma_start3A_1082] : memref<10112x64xf32, #tpu.memory_space<vmem_shared>> -> memref<10112x64xf32, #tpu.memory_space<vmem_shared>>
      tpu.enqueue_indirect_dma source(%dma_start3A_1073 : memref<64x64xf32, #tpu.memory_space<vmem>>) target(%dma_start3A_1083 : memref<10112x64xf32, #tpu.memory_space<vmem_shared>>) offsets(%dma_start3A_1080 : memref<64xi32, #tpu.memory_space<vmem>>) semaphore(%arg30 : memref<!tpu.dma_semaphore, #tpu.memory_space<semaphore_mem>>) {add = true}
      %dma_wait3A_1084 = arith.constant 14 : i32
      %dma_wait3A_1085 = arith.constant 6 : i32
      %dma_wait3A_1086 = arith.constant 0 : i32
      %dma_wait3A_1087 = arith.constant 0 : i32
      %dma_wait3A_1088 = tpu.memref_slice %arg11[%dma_wait3A_1085, %dma_wait3A_1086, %dma_wait3A_1087] : memref<8x64x64xf32, #tpu.memory_space<vmem>> -> memref<1x64x64xf32, #tpu.memory_space<vmem>>
      %dma_wait3A_1089 = tpu.memref_squeeze %dma_wait3A_1088 : memref<1x64x64xf32, #tpu.memory_space<vmem>> -> memref<64x64xf32, #tpu.memory_space<vmem>>
      %dma_wait3A_1090 = arith.constant 0 : i32
      %dma_wait3A_1091 = arith.constant 0 : i32
      %dma_wait3A_1092 = tpu.memref_slice %arg9[%rem3A_200, %dma_wait3A_1090, %dma_wait3A_1091] : memref<2x16x64xi32, #tpu.memory_space<vmem>> -> memref<1x16x64xi32, #tpu.memory_space<vmem>>
      %dma_wait3A_1093 = tpu.memref_squeeze %dma_wait3A_1092 : memref<1x16x64xi32, #tpu.memory_space<vmem>> -> memref<16x64xi32, #tpu.memory_space<vmem>>
      %dma_wait3A_1094 = arith.constant 0 : i32
      %dma_wait3A_1095 = tpu.memref_slice %dma_wait3A_1093[%dma_wait3A_1084, %dma_wait3A_1094] : memref<16x64xi32, #tpu.memory_space<vmem>> -> memref<1x64xi32, #tpu.memory_space<vmem>>
      %dma_wait3A_1096 = tpu.memref_squeeze %dma_wait3A_1095 : memref<1x64xi32, #tpu.memory_space<vmem>> -> memref<64xi32, #tpu.memory_space<vmem>>
      %dma_wait3A_1097 = arith.constant 0 : i32
      %dma_wait3A_1098 = arith.constant 0 : i32
      %dma_wait3A_1099 = tpu.memref_slice %arg13[%dma_wait3A_1097, %dma_wait3A_1098] : memref<10112x64xf32, #tpu.memory_space<vmem_shared>> -> memref<10112x64xf32, #tpu.memory_space<vmem_shared>>
      tpu.wait_indirect_dma semaphore(%arg23 : memref<!tpu.dma_semaphore, #tpu.memory_space<semaphore_mem>>) src(%dma_wait3A_1099 : memref<10112x64xf32, #tpu.memory_space<vmem_shared>>) dst(%dma_wait3A_1089 : memref<64x64xf32, #tpu.memory_space<vmem>>)
      %dma_start3A_1100 = arith.constant 6 : i32
      %dma_start3A_1101 = arith.constant 14 : i32
      %dma_start3A_1102 = arith.constant 0 : i32
      %dma_start3A_1103 = arith.constant 0 : i32
      %dma_start3A_1104 = tpu.memref_slice %arg11[%dma_start3A_1100, %dma_start3A_1102, %dma_start3A_1103] : memref<8x64x64xf32, #tpu.memory_space<vmem>> -> memref<1x64x64xf32, #tpu.memory_space<vmem>>
      %dma_start3A_1105 = tpu.memref_squeeze %dma_start3A_1104 : memref<1x64x64xf32, #tpu.memory_space<vmem>> -> memref<64x64xf32, #tpu.memory_space<vmem>>
      %dma_start3A_1106 = arith.constant 0 : i32
      %dma_start3A_1107 = arith.constant 0 : i32
      %dma_start3A_1108 = tpu.memref_slice %arg10[%rem3A_200, %dma_start3A_1106, %dma_start3A_1107] : memref<2x16x64xi32, #tpu.memory_space<vmem>> -> memref<1x16x64xi32, #tpu.memory_space<vmem>>
      %dma_start3A_1109 = tpu.memref_squeeze %dma_start3A_1108 : memref<1x16x64xi32, #tpu.memory_space<vmem>> -> memref<16x64xi32, #tpu.memory_space<vmem>>
      %dma_start3A_1110 = arith.constant 0 : i32
      %dma_start3A_1111 = tpu.memref_slice %dma_start3A_1109[%dma_start3A_1101, %dma_start3A_1110] : memref<16x64xi32, #tpu.memory_space<vmem>> -> memref<1x64xi32, #tpu.memory_space<vmem>>
      %dma_start3A_1112 = tpu.memref_squeeze %dma_start3A_1111 : memref<1x64xi32, #tpu.memory_space<vmem>> -> memref<64xi32, #tpu.memory_space<vmem>>
      %dma_start3A_1113 = arith.constant 0 : i32
      %dma_start3A_1114 = arith.constant 0 : i32
      %dma_start3A_1115 = tpu.memref_slice %arg14[%dma_start3A_1113, %dma_start3A_1114] : memref<10112x64xf32, #tpu.memory_space<vmem_shared>> -> memref<10112x64xf32, #tpu.memory_space<vmem_shared>>
      tpu.enqueue_indirect_dma source(%dma_start3A_1105 : memref<64x64xf32, #tpu.memory_space<vmem>>) target(%dma_start3A_1115 : memref<10112x64xf32, #tpu.memory_space<vmem_shared>>) offsets(%dma_start3A_1112 : memref<64xi32, #tpu.memory_space<vmem>>) semaphore(%arg31 : memref<!tpu.dma_semaphore, #tpu.memory_space<semaphore_mem>>) {add = true}
      %dma_wait3A_1116 = arith.constant 15 : i32
      %dma_wait3A_1117 = arith.constant 7 : i32
      %dma_wait3A_1118 = arith.constant 0 : i32
      %dma_wait3A_1119 = arith.constant 0 : i32
      %dma_wait3A_1120 = tpu.memref_slice %arg11[%dma_wait3A_1117, %dma_wait3A_1118, %dma_wait3A_1119] : memref<8x64x64xf32, #tpu.memory_space<vmem>> -> memref<1x64x64xf32, #tpu.memory_space<vmem>>
      %dma_wait3A_1121 = tpu.memref_squeeze %dma_wait3A_1120 : memref<1x64x64xf32, #tpu.memory_space<vmem>> -> memref<64x64xf32, #tpu.memory_space<vmem>>
      %dma_wait3A_1122 = arith.constant 0 : i32
      %dma_wait3A_1123 = arith.constant 0 : i32
      %dma_wait3A_1124 = tpu.memref_slice %arg9[%rem3A_200, %dma_wait3A_1122, %dma_wait3A_1123] : memref<2x16x64xi32, #tpu.memory_space<vmem>> -> memref<1x16x64xi32, #tpu.memory_space<vmem>>
      %dma_wait3A_1125 = tpu.memref_squeeze %dma_wait3A_1124 : memref<1x16x64xi32, #tpu.memory_space<vmem>> -> memref<16x64xi32, #tpu.memory_space<vmem>>
      %dma_wait3A_1126 = arith.constant 0 : i32
      %dma_wait3A_1127 = tpu.memref_slice %dma_wait3A_1125[%dma_wait3A_1116, %dma_wait3A_1126] : memref<16x64xi32, #tpu.memory_space<vmem>> -> memref<1x64xi32, #tpu.memory_space<vmem>>
      %dma_wait3A_1128 = tpu.memref_squeeze %dma_wait3A_1127 : memref<1x64xi32, #tpu.memory_space<vmem>> -> memref<64xi32, #tpu.memory_space<vmem>>
      %dma_wait3A_1129 = arith.constant 0 : i32
      %dma_wait3A_1130 = arith.constant 0 : i32
      %dma_wait3A_1131 = tpu.memref_slice %arg13[%dma_wait3A_1129, %dma_wait3A_1130] : memref<10112x64xf32, #tpu.memory_space<vmem_shared>> -> memref<10112x64xf32, #tpu.memory_space<vmem_shared>>
      tpu.wait_indirect_dma semaphore(%arg24 : memref<!tpu.dma_semaphore, #tpu.memory_space<semaphore_mem>>) src(%dma_wait3A_1131 : memref<10112x64xf32, #tpu.memory_space<vmem_shared>>) dst(%dma_wait3A_1121 : memref<64x64xf32, #tpu.memory_space<vmem>>)
      %dma_start3A_1132 = arith.constant 7 : i32
      %dma_start3A_1133 = arith.constant 15 : i32
      %dma_start3A_1134 = arith.constant 0 : i32
      %dma_start3A_1135 = arith.constant 0 : i32
      %dma_start3A_1136 = tpu.memref_slice %arg11[%dma_start3A_1132, %dma_start3A_1134, %dma_start3A_1135] : memref<8x64x64xf32, #tpu.memory_space<vmem>> -> memref<1x64x64xf32, #tpu.memory_space<vmem>>
      %dma_start3A_1137 = tpu.memref_squeeze %dma_start3A_1136 : memref<1x64x64xf32, #tpu.memory_space<vmem>> -> memref<64x64xf32, #tpu.memory_space<vmem>>
      %dma_start3A_1138 = arith.constant 0 : i32
      %dma_start3A_1139 = arith.constant 0 : i32
      %dma_start3A_1140 = tpu.memref_slice %arg10[%rem3A_200, %dma_start3A_1138, %dma_start3A_1139] : memref<2x16x64xi32, #tpu.memory_space<vmem>> -> memref<1x16x64xi32, #tpu.memory_space<vmem>>
      %dma_start3A_1141 = tpu.memref_squeeze %dma_start3A_1140 : memref<1x16x64xi32, #tpu.memory_space<vmem>> -> memref<16x64xi32, #tpu.memory_space<vmem>>
      %dma_start3A_1142 = arith.constant 0 : i32
      %dma_start3A_1143 = tpu.memref_slice %dma_start3A_1141[%dma_start3A_1133, %dma_start3A_1142] : memref<16x64xi32, #tpu.memory_space<vmem>> -> memref<1x64xi32, #tpu.memory_space<vmem>>
      %dma_start3A_1144 = tpu.memref_squeeze %dma_start3A_1143 : memref<1x64xi32, #tpu.memory_space<vmem>> -> memref<64xi32, #tpu.memory_space<vmem>>
      %dma_start3A_1145 = arith.constant 0 : i32
      %dma_start3A_1146 = arith.constant 0 : i32
      %dma_start3A_1147 = tpu.memref_slice %arg14[%dma_start3A_1145, %dma_start3A_1146] : memref<10112x64xf32, #tpu.memory_space<vmem_shared>> -> memref<10112x64xf32, #tpu.memory_space<vmem_shared>>
      tpu.enqueue_indirect_dma source(%dma_start3A_1137 : memref<64x64xf32, #tpu.memory_space<vmem>>) target(%dma_start3A_1147 : memref<10112x64xf32, #tpu.memory_space<vmem_shared>>) offsets(%dma_start3A_1144 : memref<64xi32, #tpu.memory_space<vmem>>) semaphore(%arg32 : memref<!tpu.dma_semaphore, #tpu.memory_space<semaphore_mem>>) {add = true}
      %convert_element_type3A_1148 = arith.extui %select_n3A : i1 to i32
      %cond3A_1149 = arith.constant 0 : i32
      %cond3A_1150 = arith.cmpi ne, %convert_element_type3A_1148, %cond3A_1149 : i32
      scf.if %cond3A_1150 {
        %dma_wait3A_1152 = arith.constant 0 : i32
        %dma_wait3A_1153 = arith.constant 0 : i32
        %dma_wait3A_1154 = arith.constant 0 : i32
        %dma_wait3A_1155 = tpu.memref_slice %arg10[%rem3A_200, %dma_wait3A_1153, %dma_wait3A_1154] : memref<2x16x64xi32, #tpu.memory_space<vmem>> -> memref<1x16x64xi32, #tpu.memory_space<vmem>>
        %dma_wait3A_1156 = tpu.memref_squeeze %dma_wait3A_1155 : memref<1x16x64xi32, #tpu.memory_space<vmem>> -> memref<16x64xi32, #tpu.memory_space<vmem>>
        %dma_wait3A_1157 = arith.constant 0 : i32
        %dma_wait3A_1158 = tpu.memref_slice %dma_wait3A_1156[%dma_wait3A_1152, %dma_wait3A_1157] : memref<16x64xi32, #tpu.memory_space<vmem>> -> memref<1x64xi32, #tpu.memory_space<vmem>>
        %dma_wait3A_1159 = tpu.memref_squeeze %dma_wait3A_1158 : memref<1x64xi32, #tpu.memory_space<vmem>> -> memref<64xi32, #tpu.memory_space<vmem>>
        %dma_wait3A_1160 = arith.constant 0 : i32
        %dma_wait3A_1161 = arith.constant 0 : i32
        %dma_wait3A_1162 = tpu.memref_slice %arg15[%dma_wait3A_1160, %dma_wait3A_1161] : memref<10112x16xf32, #tpu.memory_space<vmem_shared>> -> memref<10112x16xf32, #tpu.memory_space<vmem_shared>>
        tpu.wait_indirect_dma semaphore(%arg33 : memref<!tpu.dma_semaphore, #tpu.memory_space<semaphore_mem>>) src(%arg12 : memref<64x16xf32, #tpu.memory_space<vmem>>) dst(%dma_wait3A_1162 : memref<10112x16xf32, #tpu.memory_space<vmem_shared>>)
        %dma_wait3A_1163 = arith.constant 1 : i32
        %dma_wait3A_1164 = arith.constant 0 : i32
        %dma_wait3A_1165 = arith.constant 0 : i32
        %dma_wait3A_1166 = tpu.memref_slice %arg10[%rem3A_200, %dma_wait3A_1164, %dma_wait3A_1165] : memref<2x16x64xi32, #tpu.memory_space<vmem>> -> memref<1x16x64xi32, #tpu.memory_space<vmem>>
        %dma_wait3A_1167 = tpu.memref_squeeze %dma_wait3A_1166 : memref<1x16x64xi32, #tpu.memory_space<vmem>> -> memref<16x64xi32, #tpu.memory_space<vmem>>
        %dma_wait3A_1168 = arith.constant 0 : i32
        %dma_wait3A_1169 = tpu.memref_slice %dma_wait3A_1167[%dma_wait3A_1163, %dma_wait3A_1168] : memref<16x64xi32, #tpu.memory_space<vmem>> -> memref<1x64xi32, #tpu.memory_space<vmem>>
        %dma_wait3A_1170 = tpu.memref_squeeze %dma_wait3A_1169 : memref<1x64xi32, #tpu.memory_space<vmem>> -> memref<64xi32, #tpu.memory_space<vmem>>
        %dma_wait3A_1171 = arith.constant 0 : i32
        %dma_wait3A_1172 = arith.constant 0 : i32
        %dma_wait3A_1173 = tpu.memref_slice %arg15[%dma_wait3A_1171, %dma_wait3A_1172] : memref<10112x16xf32, #tpu.memory_space<vmem_shared>> -> memref<10112x16xf32, #tpu.memory_space<vmem_shared>>
        tpu.wait_indirect_dma semaphore(%arg33 : memref<!tpu.dma_semaphore, #tpu.memory_space<semaphore_mem>>) src(%arg12 : memref<64x16xf32, #tpu.memory_space<vmem>>) dst(%dma_wait3A_1173 : memref<10112x16xf32, #tpu.memory_space<vmem_shared>>)
        %dma_wait3A_1174 = arith.constant 2 : i32
        %dma_wait3A_1175 = arith.constant 0 : i32
        %dma_wait3A_1176 = arith.constant 0 : i32
        %dma_wait3A_1177 = tpu.memref_slice %arg10[%rem3A_200, %dma_wait3A_1175, %dma_wait3A_1176] : memref<2x16x64xi32, #tpu.memory_space<vmem>> -> memref<1x16x64xi32, #tpu.memory_space<vmem>>
        %dma_wait3A_1178 = tpu.memref_squeeze %dma_wait3A_1177 : memref<1x16x64xi32, #tpu.memory_space<vmem>> -> memref<16x64xi32, #tpu.memory_space<vmem>>
        %dma_wait3A_1179 = arith.constant 0 : i32
        %dma_wait3A_1180 = tpu.memref_slice %dma_wait3A_1178[%dma_wait3A_1174, %dma_wait3A_1179] : memref<16x64xi32, #tpu.memory_space<vmem>> -> memref<1x64xi32, #tpu.memory_space<vmem>>
        %dma_wait3A_1181 = tpu.memref_squeeze %dma_wait3A_1180 : memref<1x64xi32, #tpu.memory_space<vmem>> -> memref<64xi32, #tpu.memory_space<vmem>>
        %dma_wait3A_1182 = arith.constant 0 : i32
        %dma_wait3A_1183 = arith.constant 0 : i32
        %dma_wait3A_1184 = tpu.memref_slice %arg15[%dma_wait3A_1182, %dma_wait3A_1183] : memref<10112x16xf32, #tpu.memory_space<vmem_shared>> -> memref<10112x16xf32, #tpu.memory_space<vmem_shared>>
        tpu.wait_indirect_dma semaphore(%arg33 : memref<!tpu.dma_semaphore, #tpu.memory_space<semaphore_mem>>) src(%arg12 : memref<64x16xf32, #tpu.memory_space<vmem>>) dst(%dma_wait3A_1184 : memref<10112x16xf32, #tpu.memory_space<vmem_shared>>)
        %dma_wait3A_1185 = arith.constant 3 : i32
        %dma_wait3A_1186 = arith.constant 0 : i32
        %dma_wait3A_1187 = arith.constant 0 : i32
        %dma_wait3A_1188 = tpu.memref_slice %arg10[%rem3A_200, %dma_wait3A_1186, %dma_wait3A_1187] : memref<2x16x64xi32, #tpu.memory_space<vmem>> -> memref<1x16x64xi32, #tpu.memory_space<vmem>>
        %dma_wait3A_1189 = tpu.memref_squeeze %dma_wait3A_1188 : memref<1x16x64xi32, #tpu.memory_space<vmem>> -> memref<16x64xi32, #tpu.memory_space<vmem>>
        %dma_wait3A_1190 = arith.constant 0 : i32
        %dma_wait3A_1191 = tpu.memref_slice %dma_wait3A_1189[%dma_wait3A_1185, %dma_wait3A_1190] : memref<16x64xi32, #tpu.memory_space<vmem>> -> memref<1x64xi32, #tpu.memory_space<vmem>>
        %dma_wait3A_1192 = tpu.memref_squeeze %dma_wait3A_1191 : memref<1x64xi32, #tpu.memory_space<vmem>> -> memref<64xi32, #tpu.memory_space<vmem>>
        %dma_wait3A_1193 = arith.constant 0 : i32
        %dma_wait3A_1194 = arith.constant 0 : i32
        %dma_wait3A_1195 = tpu.memref_slice %arg15[%dma_wait3A_1193, %dma_wait3A_1194] : memref<10112x16xf32, #tpu.memory_space<vmem_shared>> -> memref<10112x16xf32, #tpu.memory_space<vmem_shared>>
        tpu.wait_indirect_dma semaphore(%arg33 : memref<!tpu.dma_semaphore, #tpu.memory_space<semaphore_mem>>) src(%arg12 : memref<64x16xf32, #tpu.memory_space<vmem>>) dst(%dma_wait3A_1195 : memref<10112x16xf32, #tpu.memory_space<vmem_shared>>)
        %dma_wait3A_1196 = arith.constant 4 : i32
        %dma_wait3A_1197 = arith.constant 0 : i32
        %dma_wait3A_1198 = arith.constant 0 : i32
        %dma_wait3A_1199 = tpu.memref_slice %arg10[%rem3A_200, %dma_wait3A_1197, %dma_wait3A_1198] : memref<2x16x64xi32, #tpu.memory_space<vmem>> -> memref<1x16x64xi32, #tpu.memory_space<vmem>>
        %dma_wait3A_1200 = tpu.memref_squeeze %dma_wait3A_1199 : memref<1x16x64xi32, #tpu.memory_space<vmem>> -> memref<16x64xi32, #tpu.memory_space<vmem>>
        %dma_wait3A_1201 = arith.constant 0 : i32
        %dma_wait3A_1202 = tpu.memref_slice %dma_wait3A_1200[%dma_wait3A_1196, %dma_wait3A_1201] : memref<16x64xi32, #tpu.memory_space<vmem>> -> memref<1x64xi32, #tpu.memory_space<vmem>>
        %dma_wait3A_1203 = tpu.memref_squeeze %dma_wait3A_1202 : memref<1x64xi32, #tpu.memory_space<vmem>> -> memref<64xi32, #tpu.memory_space<vmem>>
        %dma_wait3A_1204 = arith.constant 0 : i32
        %dma_wait3A_1205 = arith.constant 0 : i32
        %dma_wait3A_1206 = tpu.memref_slice %arg15[%dma_wait3A_1204, %dma_wait3A_1205] : memref<10112x16xf32, #tpu.memory_space<vmem_shared>> -> memref<10112x16xf32, #tpu.memory_space<vmem_shared>>
        tpu.wait_indirect_dma semaphore(%arg33 : memref<!tpu.dma_semaphore, #tpu.memory_space<semaphore_mem>>) src(%arg12 : memref<64x16xf32, #tpu.memory_space<vmem>>) dst(%dma_wait3A_1206 : memref<10112x16xf32, #tpu.memory_space<vmem_shared>>)
        %dma_wait3A_1207 = arith.constant 5 : i32
        %dma_wait3A_1208 = arith.constant 0 : i32
        %dma_wait3A_1209 = arith.constant 0 : i32
        %dma_wait3A_1210 = tpu.memref_slice %arg10[%rem3A_200, %dma_wait3A_1208, %dma_wait3A_1209] : memref<2x16x64xi32, #tpu.memory_space<vmem>> -> memref<1x16x64xi32, #tpu.memory_space<vmem>>
        %dma_wait3A_1211 = tpu.memref_squeeze %dma_wait3A_1210 : memref<1x16x64xi32, #tpu.memory_space<vmem>> -> memref<16x64xi32, #tpu.memory_space<vmem>>
        %dma_wait3A_1212 = arith.constant 0 : i32
        %dma_wait3A_1213 = tpu.memref_slice %dma_wait3A_1211[%dma_wait3A_1207, %dma_wait3A_1212] : memref<16x64xi32, #tpu.memory_space<vmem>> -> memref<1x64xi32, #tpu.memory_space<vmem>>
        %dma_wait3A_1214 = tpu.memref_squeeze %dma_wait3A_1213 : memref<1x64xi32, #tpu.memory_space<vmem>> -> memref<64xi32, #tpu.memory_space<vmem>>
        %dma_wait3A_1215 = arith.constant 0 : i32
        %dma_wait3A_1216 = arith.constant 0 : i32
        %dma_wait3A_1217 = tpu.memref_slice %arg15[%dma_wait3A_1215, %dma_wait3A_1216] : memref<10112x16xf32, #tpu.memory_space<vmem_shared>> -> memref<10112x16xf32, #tpu.memory_space<vmem_shared>>
        tpu.wait_indirect_dma semaphore(%arg33 : memref<!tpu.dma_semaphore, #tpu.memory_space<semaphore_mem>>) src(%arg12 : memref<64x16xf32, #tpu.memory_space<vmem>>) dst(%dma_wait3A_1217 : memref<10112x16xf32, #tpu.memory_space<vmem_shared>>)
        %dma_wait3A_1218 = arith.constant 6 : i32
        %dma_wait3A_1219 = arith.constant 0 : i32
        %dma_wait3A_1220 = arith.constant 0 : i32
        %dma_wait3A_1221 = tpu.memref_slice %arg10[%rem3A_200, %dma_wait3A_1219, %dma_wait3A_1220] : memref<2x16x64xi32, #tpu.memory_space<vmem>> -> memref<1x16x64xi32, #tpu.memory_space<vmem>>
        %dma_wait3A_1222 = tpu.memref_squeeze %dma_wait3A_1221 : memref<1x16x64xi32, #tpu.memory_space<vmem>> -> memref<16x64xi32, #tpu.memory_space<vmem>>
        %dma_wait3A_1223 = arith.constant 0 : i32
        %dma_wait3A_1224 = tpu.memref_slice %dma_wait3A_1222[%dma_wait3A_1218, %dma_wait3A_1223] : memref<16x64xi32, #tpu.memory_space<vmem>> -> memref<1x64xi32, #tpu.memory_space<vmem>>
        %dma_wait3A_1225 = tpu.memref_squeeze %dma_wait3A_1224 : memref<1x64xi32, #tpu.memory_space<vmem>> -> memref<64xi32, #tpu.memory_space<vmem>>
        %dma_wait3A_1226 = arith.constant 0 : i32
        %dma_wait3A_1227 = arith.constant 0 : i32
        %dma_wait3A_1228 = tpu.memref_slice %arg15[%dma_wait3A_1226, %dma_wait3A_1227] : memref<10112x16xf32, #tpu.memory_space<vmem_shared>> -> memref<10112x16xf32, #tpu.memory_space<vmem_shared>>
        tpu.wait_indirect_dma semaphore(%arg33 : memref<!tpu.dma_semaphore, #tpu.memory_space<semaphore_mem>>) src(%arg12 : memref<64x16xf32, #tpu.memory_space<vmem>>) dst(%dma_wait3A_1228 : memref<10112x16xf32, #tpu.memory_space<vmem_shared>>)
        %dma_wait3A_1229 = arith.constant 7 : i32
        %dma_wait3A_1230 = arith.constant 0 : i32
        %dma_wait3A_1231 = arith.constant 0 : i32
        %dma_wait3A_1232 = tpu.memref_slice %arg10[%rem3A_200, %dma_wait3A_1230, %dma_wait3A_1231] : memref<2x16x64xi32, #tpu.memory_space<vmem>> -> memref<1x16x64xi32, #tpu.memory_space<vmem>>
        %dma_wait3A_1233 = tpu.memref_squeeze %dma_wait3A_1232 : memref<1x16x64xi32, #tpu.memory_space<vmem>> -> memref<16x64xi32, #tpu.memory_space<vmem>>
        %dma_wait3A_1234 = arith.constant 0 : i32
        %dma_wait3A_1235 = tpu.memref_slice %dma_wait3A_1233[%dma_wait3A_1229, %dma_wait3A_1234] : memref<16x64xi32, #tpu.memory_space<vmem>> -> memref<1x64xi32, #tpu.memory_space<vmem>>
        %dma_wait3A_1236 = tpu.memref_squeeze %dma_wait3A_1235 : memref<1x64xi32, #tpu.memory_space<vmem>> -> memref<64xi32, #tpu.memory_space<vmem>>
        %dma_wait3A_1237 = arith.constant 0 : i32
        %dma_wait3A_1238 = arith.constant 0 : i32
        %dma_wait3A_1239 = tpu.memref_slice %arg15[%dma_wait3A_1237, %dma_wait3A_1238] : memref<10112x16xf32, #tpu.memory_space<vmem_shared>> -> memref<10112x16xf32, #tpu.memory_space<vmem_shared>>
        tpu.wait_indirect_dma semaphore(%arg33 : memref<!tpu.dma_semaphore, #tpu.memory_space<semaphore_mem>>) src(%arg12 : memref<64x16xf32, #tpu.memory_space<vmem>>) dst(%dma_wait3A_1239 : memref<10112x16xf32, #tpu.memory_space<vmem_shared>>)
        %dma_wait3A_1240 = arith.constant 8 : i32
        %dma_wait3A_1241 = arith.constant 0 : i32
        %dma_wait3A_1242 = arith.constant 0 : i32
        %dma_wait3A_1243 = tpu.memref_slice %arg10[%rem3A_200, %dma_wait3A_1241, %dma_wait3A_1242] : memref<2x16x64xi32, #tpu.memory_space<vmem>> -> memref<1x16x64xi32, #tpu.memory_space<vmem>>
        %dma_wait3A_1244 = tpu.memref_squeeze %dma_wait3A_1243 : memref<1x16x64xi32, #tpu.memory_space<vmem>> -> memref<16x64xi32, #tpu.memory_space<vmem>>
        %dma_wait3A_1245 = arith.constant 0 : i32
        %dma_wait3A_1246 = tpu.memref_slice %dma_wait3A_1244[%dma_wait3A_1240, %dma_wait3A_1245] : memref<16x64xi32, #tpu.memory_space<vmem>> -> memref<1x64xi32, #tpu.memory_space<vmem>>
        %dma_wait3A_1247 = tpu.memref_squeeze %dma_wait3A_1246 : memref<1x64xi32, #tpu.memory_space<vmem>> -> memref<64xi32, #tpu.memory_space<vmem>>
        %dma_wait3A_1248 = arith.constant 0 : i32
        %dma_wait3A_1249 = arith.constant 0 : i32
        %dma_wait3A_1250 = tpu.memref_slice %arg15[%dma_wait3A_1248, %dma_wait3A_1249] : memref<10112x16xf32, #tpu.memory_space<vmem_shared>> -> memref<10112x16xf32, #tpu.memory_space<vmem_shared>>
        tpu.wait_indirect_dma semaphore(%arg33 : memref<!tpu.dma_semaphore, #tpu.memory_space<semaphore_mem>>) src(%arg12 : memref<64x16xf32, #tpu.memory_space<vmem>>) dst(%dma_wait3A_1250 : memref<10112x16xf32, #tpu.memory_space<vmem_shared>>)
        %dma_wait3A_1251 = arith.constant 9 : i32
        %dma_wait3A_1252 = arith.constant 0 : i32
        %dma_wait3A_1253 = arith.constant 0 : i32
        %dma_wait3A_1254 = tpu.memref_slice %arg10[%rem3A_200, %dma_wait3A_1252, %dma_wait3A_1253] : memref<2x16x64xi32, #tpu.memory_space<vmem>> -> memref<1x16x64xi32, #tpu.memory_space<vmem>>
        %dma_wait3A_1255 = tpu.memref_squeeze %dma_wait3A_1254 : memref<1x16x64xi32, #tpu.memory_space<vmem>> -> memref<16x64xi32, #tpu.memory_space<vmem>>
        %dma_wait3A_1256 = arith.constant 0 : i32
        %dma_wait3A_1257 = tpu.memref_slice %dma_wait3A_1255[%dma_wait3A_1251, %dma_wait3A_1256] : memref<16x64xi32, #tpu.memory_space<vmem>> -> memref<1x64xi32, #tpu.memory_space<vmem>>
        %dma_wait3A_1258 = tpu.memref_squeeze %dma_wait3A_1257 : memref<1x64xi32, #tpu.memory_space<vmem>> -> memref<64xi32, #tpu.memory_space<vmem>>
        %dma_wait3A_1259 = arith.constant 0 : i32
        %dma_wait3A_1260 = arith.constant 0 : i32
        %dma_wait3A_1261 = tpu.memref_slice %arg15[%dma_wait3A_1259, %dma_wait3A_1260] : memref<10112x16xf32, #tpu.memory_space<vmem_shared>> -> memref<10112x16xf32, #tpu.memory_space<vmem_shared>>
        tpu.wait_indirect_dma semaphore(%arg33 : memref<!tpu.dma_semaphore, #tpu.memory_space<semaphore_mem>>) src(%arg12 : memref<64x16xf32, #tpu.memory_space<vmem>>) dst(%dma_wait3A_1261 : memref<10112x16xf32, #tpu.memory_space<vmem_shared>>)
        %dma_wait3A_1262 = arith.constant 10 : i32
        %dma_wait3A_1263 = arith.constant 0 : i32
        %dma_wait3A_1264 = arith.constant 0 : i32
        %dma_wait3A_1265 = tpu.memref_slice %arg10[%rem3A_200, %dma_wait3A_1263, %dma_wait3A_1264] : memref<2x16x64xi32, #tpu.memory_space<vmem>> -> memref<1x16x64xi32, #tpu.memory_space<vmem>>
        %dma_wait3A_1266 = tpu.memref_squeeze %dma_wait3A_1265 : memref<1x16x64xi32, #tpu.memory_space<vmem>> -> memref<16x64xi32, #tpu.memory_space<vmem>>
        %dma_wait3A_1267 = arith.constant 0 : i32
        %dma_wait3A_1268 = tpu.memref_slice %dma_wait3A_1266[%dma_wait3A_1262, %dma_wait3A_1267] : memref<16x64xi32, #tpu.memory_space<vmem>> -> memref<1x64xi32, #tpu.memory_space<vmem>>
        %dma_wait3A_1269 = tpu.memref_squeeze %dma_wait3A_1268 : memref<1x64xi32, #tpu.memory_space<vmem>> -> memref<64xi32, #tpu.memory_space<vmem>>
        %dma_wait3A_1270 = arith.constant 0 : i32
        %dma_wait3A_1271 = arith.constant 0 : i32
        %dma_wait3A_1272 = tpu.memref_slice %arg15[%dma_wait3A_1270, %dma_wait3A_1271] : memref<10112x16xf32, #tpu.memory_space<vmem_shared>> -> memref<10112x16xf32, #tpu.memory_space<vmem_shared>>
        tpu.wait_indirect_dma semaphore(%arg33 : memref<!tpu.dma_semaphore, #tpu.memory_space<semaphore_mem>>) src(%arg12 : memref<64x16xf32, #tpu.memory_space<vmem>>) dst(%dma_wait3A_1272 : memref<10112x16xf32, #tpu.memory_space<vmem_shared>>)
        %dma_wait3A_1273 = arith.constant 11 : i32
        %dma_wait3A_1274 = arith.constant 0 : i32
        %dma_wait3A_1275 = arith.constant 0 : i32
        %dma_wait3A_1276 = tpu.memref_slice %arg10[%rem3A_200, %dma_wait3A_1274, %dma_wait3A_1275] : memref<2x16x64xi32, #tpu.memory_space<vmem>> -> memref<1x16x64xi32, #tpu.memory_space<vmem>>
        %dma_wait3A_1277 = tpu.memref_squeeze %dma_wait3A_1276 : memref<1x16x64xi32, #tpu.memory_space<vmem>> -> memref<16x64xi32, #tpu.memory_space<vmem>>
        %dma_wait3A_1278 = arith.constant 0 : i32
        %dma_wait3A_1279 = tpu.memref_slice %dma_wait3A_1277[%dma_wait3A_1273, %dma_wait3A_1278] : memref<16x64xi32, #tpu.memory_space<vmem>> -> memref<1x64xi32, #tpu.memory_space<vmem>>
        %dma_wait3A_1280 = tpu.memref_squeeze %dma_wait3A_1279 : memref<1x64xi32, #tpu.memory_space<vmem>> -> memref<64xi32, #tpu.memory_space<vmem>>
        %dma_wait3A_1281 = arith.constant 0 : i32
        %dma_wait3A_1282 = arith.constant 0 : i32
        %dma_wait3A_1283 = tpu.memref_slice %arg15[%dma_wait3A_1281, %dma_wait3A_1282] : memref<10112x16xf32, #tpu.memory_space<vmem_shared>> -> memref<10112x16xf32, #tpu.memory_space<vmem_shared>>
        tpu.wait_indirect_dma semaphore(%arg33 : memref<!tpu.dma_semaphore, #tpu.memory_space<semaphore_mem>>) src(%arg12 : memref<64x16xf32, #tpu.memory_space<vmem>>) dst(%dma_wait3A_1283 : memref<10112x16xf32, #tpu.memory_space<vmem_shared>>)
        %dma_wait3A_1284 = arith.constant 12 : i32
        %dma_wait3A_1285 = arith.constant 0 : i32
        %dma_wait3A_1286 = arith.constant 0 : i32
        %dma_wait3A_1287 = tpu.memref_slice %arg10[%rem3A_200, %dma_wait3A_1285, %dma_wait3A_1286] : memref<2x16x64xi32, #tpu.memory_space<vmem>> -> memref<1x16x64xi32, #tpu.memory_space<vmem>>
        %dma_wait3A_1288 = tpu.memref_squeeze %dma_wait3A_1287 : memref<1x16x64xi32, #tpu.memory_space<vmem>> -> memref<16x64xi32, #tpu.memory_space<vmem>>
        %dma_wait3A_1289 = arith.constant 0 : i32
        %dma_wait3A_1290 = tpu.memref_slice %dma_wait3A_1288[%dma_wait3A_1284, %dma_wait3A_1289] : memref<16x64xi32, #tpu.memory_space<vmem>> -> memref<1x64xi32, #tpu.memory_space<vmem>>
        %dma_wait3A_1291 = tpu.memref_squeeze %dma_wait3A_1290 : memref<1x64xi32, #tpu.memory_space<vmem>> -> memref<64xi32, #tpu.memory_space<vmem>>
        %dma_wait3A_1292 = arith.constant 0 : i32
        %dma_wait3A_1293 = arith.constant 0 : i32
        %dma_wait3A_1294 = tpu.memref_slice %arg15[%dma_wait3A_1292, %dma_wait3A_1293] : memref<10112x16xf32, #tpu.memory_space<vmem_shared>> -> memref<10112x16xf32, #tpu.memory_space<vmem_shared>>
        tpu.wait_indirect_dma semaphore(%arg33 : memref<!tpu.dma_semaphore, #tpu.memory_space<semaphore_mem>>) src(%arg12 : memref<64x16xf32, #tpu.memory_space<vmem>>) dst(%dma_wait3A_1294 : memref<10112x16xf32, #tpu.memory_space<vmem_shared>>)
        %dma_wait3A_1295 = arith.constant 13 : i32
        %dma_wait3A_1296 = arith.constant 0 : i32
        %dma_wait3A_1297 = arith.constant 0 : i32
        %dma_wait3A_1298 = tpu.memref_slice %arg10[%rem3A_200, %dma_wait3A_1296, %dma_wait3A_1297] : memref<2x16x64xi32, #tpu.memory_space<vmem>> -> memref<1x16x64xi32, #tpu.memory_space<vmem>>
        %dma_wait3A_1299 = tpu.memref_squeeze %dma_wait3A_1298 : memref<1x16x64xi32, #tpu.memory_space<vmem>> -> memref<16x64xi32, #tpu.memory_space<vmem>>
        %dma_wait3A_1300 = arith.constant 0 : i32
        %dma_wait3A_1301 = tpu.memref_slice %dma_wait3A_1299[%dma_wait3A_1295, %dma_wait3A_1300] : memref<16x64xi32, #tpu.memory_space<vmem>> -> memref<1x64xi32, #tpu.memory_space<vmem>>
        %dma_wait3A_1302 = tpu.memref_squeeze %dma_wait3A_1301 : memref<1x64xi32, #tpu.memory_space<vmem>> -> memref<64xi32, #tpu.memory_space<vmem>>
        %dma_wait3A_1303 = arith.constant 0 : i32
        %dma_wait3A_1304 = arith.constant 0 : i32
        %dma_wait3A_1305 = tpu.memref_slice %arg15[%dma_wait3A_1303, %dma_wait3A_1304] : memref<10112x16xf32, #tpu.memory_space<vmem_shared>> -> memref<10112x16xf32, #tpu.memory_space<vmem_shared>>
        tpu.wait_indirect_dma semaphore(%arg33 : memref<!tpu.dma_semaphore, #tpu.memory_space<semaphore_mem>>) src(%arg12 : memref<64x16xf32, #tpu.memory_space<vmem>>) dst(%dma_wait3A_1305 : memref<10112x16xf32, #tpu.memory_space<vmem_shared>>)
        %dma_wait3A_1306 = arith.constant 14 : i32
        %dma_wait3A_1307 = arith.constant 0 : i32
        %dma_wait3A_1308 = arith.constant 0 : i32
        %dma_wait3A_1309 = tpu.memref_slice %arg10[%rem3A_200, %dma_wait3A_1307, %dma_wait3A_1308] : memref<2x16x64xi32, #tpu.memory_space<vmem>> -> memref<1x16x64xi32, #tpu.memory_space<vmem>>
        %dma_wait3A_1310 = tpu.memref_squeeze %dma_wait3A_1309 : memref<1x16x64xi32, #tpu.memory_space<vmem>> -> memref<16x64xi32, #tpu.memory_space<vmem>>
        %dma_wait3A_1311 = arith.constant 0 : i32
        %dma_wait3A_1312 = tpu.memref_slice %dma_wait3A_1310[%dma_wait3A_1306, %dma_wait3A_1311] : memref<16x64xi32, #tpu.memory_space<vmem>> -> memref<1x64xi32, #tpu.memory_space<vmem>>
        %dma_wait3A_1313 = tpu.memref_squeeze %dma_wait3A_1312 : memref<1x64xi32, #tpu.memory_space<vmem>> -> memref<64xi32, #tpu.memory_space<vmem>>
        %dma_wait3A_1314 = arith.constant 0 : i32
        %dma_wait3A_1315 = arith.constant 0 : i32
        %dma_wait3A_1316 = tpu.memref_slice %arg15[%dma_wait3A_1314, %dma_wait3A_1315] : memref<10112x16xf32, #tpu.memory_space<vmem_shared>> -> memref<10112x16xf32, #tpu.memory_space<vmem_shared>>
        tpu.wait_indirect_dma semaphore(%arg33 : memref<!tpu.dma_semaphore, #tpu.memory_space<semaphore_mem>>) src(%arg12 : memref<64x16xf32, #tpu.memory_space<vmem>>) dst(%dma_wait3A_1316 : memref<10112x16xf32, #tpu.memory_space<vmem_shared>>)
        %dma_wait3A_1317 = arith.constant 15 : i32
        %dma_wait3A_1318 = arith.constant 0 : i32
        %dma_wait3A_1319 = arith.constant 0 : i32
        %dma_wait3A_1320 = tpu.memref_slice %arg10[%rem3A_200, %dma_wait3A_1318, %dma_wait3A_1319] : memref<2x16x64xi32, #tpu.memory_space<vmem>> -> memref<1x16x64xi32, #tpu.memory_space<vmem>>
        %dma_wait3A_1321 = tpu.memref_squeeze %dma_wait3A_1320 : memref<1x16x64xi32, #tpu.memory_space<vmem>> -> memref<16x64xi32, #tpu.memory_space<vmem>>
        %dma_wait3A_1322 = arith.constant 0 : i32
        %dma_wait3A_1323 = tpu.memref_slice %dma_wait3A_1321[%dma_wait3A_1317, %dma_wait3A_1322] : memref<16x64xi32, #tpu.memory_space<vmem>> -> memref<1x64xi32, #tpu.memory_space<vmem>>
        %dma_wait3A_1324 = tpu.memref_squeeze %dma_wait3A_1323 : memref<1x64xi32, #tpu.memory_space<vmem>> -> memref<64xi32, #tpu.memory_space<vmem>>
        %dma_wait3A_1325 = arith.constant 0 : i32
        %dma_wait3A_1326 = arith.constant 0 : i32
        %dma_wait3A_1327 = tpu.memref_slice %arg15[%dma_wait3A_1325, %dma_wait3A_1326] : memref<10112x16xf32, #tpu.memory_space<vmem_shared>> -> memref<10112x16xf32, #tpu.memory_space<vmem_shared>>
        tpu.wait_indirect_dma semaphore(%arg33 : memref<!tpu.dma_semaphore, #tpu.memory_space<semaphore_mem>>) src(%arg12 : memref<64x16xf32, #tpu.memory_space<vmem>>) dst(%dma_wait3A_1327 : memref<10112x16xf32, #tpu.memory_space<vmem_shared>>)
      } else {
      }
      %scan3A_1151 = arith.constant 0 : i32
      scf.yield %scan3A_1151 : i32
    }
    %scan3A_65 = arith.constant 20 : i32
    %rem3A = arith.constant 19 : i32
    %rem3A_66 = arith.constant 2 : i32
    %rem3A_67 = arith.remsi %rem3A, %rem3A_66 : i32
    %dma_wait3A_68 = arith.constant 0 : i32
    %dma_wait3A_69 = arith.constant 8 : i32
    %dma_wait3A_70 = arith.constant 0 : i32
    %dma_wait3A_71 = arith.constant 0 : i32
    %dma_wait3A_72 = tpu.memref_slice %arg11[%dma_wait3A_68, %dma_wait3A_70, %dma_wait3A_71] : memref<8x64x64xf32, #tpu.memory_space<vmem>> -> memref<1x64x64xf32, #tpu.memory_space<vmem>>
    %dma_wait3A_73 = tpu.memref_squeeze %dma_wait3A_72 : memref<1x64x64xf32, #tpu.memory_space<vmem>> -> memref<64x64xf32, #tpu.memory_space<vmem>>
    %dma_wait3A_74 = arith.constant 0 : i32
    %dma_wait3A_75 = arith.constant 0 : i32
    %dma_wait3A_76 = tpu.memref_slice %arg10[%rem3A_67, %dma_wait3A_74, %dma_wait3A_75] : memref<2x16x64xi32, #tpu.memory_space<vmem>> -> memref<1x16x64xi32, #tpu.memory_space<vmem>>
    %dma_wait3A_77 = tpu.memref_squeeze %dma_wait3A_76 : memref<1x16x64xi32, #tpu.memory_space<vmem>> -> memref<16x64xi32, #tpu.memory_space<vmem>>
    %dma_wait3A_78 = arith.constant 0 : i32
    %dma_wait3A_79 = tpu.memref_slice %dma_wait3A_77[%dma_wait3A_69, %dma_wait3A_78] : memref<16x64xi32, #tpu.memory_space<vmem>> -> memref<1x64xi32, #tpu.memory_space<vmem>>
    %dma_wait3A_80 = tpu.memref_squeeze %dma_wait3A_79 : memref<1x64xi32, #tpu.memory_space<vmem>> -> memref<64xi32, #tpu.memory_space<vmem>>
    %dma_wait3A_81 = arith.constant 0 : i32
    %dma_wait3A_82 = arith.constant 0 : i32
    %dma_wait3A_83 = tpu.memref_slice %arg14[%dma_wait3A_81, %dma_wait3A_82] : memref<10112x64xf32, #tpu.memory_space<vmem_shared>> -> memref<10112x64xf32, #tpu.memory_space<vmem_shared>>
    tpu.wait_indirect_dma semaphore(%arg25 : memref<!tpu.dma_semaphore, #tpu.memory_space<semaphore_mem>>) src(%dma_wait3A_73 : memref<64x64xf32, #tpu.memory_space<vmem>>) dst(%dma_wait3A_83 : memref<10112x64xf32, #tpu.memory_space<vmem_shared>>)
    %dma_wait3A_84 = arith.constant 1 : i32
    %dma_wait3A_85 = arith.constant 9 : i32
    %dma_wait3A_86 = arith.constant 0 : i32
    %dma_wait3A_87 = arith.constant 0 : i32
    %dma_wait3A_88 = tpu.memref_slice %arg11[%dma_wait3A_84, %dma_wait3A_86, %dma_wait3A_87] : memref<8x64x64xf32, #tpu.memory_space<vmem>> -> memref<1x64x64xf32, #tpu.memory_space<vmem>>
    %dma_wait3A_89 = tpu.memref_squeeze %dma_wait3A_88 : memref<1x64x64xf32, #tpu.memory_space<vmem>> -> memref<64x64xf32, #tpu.memory_space<vmem>>
    %dma_wait3A_90 = arith.constant 0 : i32
    %dma_wait3A_91 = arith.constant 0 : i32
    %dma_wait3A_92 = tpu.memref_slice %arg10[%rem3A_67, %dma_wait3A_90, %dma_wait3A_91] : memref<2x16x64xi32, #tpu.memory_space<vmem>> -> memref<1x16x64xi32, #tpu.memory_space<vmem>>
    %dma_wait3A_93 = tpu.memref_squeeze %dma_wait3A_92 : memref<1x16x64xi32, #tpu.memory_space<vmem>> -> memref<16x64xi32, #tpu.memory_space<vmem>>
    %dma_wait3A_94 = arith.constant 0 : i32
    %dma_wait3A_95 = tpu.memref_slice %dma_wait3A_93[%dma_wait3A_85, %dma_wait3A_94] : memref<16x64xi32, #tpu.memory_space<vmem>> -> memref<1x64xi32, #tpu.memory_space<vmem>>
    %dma_wait3A_96 = tpu.memref_squeeze %dma_wait3A_95 : memref<1x64xi32, #tpu.memory_space<vmem>> -> memref<64xi32, #tpu.memory_space<vmem>>
    %dma_wait3A_97 = arith.constant 0 : i32
    %dma_wait3A_98 = arith.constant 0 : i32
    %dma_wait3A_99 = tpu.memref_slice %arg14[%dma_wait3A_97, %dma_wait3A_98] : memref<10112x64xf32, #tpu.memory_space<vmem_shared>> -> memref<10112x64xf32, #tpu.memory_space<vmem_shared>>
    tpu.wait_indirect_dma semaphore(%arg26 : memref<!tpu.dma_semaphore, #tpu.memory_space<semaphore_mem>>) src(%dma_wait3A_89 : memref<64x64xf32, #tpu.memory_space<vmem>>) dst(%dma_wait3A_99 : memref<10112x64xf32, #tpu.memory_space<vmem_shared>>)
    %dma_wait3A_100 = arith.constant 2 : i32
    %dma_wait3A_101 = arith.constant 10 : i32
    %dma_wait3A_102 = arith.constant 0 : i32
    %dma_wait3A_103 = arith.constant 0 : i32
    %dma_wait3A_104 = tpu.memref_slice %arg11[%dma_wait3A_100, %dma_wait3A_102, %dma_wait3A_103] : memref<8x64x64xf32, #tpu.memory_space<vmem>> -> memref<1x64x64xf32, #tpu.memory_space<vmem>>
    %dma_wait3A_105 = tpu.memref_squeeze %dma_wait3A_104 : memref<1x64x64xf32, #tpu.memory_space<vmem>> -> memref<64x64xf32, #tpu.memory_space<vmem>>
    %dma_wait3A_106 = arith.constant 0 : i32
    %dma_wait3A_107 = arith.constant 0 : i32
    %dma_wait3A_108 = tpu.memref_slice %arg10[%rem3A_67, %dma_wait3A_106, %dma_wait3A_107] : memref<2x16x64xi32, #tpu.memory_space<vmem>> -> memref<1x16x64xi32, #tpu.memory_space<vmem>>
    %dma_wait3A_109 = tpu.memref_squeeze %dma_wait3A_108 : memref<1x16x64xi32, #tpu.memory_space<vmem>> -> memref<16x64xi32, #tpu.memory_space<vmem>>
    %dma_wait3A_110 = arith.constant 0 : i32
    %dma_wait3A_111 = tpu.memref_slice %dma_wait3A_109[%dma_wait3A_101, %dma_wait3A_110] : memref<16x64xi32, #tpu.memory_space<vmem>> -> memref<1x64xi32, #tpu.memory_space<vmem>>
    %dma_wait3A_112 = tpu.memref_squeeze %dma_wait3A_111 : memref<1x64xi32, #tpu.memory_space<vmem>> -> memref<64xi32, #tpu.memory_space<vmem>>
    %dma_wait3A_113 = arith.constant 0 : i32
    %dma_wait3A_114 = arith.constant 0 : i32
    %dma_wait3A_115 = tpu.memref_slice %arg14[%dma_wait3A_113, %dma_wait3A_114] : memref<10112x64xf32, #tpu.memory_space<vmem_shared>> -> memref<10112x64xf32, #tpu.memory_space<vmem_shared>>
    tpu.wait_indirect_dma semaphore(%arg27 : memref<!tpu.dma_semaphore, #tpu.memory_space<semaphore_mem>>) src(%dma_wait3A_105 : memref<64x64xf32, #tpu.memory_space<vmem>>) dst(%dma_wait3A_115 : memref<10112x64xf32, #tpu.memory_space<vmem_shared>>)
    %dma_wait3A_116 = arith.constant 3 : i32
    %dma_wait3A_117 = arith.constant 11 : i32
    %dma_wait3A_118 = arith.constant 0 : i32
    %dma_wait3A_119 = arith.constant 0 : i32
    %dma_wait3A_120 = tpu.memref_slice %arg11[%dma_wait3A_116, %dma_wait3A_118, %dma_wait3A_119] : memref<8x64x64xf32, #tpu.memory_space<vmem>> -> memref<1x64x64xf32, #tpu.memory_space<vmem>>
    %dma_wait3A_121 = tpu.memref_squeeze %dma_wait3A_120 : memref<1x64x64xf32, #tpu.memory_space<vmem>> -> memref<64x64xf32, #tpu.memory_space<vmem>>
    %dma_wait3A_122 = arith.constant 0 : i32
    %dma_wait3A_123 = arith.constant 0 : i32
    %dma_wait3A_124 = tpu.memref_slice %arg10[%rem3A_67, %dma_wait3A_122, %dma_wait3A_123] : memref<2x16x64xi32, #tpu.memory_space<vmem>> -> memref<1x16x64xi32, #tpu.memory_space<vmem>>
    %dma_wait3A_125 = tpu.memref_squeeze %dma_wait3A_124 : memref<1x16x64xi32, #tpu.memory_space<vmem>> -> memref<16x64xi32, #tpu.memory_space<vmem>>
    %dma_wait3A_126 = arith.constant 0 : i32
    %dma_wait3A_127 = tpu.memref_slice %dma_wait3A_125[%dma_wait3A_117, %dma_wait3A_126] : memref<16x64xi32, #tpu.memory_space<vmem>> -> memref<1x64xi32, #tpu.memory_space<vmem>>
    %dma_wait3A_128 = tpu.memref_squeeze %dma_wait3A_127 : memref<1x64xi32, #tpu.memory_space<vmem>> -> memref<64xi32, #tpu.memory_space<vmem>>
    %dma_wait3A_129 = arith.constant 0 : i32
    %dma_wait3A_130 = arith.constant 0 : i32
    %dma_wait3A_131 = tpu.memref_slice %arg14[%dma_wait3A_129, %dma_wait3A_130] : memref<10112x64xf32, #tpu.memory_space<vmem_shared>> -> memref<10112x64xf32, #tpu.memory_space<vmem_shared>>
    tpu.wait_indirect_dma semaphore(%arg28 : memref<!tpu.dma_semaphore, #tpu.memory_space<semaphore_mem>>) src(%dma_wait3A_121 : memref<64x64xf32, #tpu.memory_space<vmem>>) dst(%dma_wait3A_131 : memref<10112x64xf32, #tpu.memory_space<vmem_shared>>)
    %dma_wait3A_132 = arith.constant 4 : i32
    %dma_wait3A_133 = arith.constant 12 : i32
    %dma_wait3A_134 = arith.constant 0 : i32
    %dma_wait3A_135 = arith.constant 0 : i32
    %dma_wait3A_136 = tpu.memref_slice %arg11[%dma_wait3A_132, %dma_wait3A_134, %dma_wait3A_135] : memref<8x64x64xf32, #tpu.memory_space<vmem>> -> memref<1x64x64xf32, #tpu.memory_space<vmem>>
    %dma_wait3A_137 = tpu.memref_squeeze %dma_wait3A_136 : memref<1x64x64xf32, #tpu.memory_space<vmem>> -> memref<64x64xf32, #tpu.memory_space<vmem>>
    %dma_wait3A_138 = arith.constant 0 : i32
    %dma_wait3A_139 = arith.constant 0 : i32
    %dma_wait3A_140 = tpu.memref_slice %arg10[%rem3A_67, %dma_wait3A_138, %dma_wait3A_139] : memref<2x16x64xi32, #tpu.memory_space<vmem>> -> memref<1x16x64xi32, #tpu.memory_space<vmem>>
    %dma_wait3A_141 = tpu.memref_squeeze %dma_wait3A_140 : memref<1x16x64xi32, #tpu.memory_space<vmem>> -> memref<16x64xi32, #tpu.memory_space<vmem>>
    %dma_wait3A_142 = arith.constant 0 : i32
    %dma_wait3A_143 = tpu.memref_slice %dma_wait3A_141[%dma_wait3A_133, %dma_wait3A_142] : memref<16x64xi32, #tpu.memory_space<vmem>> -> memref<1x64xi32, #tpu.memory_space<vmem>>
    %dma_wait3A_144 = tpu.memref_squeeze %dma_wait3A_143 : memref<1x64xi32, #tpu.memory_space<vmem>> -> memref<64xi32, #tpu.memory_space<vmem>>
    %dma_wait3A_145 = arith.constant 0 : i32
    %dma_wait3A_146 = arith.constant 0 : i32
    %dma_wait3A_147 = tpu.memref_slice %arg14[%dma_wait3A_145, %dma_wait3A_146] : memref<10112x64xf32, #tpu.memory_space<vmem_shared>> -> memref<10112x64xf32, #tpu.memory_space<vmem_shared>>
    tpu.wait_indirect_dma semaphore(%arg29 : memref<!tpu.dma_semaphore, #tpu.memory_space<semaphore_mem>>) src(%dma_wait3A_137 : memref<64x64xf32, #tpu.memory_space<vmem>>) dst(%dma_wait3A_147 : memref<10112x64xf32, #tpu.memory_space<vmem_shared>>)
    %dma_wait3A_148 = arith.constant 5 : i32
    %dma_wait3A_149 = arith.constant 13 : i32
    %dma_wait3A_150 = arith.constant 0 : i32
    %dma_wait3A_151 = arith.constant 0 : i32
    %dma_wait3A_152 = tpu.memref_slice %arg11[%dma_wait3A_148, %dma_wait3A_150, %dma_wait3A_151] : memref<8x64x64xf32, #tpu.memory_space<vmem>> -> memref<1x64x64xf32, #tpu.memory_space<vmem>>
    %dma_wait3A_153 = tpu.memref_squeeze %dma_wait3A_152 : memref<1x64x64xf32, #tpu.memory_space<vmem>> -> memref<64x64xf32, #tpu.memory_space<vmem>>
    %dma_wait3A_154 = arith.constant 0 : i32
    %dma_wait3A_155 = arith.constant 0 : i32
    %dma_wait3A_156 = tpu.memref_slice %arg10[%rem3A_67, %dma_wait3A_154, %dma_wait3A_155] : memref<2x16x64xi32, #tpu.memory_space<vmem>> -> memref<1x16x64xi32, #tpu.memory_space<vmem>>
    %dma_wait3A_157 = tpu.memref_squeeze %dma_wait3A_156 : memref<1x16x64xi32, #tpu.memory_space<vmem>> -> memref<16x64xi32, #tpu.memory_space<vmem>>
    %dma_wait3A_158 = arith.constant 0 : i32
    %dma_wait3A_159 = tpu.memref_slice %dma_wait3A_157[%dma_wait3A_149, %dma_wait3A_158] : memref<16x64xi32, #tpu.memory_space<vmem>> -> memref<1x64xi32, #tpu.memory_space<vmem>>
    %dma_wait3A_160 = tpu.memref_squeeze %dma_wait3A_159 : memref<1x64xi32, #tpu.memory_space<vmem>> -> memref<64xi32, #tpu.memory_space<vmem>>
    %dma_wait3A_161 = arith.constant 0 : i32
    %dma_wait3A_162 = arith.constant 0 : i32
    %dma_wait3A_163 = tpu.memref_slice %arg14[%dma_wait3A_161, %dma_wait3A_162] : memref<10112x64xf32, #tpu.memory_space<vmem_shared>> -> memref<10112x64xf32, #tpu.memory_space<vmem_shared>>
    tpu.wait_indirect_dma semaphore(%arg30 : memref<!tpu.dma_semaphore, #tpu.memory_space<semaphore_mem>>) src(%dma_wait3A_153 : memref<64x64xf32, #tpu.memory_space<vmem>>) dst(%dma_wait3A_163 : memref<10112x64xf32, #tpu.memory_space<vmem_shared>>)
    %dma_wait3A_164 = arith.constant 6 : i32
    %dma_wait3A_165 = arith.constant 14 : i32
    %dma_wait3A_166 = arith.constant 0 : i32
    %dma_wait3A_167 = arith.constant 0 : i32
    %dma_wait3A_168 = tpu.memref_slice %arg11[%dma_wait3A_164, %dma_wait3A_166, %dma_wait3A_167] : memref<8x64x64xf32, #tpu.memory_space<vmem>> -> memref<1x64x64xf32, #tpu.memory_space<vmem>>
    %dma_wait3A_169 = tpu.memref_squeeze %dma_wait3A_168 : memref<1x64x64xf32, #tpu.memory_space<vmem>> -> memref<64x64xf32, #tpu.memory_space<vmem>>
    %dma_wait3A_170 = arith.constant 0 : i32
    %dma_wait3A_171 = arith.constant 0 : i32
    %dma_wait3A_172 = tpu.memref_slice %arg10[%rem3A_67, %dma_wait3A_170, %dma_wait3A_171] : memref<2x16x64xi32, #tpu.memory_space<vmem>> -> memref<1x16x64xi32, #tpu.memory_space<vmem>>
    %dma_wait3A_173 = tpu.memref_squeeze %dma_wait3A_172 : memref<1x16x64xi32, #tpu.memory_space<vmem>> -> memref<16x64xi32, #tpu.memory_space<vmem>>
    %dma_wait3A_174 = arith.constant 0 : i32
    %dma_wait3A_175 = tpu.memref_slice %dma_wait3A_173[%dma_wait3A_165, %dma_wait3A_174] : memref<16x64xi32, #tpu.memory_space<vmem>> -> memref<1x64xi32, #tpu.memory_space<vmem>>
    %dma_wait3A_176 = tpu.memref_squeeze %dma_wait3A_175 : memref<1x64xi32, #tpu.memory_space<vmem>> -> memref<64xi32, #tpu.memory_space<vmem>>
    %dma_wait3A_177 = arith.constant 0 : i32
    %dma_wait3A_178 = arith.constant 0 : i32
    %dma_wait3A_179 = tpu.memref_slice %arg14[%dma_wait3A_177, %dma_wait3A_178] : memref<10112x64xf32, #tpu.memory_space<vmem_shared>> -> memref<10112x64xf32, #tpu.memory_space<vmem_shared>>
    tpu.wait_indirect_dma semaphore(%arg31 : memref<!tpu.dma_semaphore, #tpu.memory_space<semaphore_mem>>) src(%dma_wait3A_169 : memref<64x64xf32, #tpu.memory_space<vmem>>) dst(%dma_wait3A_179 : memref<10112x64xf32, #tpu.memory_space<vmem_shared>>)
    %dma_wait3A_180 = arith.constant 7 : i32
    %dma_wait3A_181 = arith.constant 15 : i32
    %dma_wait3A_182 = arith.constant 0 : i32
    %dma_wait3A_183 = arith.constant 0 : i32
    %dma_wait3A_184 = tpu.memref_slice %arg11[%dma_wait3A_180, %dma_wait3A_182, %dma_wait3A_183] : memref<8x64x64xf32, #tpu.memory_space<vmem>> -> memref<1x64x64xf32, #tpu.memory_space<vmem>>
    %dma_wait3A_185 = tpu.memref_squeeze %dma_wait3A_184 : memref<1x64x64xf32, #tpu.memory_space<vmem>> -> memref<64x64xf32, #tpu.memory_space<vmem>>
    %dma_wait3A_186 = arith.constant 0 : i32
    %dma_wait3A_187 = arith.constant 0 : i32
    %dma_wait3A_188 = tpu.memref_slice %arg10[%rem3A_67, %dma_wait3A_186, %dma_wait3A_187] : memref<2x16x64xi32, #tpu.memory_space<vmem>> -> memref<1x16x64xi32, #tpu.memory_space<vmem>>
    %dma_wait3A_189 = tpu.memref_squeeze %dma_wait3A_188 : memref<1x16x64xi32, #tpu.memory_space<vmem>> -> memref<16x64xi32, #tpu.memory_space<vmem>>
    %dma_wait3A_190 = arith.constant 0 : i32
    %dma_wait3A_191 = tpu.memref_slice %dma_wait3A_189[%dma_wait3A_181, %dma_wait3A_190] : memref<16x64xi32, #tpu.memory_space<vmem>> -> memref<1x64xi32, #tpu.memory_space<vmem>>
    %dma_wait3A_192 = tpu.memref_squeeze %dma_wait3A_191 : memref<1x64xi32, #tpu.memory_space<vmem>> -> memref<64xi32, #tpu.memory_space<vmem>>
    %dma_wait3A_193 = arith.constant 0 : i32
    %dma_wait3A_194 = arith.constant 0 : i32
    %dma_wait3A_195 = tpu.memref_slice %arg14[%dma_wait3A_193, %dma_wait3A_194] : memref<10112x64xf32, #tpu.memory_space<vmem_shared>> -> memref<10112x64xf32, #tpu.memory_space<vmem_shared>>
    tpu.wait_indirect_dma semaphore(%arg32 : memref<!tpu.dma_semaphore, #tpu.memory_space<semaphore_mem>>) src(%dma_wait3A_185 : memref<64x64xf32, #tpu.memory_space<vmem>>) dst(%dma_wait3A_195 : memref<10112x64xf32, #tpu.memory_space<vmem_shared>>)
    %barrier3A_196 = arith.constant 0 : index
    tpu.barrier barrier_id(%barrier3A_196)
    "tpu.region"() ({
      %run_scoped3A = tpu.sem_alloc : memref<!tpu.dma_semaphore, #tpu.memory_space<semaphore_mem>>
      %dma_start3A_197 = arith.constant 0 : i32
      %dma_start3A_198 = tpu.memref_slice %arg7[%arg0, %mul3A_40, %dma_start3A_197] : memref<2x10112x64xf32, #tpu.memory_space<hbm>> -> memref<1x632x64xf32, #tpu.memory_space<hbm>>
      %dma_start3A_199 = tpu.memref_squeeze %dma_start3A_198 : memref<1x632x64xf32, #tpu.memory_space<hbm>> -> memref<632x64xf32, #tpu.memory_space<hbm>>
      %dma_start3A_200 = arith.constant 0 : i32
      %dma_start3A_201 = tpu.memref_slice %arg14[%mul3A_40, %dma_start3A_200] : memref<10112x64xf32, #tpu.memory_space<vmem_shared>> -> memref<632x64xf32, #tpu.memory_space<vmem_shared>>
      tpu.enqueue_dma source(%dma_start3A_201 : memref<632x64xf32, #tpu.memory_space<vmem_shared>>) target(%dma_start3A_199 : memref<632x64xf32, #tpu.memory_space<hbm>>) target_semaphore(%run_scoped3A : memref<!tpu.dma_semaphore, #tpu.memory_space<semaphore_mem>>)
      %dma_wait3A_202 = arith.constant 0 : i32
      %dma_wait3A_203 = tpu.memref_slice %arg7[%arg0, %mul3A_40, %dma_wait3A_202] : memref<2x10112x64xf32, #tpu.memory_space<hbm>> -> memref<1x632x64xf32, #tpu.memory_space<hbm>>
      %dma_wait3A_204 = tpu.memref_squeeze %dma_wait3A_203 : memref<1x632x64xf32, #tpu.memory_space<hbm>> -> memref<632x64xf32, #tpu.memory_space<hbm>>
      %dma_wait3A_205 = arith.constant 0 : i32
      %dma_wait3A_206 = tpu.memref_slice %arg14[%mul3A_40, %dma_wait3A_205] : memref<10112x64xf32, #tpu.memory_space<vmem_shared>> -> memref<632x64xf32, #tpu.memory_space<vmem_shared>>
      tpu.wait_dma2 semaphore(%run_scoped3A : memref<!tpu.dma_semaphore, #tpu.memory_space<semaphore_mem>>) src(%dma_wait3A_206 : memref<632x64xf32, #tpu.memory_space<vmem_shared>>) dst(%dma_wait3A_204 : memref<632x64xf32, #tpu.memory_space<hbm>>)
      tpu.yield
    }) : () -> ()
    "tpu.region"() ({
      %run_scoped3A = tpu.sem_alloc : memref<!tpu.dma_semaphore, #tpu.memory_space<semaphore_mem>>
      %dma_start3A_197 = arith.constant 0 : i32
      %dma_start3A_198 = tpu.memref_slice %arg8[%arg0, %mul3A_40, %dma_start3A_197] : memref<2x10112x16xf32, #tpu.memory_space<hbm>> -> memref<1x632x16xf32, #tpu.memory_space<hbm>>
      %dma_start3A_199 = tpu.memref_squeeze %dma_start3A_198 : memref<1x632x16xf32, #tpu.memory_space<hbm>> -> memref<632x16xf32, #tpu.memory_space<hbm>>
      %dma_start3A_200 = arith.constant 0 : i32
      %dma_start3A_201 = tpu.memref_slice %arg15[%mul3A_40, %dma_start3A_200] : memref<10112x16xf32, #tpu.memory_space<vmem_shared>> -> memref<632x16xf32, #tpu.memory_space<vmem_shared>>
      tpu.enqueue_dma source(%dma_start3A_201 : memref<632x16xf32, #tpu.memory_space<vmem_shared>>) target(%dma_start3A_199 : memref<632x16xf32, #tpu.memory_space<hbm>>) target_semaphore(%run_scoped3A : memref<!tpu.dma_semaphore, #tpu.memory_space<semaphore_mem>>)
      %dma_wait3A_202 = arith.constant 0 : i32
      %dma_wait3A_203 = tpu.memref_slice %arg8[%arg0, %mul3A_40, %dma_wait3A_202] : memref<2x10112x16xf32, #tpu.memory_space<hbm>> -> memref<1x632x16xf32, #tpu.memory_space<hbm>>
      %dma_wait3A_204 = tpu.memref_squeeze %dma_wait3A_203 : memref<1x632x16xf32, #tpu.memory_space<hbm>> -> memref<632x16xf32, #tpu.memory_space<hbm>>
      %dma_wait3A_205 = arith.constant 0 : i32
      %dma_wait3A_206 = tpu.memref_slice %arg15[%mul3A_40, %dma_wait3A_205] : memref<10112x16xf32, #tpu.memory_space<vmem_shared>> -> memref<632x16xf32, #tpu.memory_space<vmem_shared>>
      tpu.wait_dma2 semaphore(%run_scoped3A : memref<!tpu.dma_semaphore, #tpu.memory_space<semaphore_mem>>) src(%dma_wait3A_206 : memref<632x16xf32, #tpu.memory_space<vmem_shared>>) dst(%dma_wait3A_204 : memref<632x16xf32, #tpu.memory_space<hbm>>)
      tpu.yield
    }) : () -> ()
    return
  }
}

module attributes {stable_mosaic.version = 14 : i64} {
  func.func @_tc_body(%arg0: i32, %arg1: memref<2000x128xf32, #tpu.memory_space<vmem>>, %arg2: memref<1x2000x64xf32, #tpu.memory_space<vmem>>, %arg3: memref<1x2000x64xf32, #tpu.memory_space<vmem>>, %arg4: memref<1x2000x16xf32, #tpu.memory_space<vmem>>, %arg5: memref<1x2000x16xf32, #tpu.memory_space<vmem>>, %arg6: memref<128x128xf32, #tpu.memory_space<vmem>>, %arg7: memref<1x128xf32, #tpu.memory_space<vmem>>, %arg8: memref<2000x128xf32, #tpu.memory_space<vmem>>) attributes {dimension_semantics = [#tpu.dimension_semantics<arbitrary>], iteration_bounds = array<i64: 5>, scalar_prefetch = 0 : i64, scratch_operands = 0 : i64, tpu.core_type = #tpu.core_type<tc>, window_params = [{transform_indices = @transform_0, window_bounds = array<i64: 2000, 128>}, {transform_indices = @transform_1, window_bounds = array<i64: 1, 2000, 64>}, {transform_indices = @transform_2, window_bounds = array<i64: 1, 2000, 64>}, {transform_indices = @transform_3, window_bounds = array<i64: 1, 2000, 16>}, {transform_indices = @transform_4, window_bounds = array<i64: 1, 2000, 16>}, {pipeline_mode = #tpu.pipeline_mode<synchronous>, transform_indices = @transform_5, window_bounds = array<i64: 128, 128>}, {pipeline_mode = #tpu.pipeline_mode<synchronous>, transform_indices = @transform_6, window_bounds = array<i64: 1, 128>}, {transform_indices = @transform_7, window_bounds = array<i64: 2000, 128>}]} {
    %get3A = arith.constant 0 : index
    %get3A_0 = arith.constant 0 : index
    %get3A_1 = arith.constant 0 : index
    %get3A_2 = vector.load %arg4[%get3A, %get3A_0, %get3A_1] : memref<1x2000x16xf32, #tpu.memory_space<vmem>>, vector<1x2000x1xf32>
    %get3A_3 = vector.shape_cast %get3A_2 : vector<1x2000x1xf32> to vector<2000x1xf32>
    %get3A_4 = arith.constant 0 : index
    %get3A_5 = arith.constant 0 : index
    %get3A_6 = arith.constant 0 : index
    %get3A_7 = vector.load %arg5[%get3A_4, %get3A_5, %get3A_6] : memref<1x2000x16xf32, #tpu.memory_space<vmem>>, vector<1x2000x1xf32>
    %get3A_8 = vector.shape_cast %get3A_7 : vector<1x2000x1xf32> to vector<2000x1xf32>
    %add3A = arith.addf %get3A_3, %get3A_8 : vector<2000x1xf32>
    %max3A = arith.constant 1.000000e+00 : f32
    %max3A_9 = vector.broadcast %max3A : f32 to vector<2000x1xf32>
    %max3A_10 = arith.maximumf %add3A, %max3A_9 : vector<2000x1xf32>
    %div3A = arith.constant 1.000000e+00 : f32
    %div3A_11 = vector.broadcast %div3A : f32 to vector<2000x1xf32>
    %div3A_12 = arith.divf %div3A_11, %max3A_10 : vector<2000x1xf32>
    %gt3A = arith.constant 0.000000e+00 : f32
    %gt3A_13 = vector.broadcast %gt3A : f32 to vector<2000x1xf32>
    %gt3A_14 = arith.cmpf ogt, %add3A, %gt3A_13 : vector<2000x1xf32>
    %get3A_15 = arith.constant 0 : index
    %get3A_16 = arith.constant 0 : index
    %get3A_17 = arith.constant 0 : index
    %get3A_18 = vector.load %arg2[%get3A_15, %get3A_16, %get3A_17] : memref<1x2000x64xf32, #tpu.memory_space<vmem>>, vector<1x2000x64xf32>
    %get3A_19 = vector.shape_cast %get3A_18 : vector<1x2000x64xf32> to vector<2000x64xf32>
    %mul3A = vector.broadcast %div3A_12 : vector<2000x1xf32> to vector<2000x64xf32>
    %mul3A_20 = arith.mulf %get3A_19, %mul3A : vector<2000x64xf32>
    %get3A_21 = arith.constant 0 : index
    %get3A_22 = arith.constant 0 : index
    %get3A_23 = vector.load %arg1[%get3A_21, %get3A_22] : memref<2000x128xf32, #tpu.memory_space<vmem>>, vector<2000x64xf32>
    %broadcast_in_dim3A = vector.shape_cast %gt3A_14 : vector<2000x1xi1> to vector<2000x1xi1>
    %broadcast_in_dim3A_24 = vector.broadcast %broadcast_in_dim3A : vector<2000x1xi1> to vector<2000x64xi1>
    %select_n3A = arith.select %broadcast_in_dim3A_24, %mul3A_20, %get3A_23 : vector<2000x64xi1>, vector<2000x64xf32>
    %get3A_25 = arith.constant 0 : index
    %get3A_26 = arith.constant 0 : index
    %get3A_27 = arith.constant 0 : index
    %get3A_28 = vector.load %arg3[%get3A_25, %get3A_26, %get3A_27] : memref<1x2000x64xf32, #tpu.memory_space<vmem>>, vector<1x2000x64xf32>
    %get3A_29 = vector.shape_cast %get3A_28 : vector<1x2000x64xf32> to vector<2000x64xf32>
    %mul3A_30 = vector.broadcast %div3A_12 : vector<2000x1xf32> to vector<2000x64xf32>
    %mul3A_31 = arith.mulf %get3A_29, %mul3A_30 : vector<2000x64xf32>
    %get3A_32 = arith.constant 0 : index
    %get3A_33 = arith.constant 64 : index
    %get3A_34 = vector.load %arg1[%get3A_32, %get3A_33] : memref<2000x128xf32, #tpu.memory_space<vmem>>, vector<2000x64xf32>
    %broadcast_in_dim3A_35 = vector.shape_cast %gt3A_14 : vector<2000x1xi1> to vector<2000x1xi1>
    %broadcast_in_dim3A_36 = vector.broadcast %broadcast_in_dim3A_35 : vector<2000x1xi1> to vector<2000x64xi1>
    %select_n3A_37 = arith.select %broadcast_in_dim3A_36, %mul3A_31, %get3A_34 : vector<2000x64xi1>, vector<2000x64xf32>
    %get3A_38 = arith.constant 0 : index
    %get3A_39 = arith.constant 0 : index
    %get3A_40 = vector.load %arg6[%get3A_38, %get3A_39] : memref<128x128xf32, #tpu.memory_space<vmem>>, vector<64x128xf32>
    %dot_general3A = arith.constant dense<0.000000e+00> : vector<2000x128xf32>
    %dot_general3A_41 = tpu.matmul %select_n3A, %get3A_40, %dot_general3A {dimension_numbers = #tpu.dot_dimension_numbers<[1], [0], [0], [1], [0, 0, 1, 1], [], []>, transpose_lhs_hint = false} : vector<2000x64xf32>, vector<64x128xf32>, vector<2000x128xf32> -> vector<2000x128xf32>
    %get3A_42 = arith.constant 64 : index
    %get3A_43 = arith.constant 0 : index
    %get3A_44 = vector.load %arg6[%get3A_42, %get3A_43] : memref<128x128xf32, #tpu.memory_space<vmem>>, vector<64x128xf32>
    %dot_general3A_45 = arith.constant dense<0.000000e+00> : vector<2000x128xf32>
    %dot_general3A_46 = tpu.matmul %select_n3A_37, %get3A_44, %dot_general3A_45 {dimension_numbers = #tpu.dot_dimension_numbers<[1], [0], [0], [1], [0, 0, 1, 1], [], []>, transpose_lhs_hint = false} : vector<2000x64xf32>, vector<64x128xf32>, vector<2000x128xf32> -> vector<2000x128xf32>
    %add3A_47 = arith.addf %dot_general3A_41, %dot_general3A_46 : vector<2000x128xf32>
    %get3A_48 = arith.constant 0 : index
    %get3A_49 = arith.constant 0 : index
    %get3A_50 = vector.load %arg7[%get3A_48, %get3A_49] : memref<1x128xf32, #tpu.memory_space<vmem>>, vector<1x128xf32>
    %add3A_51 = vector.broadcast %get3A_50 : vector<1x128xf32> to vector<2000x128xf32>
    %add3A_52 = arith.addf %add3A_47, %add3A_51 : vector<2000x128xf32>
    %max3A_53 = arith.constant 0.000000e+00 : f32
    %max3A_54 = vector.broadcast %max3A_53 : f32 to vector<2000x128xf32>
    %max3A_55 = arith.maximumf %add3A_52, %max3A_54 : vector<2000x128xf32>
    %swap3A = arith.constant 0 : index
    %swap3A_56 = arith.constant 0 : index
    %swap3A_57 = vector.load %arg8[%swap3A, %swap3A_56] : memref<2000x128xf32, #tpu.memory_space<vmem>>, vector<2000x128xf32>
    tpu.vector_store %arg8[%swap3A, %swap3A_56], %max3A_55 {strides = array<i32>} : memref<2000x128xf32, #tpu.memory_space<vmem>>, vector<2000x128xf32>,
    return
  }
  func.func @transform_0(%arg0: i32) -> (i32, i32) {
    %c0_i32 = arith.constant 0 : i32
    %c0_i32_0 = arith.constant 0 : i32
    return %arg0, %c0_i32 : i32, i32
  }
  func.func @transform_1(%arg0: i32) -> (i32, i32, i32) {
    %c0_i32 = arith.constant 0 : i32
    %c0_i32_0 = arith.constant 0 : i32
    %c0_i32_1 = arith.constant 0 : i32
    return %c0_i32, %arg0, %c0_i32_0 : i32, i32, i32
  }
  func.func @transform_2(%arg0: i32) -> (i32, i32, i32) {
    %c1_i32 = arith.constant 1 : i32
    %c0_i32 = arith.constant 0 : i32
    %c0_i32_0 = arith.constant 0 : i32
    return %c1_i32, %arg0, %c0_i32 : i32, i32, i32
  }
  func.func @transform_3(%arg0: i32) -> (i32, i32, i32) {
    %c0_i32 = arith.constant 0 : i32
    %c0_i32_0 = arith.constant 0 : i32
    %c0_i32_1 = arith.constant 0 : i32
    return %c0_i32, %arg0, %c0_i32_0 : i32, i32, i32
  }
  func.func @transform_4(%arg0: i32) -> (i32, i32, i32) {
    %c1_i32 = arith.constant 1 : i32
    %c0_i32 = arith.constant 0 : i32
    %c0_i32_0 = arith.constant 0 : i32
    return %c1_i32, %arg0, %c0_i32 : i32, i32, i32
  }
  func.func @transform_5(%arg0: i32) -> (i32, i32) {
    %c0_i32 = arith.constant 0 : i32
    %c0_i32_0 = arith.constant 0 : i32
    %c0_i32_1 = arith.constant 0 : i32
    return %c0_i32, %c0_i32_0 : i32, i32
  }
  func.func @transform_6(%arg0: i32) -> (i32, i32) {
    %c0_i32 = arith.constant 0 : i32
    %c0_i32_0 = arith.constant 0 : i32
    %c0_i32_1 = arith.constant 0 : i32
    return %c0_i32, %c0_i32_0 : i32, i32
  }
  func.func @transform_7(%arg0: i32) -> (i32, i32) {
    %c0_i32 = arith.constant 0 : i32
    %c0_i32_0 = arith.constant 0 : i32
    return %arg0, %c0_i32 : i32, i32
  }
}

</mosaic_0001>

<sc_bundles>
// kernel: kernel.4.cloned.1.call-start
scs
__scs_entry_jumppad:
0x0: {  	(pc) =	sbr.rel $0x88, $3  }
0x1: {  	(tag) =	ssettag $0x0;
	lr =	simm.s32 $0x1  }
0x2: {  	[smem:$0x3F9D] =	sst lr;
	_ =	strace $0xD0000000  }
0x3: {  	_ = 	snop  }
0x4: {  	_ = 	snop  }
0x5: {  	_ = 	snop  }
0x6: {  	_ = 	snop  }
0x7: {  	_ = 	snop  }
__scs_overlays_trampoline_lowered:
0x8: {  	[smem:$0x3FAC] =	sst s0  }
0x9: {  	[smem:$0x3FAD] =	sst s1  }
0xa: {  	[smem:$0x3FAE] =	sst s2  }
0xb: {  	[smem:$0x3FAF] =	sst s3  }
0xc: {  	[smem:$0x3FB0] =	sst s4  }
0xd: {  	[smem:$0x3FB1] =	sst s5  }
0xe: {  	[smem:$0x3FB2] =	sst s6  }
0xf: {  	[smem:$0x3FB3] =	sst s7  }
0x10: {  	[smem:$0x3FB4] =	sst s8  }
0x11: {  	[smem:$0x3FB5] =	sst s9;
	s0 =	simm.s32 @!p0 $0x0  }
0x12: {  	s1 =	sld [smem:$0x3F9B];
	s0 =	simm.s32 @p0 $0x1  }
0x13: {  	[smem:$0x3FB6] =	sst s0;
	s0 =	simm.s32 @!p1 $0x0  }
0x14: {  	s2 =	sld [smem:$0x3F9A];
	s0 =	simm.s32 @p1 $0x1  }
0x15: {  	[smem:$0x3FB7] =	sst s0;
	s0 =	simm.s32 @!p2 $0x0  }
0x16: {  	s3 =	sld [smem:$0x3FDB];
	s0 =	simm.s32 @p2 $0x1  }
0x17: {  	s4 =	simm.s32 $0x1BF5;
	[smem:$0x3FB9] =	sst s0  }
0x18: {  	s0 =	sld [smem:$0x3F9C];
	_ =	swait.ge [sflag:s4], $0x0  }
0x19: {  	s7 =	sld [smem:$0x3F9D]  }
0x1a: {  	s8 =	sadd.s32 $0xFFFFE003, lr  }
0x1b: {  	s9 =	sadd.s32 $0xFFFFFEF7, lr;
	s5 =	simm.s32 $0xFFFFFFFF;
	p2 =	slt.u32 s8, $0xFFFFF086  }
0x1c: {  	p1 =	slt.u32 s9, $0xF7A;
	s5 =	simm.s32 @!p2 $0x0  }
0x1d: {  	s5 =	simm.s32 @p1 $0x1;
	p0 =	seq.s32 s7, s2  }
0x1e: {  	s7 =	smul.u32 @!p0 $0xF7A, s2;
	p2 =	seq.s32 @!p0 s5, $0x0  }
0x1f: {  	s9 =	smul.u32 $0xF7A, s1;
	s8 =	simm.s32 @!p0 $0x1BF5;
	p2 =	por !p2, p0  }
0x20: {  	[sflag:s8] =	ssyncset.s32 @!p0 $0xFFFFF086;
	s6 =	sadd.s32 @!p0 s3, s7;
	s7 =	simm.s32 @!p0 $0x108  }
0x21: {  	s3 =	sadd.s32 s3, s9;
	s6 =	sadd.s32 @!p0 $0x88, s6;
	s7 =	simm.s32 @p2 $0x1082  }
0x22: {  	[simem:s7], [sflag:s8] =	dma.local @!p0 [hbm:s6], $0xF7A  }
0x23: {  	s9 =	sor.u32 $0xD0000000, s2;
	s6 =	simm.s32 $0x108;
	_ =	swait.ge @!p0 [sflag:s8], $0x0  }
0x24: {  	s3 =	sadd.s32 $0x88, s3;
	s6 =	simm.s32 @!p1 $0x1082;
	[sflag:s4] =	ssyncset.s32 $0xFFFFF086  }
0x25: {  	[simem:s6], [sflag:s4] =	dma.local [hbm:s3], $0xF7A  }
0x26: {  	[smem:$0x3F9D] =	sst s1;
	(tag) =	ssettag s2;
	_ =	strace s9  }
0x27: {  	s1 =	sld [smem:$0x3FAD]  }
0x28: {  	s2 =	sld [smem:$0x3FAE]  }
0x29: {  	s4 =	sld [smem:$0x3FB0]  }
0x2a: {  	p0 =	seq.s32 s5, $0x0;
	s5 =	sld [smem:$0x3FB1]  }
0x2b: {  	s6 =	sld [smem:$0x3FB2]  }
0x2c: {  	s7 =	sld [smem:$0x3FB3]  }
0x2d: {  	s3 =	simm.s32 $0x108;
	s8 =	sld [smem:$0x3FB4]  }
0x2e: {  	s3 =	simm.s32 @!p0 $0x1082;
	s9 =	sld [smem:$0x3FB5]  }
0x2f: {  	lr =	sadd.s32 s0, s3;
	s0 =	sld [smem:$0x3FAC]  }
0x30: {  	s3 =	sld [smem:$0x3FAF]  }
0x31: {  	[smem:$0x3FB8] =	sst s10  }
0x32: {  	s10 =	sld [smem:$0x3FB6];
	_ =	sdelay $0x3  }
0x33: {  	p0 =	seq.s32 s10, $0x1;
	s10 =	sld [smem:$0x3FB8];
	_ =	sdelay $0x3  }
0x34: {  	[smem:$0x3FB8] =	sst s10  }
0x35: {  	s10 =	sld [smem:$0x3FB7];
	_ =	sdelay $0x3  }
0x36: {  	p1 =	seq.s32 s10, $0x1;
	s10 =	sld [smem:$0x3FB8];
	_ =	sdelay $0x3  }
0x37: {  	[smem:$0x3FB8] =	sst s10  }
0x38: {  	s10 =	sld [smem:$0x3FB9]  }
0x39: {  	_ = 	snop;
	(pc) =	sbr.ind lr, $3  }
0x3a: {  	_ = 	snop  }
0x3b: {  	_ = 	snop  }
0x3c: {  	p2 =	seq.s32 s10, $0x1;
	s10 =	sld [smem:$0x3FB8]  }
0x3d: {  	_ =	shalt  }
0x3e: {  	_ =	shalt  }
0x3f: {  	_ =	shalt  }
0x40: {  	_ =	shalt  }
0x41: {  	_ =	shalt  }
0x42: {  	_ =	shalt  }
0x43: {  	_ =	shalt  }
0x44: {  	_ =	shalt  }
0x45: {  	_ =	shalt  }
0x46: {  	_ =	shalt  }
0x47: {  	_ =	shalt  }
0x48: {  	_ =	shalt  }
0x49: {  	_ =	shalt  }
0x4a: {  	_ =	shalt  }
0x4b: {  	_ =	shalt  }
0x4c: {  	_ =	shalt  }
0x4d: {  	_ =	shalt  }
0x4e: {  	_ =	shalt  }
0x4f: {  	_ =	shalt  }
0x50: {  	_ =	shalt  }
0x51: {  	_ =	shalt  }
0x52: {  	_ =	shalt  }
0x53: {  	_ =	shalt  }
0x54: {  	_ =	shalt  }
0x55: {  	_ =	shalt  }
0x56: {  	_ =	shalt  }
0x57: {  	_ =	shalt  }
0x58: {  	_ =	shalt  }
0x59: {  	_ =	shalt  }
0x5a: {  	_ =	shalt  }
0x5b: {  	_ =	shalt  }
0x5c: {  	_ =	shalt  }
0x5d: {  	_ =	shalt  }
0x5e: {  	_ =	shalt  }
0x5f: {  	_ =	shalt  }
0x60: {  	_ =	shalt  }
0x61: {  	_ =	shalt  }
0x62: {  	_ =	shalt  }
0x63: {  	_ =	shalt  }
0x64: {  	_ =	shalt  }
0x65: {  	_ =	shalt  }
0x66: {  	_ =	shalt  }
0x67: {  	_ =	shalt  }
0x68: {  	_ =	shalt  }
0x69: {  	_ =	shalt  }
0x6a: {  	_ =	shalt  }
0x6b: {  	_ =	shalt  }
0x6c: {  	_ =	shalt  }
0x6d: {  	_ =	shalt  }
0x6e: {  	_ =	shalt  }
0x6f: {  	_ =	shalt  }
0x70: {  	_ =	shalt  }
0x71: {  	_ =	shalt  }
0x72: {  	_ =	shalt  }
0x73: {  	_ =	shalt  }
0x74: {  	_ =	shalt  }
0x75: {  	_ =	shalt  }
0x76: {  	_ =	shalt  }
0x77: {  	_ =	shalt  }
0x78: {  	_ =	shalt  }
0x79: {  	_ =	shalt  }
0x7a: {  	_ =	shalt  }
0x7b: {  	_ =	shalt  }
0x7c: {  	_ =	shalt  }
0x7d: {  	_ =	shalt  }
0x7e: {  	_ =	shalt  }
0x7f: {  	_ =	shalt  }
0x80: {  	_ =	shalt  }
0x81: {  	_ =	shalt  }
0x82: {  	_ =	shalt  }
0x83: {  	_ =	shalt  }
0x84: {  	_ =	shalt  }
0x85: {  	_ =	shalt  }
0x86: {  	_ =	shalt  }
0x87: {  	_ =	shalt  }
.Lfunc_end0:
.L_simem_size_0:
called_computation_lowered:
.L_overlay_start_0:
0x88: {  	s2 =	sld [smem:$0x3FD9]  }
0x89: {  	s3 =	sld [smem:$0x3FFE];
	_ =	sdelay $0x1  }
0x8a: {  	s1 =	srdreg.scid  }
0x8b: {  	s0 =	sand.u32 $0x1, s1  }
0x8c: {  	s17 =	sshll.u32 s0, $0xA;
	s2 =	sadd.s32 s3, s2  }
0x8d: {  	s2 =	sadd.s32 s2, s17  }
0x8e: {  	[smem:$0x3FC4] =	sst s2  }
0x8f: {  	_ = 	snop  }
0x90: {  	s2 =	sld [smem:$0x3FC9]  }
0x91: {  	s18 =	sld [smem:$0x3FD0];
	(tm) =	ssettm $0x1  }
0x92: {  	s4 =	sld [smem:$0x3FFB];
	_ =	sdelay $0x3  }
0x93: {  	_ =	strace s4  }
0x94: {  	s4 =	sld [smem:$0x3FFC];
	_ =	sdelay $0x3  }
0x95: {  	_ =	strace s4  }
0x96: {  	s4 =	sld [smem:$0x3FFD];
	_ =	sdelay $0x3  }
0x97: {  	_ =	strace s4  }
0x98: {  	_ =	strace $0x8FFFFFFF  }
0x99: {  	s19 =	sld [smem:$0x3FDB];
	_ =	sdelay $0x1  }
0x9a: {  	s5 =	simm.s32 $_scs_section_size  }
0x9b: {  	s6 =	simm.s32 $_size__tile_overlayer_lowered;
	s7 =	simm.s32 $_tile_overlayer_lowered  }
0x9c: {  	s22 =	simm.s32 $0x1BFF;
	s21 =	sshll.u32 s7, $0x1;
	s4 =	sadd.s32 s5, s19  }
0x9d: {  	s8 =	simm.s32 $0x0;
	s20 =	sshll.u32 s6, $0x1;
	s6 =	sadd.s32 s21, s4  }
0x9e: {  	[timem:s8], [sflag:s22] =	dma.local [hbm:s6], s20  }
0x9f: {  	_ =	swait.ge [sflag:s22], s20  }
0xa0: {  	s5 =	ssub.s32 $0x0, s20;
	[sflag:s22] =	ssyncset.done $0x0  }
0xa1: {  	[sflag:s22] =	ssyncadd.s32 s5;
	_ =	sdelay $0x1  }
0xa2: {  	s23 =	simm.s32 $0x1B8B  }
0xa3: {  	_ =	swait.ge [sflag:s23], $0x1  }
0xa4: {  	[sflag:s23] =	ssyncset.done $0x0  }
0xa5: {  	s25 =	simm.s32 $0x1B8E;
	s24 =	sld [smem:$0x3FFE];
	[sflag:s23] =	ssyncadd.s32 $0xFFFFFFFF  }
0xa6: {  	s26 =	simm.s32 $execute0_lowered;
	[smem:$0x3FD2] =	sst s25  }
0xa7: {  	s6 =	sshll.u32 s26, $0x1;
	_ =	strace $0x80000046;
	[dreg:$0x1] =	wrdreg $0xFFFFFFFF  }
0xa8: {  	s28 =	simm.s32 $_size_execute0_lowered;
	s4 =	sadd.s32 s4, s6;
	[dreg:$0x0] =	wrdreg $0x0  }
0xa9: {  	s6 =	sshll.u32 s28, $0x1;
	[dreg:$0x2] =	wrdreg s4  }
0xaa: {  	[dreg:$0x3] =	wrdreg s6  }
0xab: {  	[dreg:$0x4] =	wrdreg $0xC0  }
0xac: {  	_ =	task [dreg:s8], $0x5FFFF  }
0xad: {  	[dreg:$0x1] =	wrdreg $0xFFFFFFFF  }
0xae: {  	[dreg:$0x0] =	wrdreg $0x60  }
0xaf: {  	[dreg:$0x2] =	wrdreg s2  }
0xb0: {  	[dreg:$0x3] =	wrdreg s18  }
0xb1: {  	[dreg:$0x4] =	wrdreg s24  }
0xb2: {  	[dreg:$0x5] =	wrdreg $0x94000  }
0xb3: {  	[dreg:$0x6] =	wrdreg $0x132000  }
0xb4: {  	[dreg:$0x7] =	wrdreg $0x1D0000  }
0xb5: {  	[dreg:$0x8] =	wrdreg $0x9  }
0xb6: {  	_ =	task.clear_ibuf [dreg:s8], $0x9FFFF;
	_ =	strace $0x90000046  }
0xb7: {  	s29 =	simm.s32 $0x9;
	_ =	strace $0x80000048  }
0xb8: {  	_ =	swait.ge [sflag:s29], $0x1  }
0xb9: {  	[sflag:s29] =	ssyncadd.s32 $0xFFFFFFFF  }
0xba: {  	_ =	strace $0x90000048  }
0xbb: {  	_ =	sfence  }
0xbc: {  	s30 =	sld [smem:$0x0];
	_ =	sdelay $0x2  }
0xbd: {  	s31 =	sshll.u32 s1, $0xD;
	s1 =	sshrl.u32 s1, $0x2  }
0xbe: {  	s3 =	sand.u32 $0x4000, s31;
	s1 =	sadd.s32 s1, s30  }
0xbf: {  	s0 =	sor.u32 s3, s0;
	s1 =	sshll.u32 s1, $0x11  }
0xc0: {  	s0 =	sor.u32 s1, s0  }
0xc1: {  	s0 =	sadd.s32 $0x8F2B, s0  }
0xc2: {  	[sflag:s0] =	ssyncadd.remote.s32 $0x1  }
0xc3: {  	_ =	sfence.sel $0xFFFF  }
0xc4: {  	[dreg:$0x0] =	wrdreg $0xFFFFFFFF;
	(pc) =	sbr.abs _section_cstart, $3  }
0xc5: {  	[dreg:$0x1] =	wrdreg $0xFFFFFFFF  }
0xc6: {  	_ =	task.clear_ibuf [dreg:s8], $0x2FFFF;
	_ =	strace $0x9FFFFFFF  }
0xc7: {  	(tm) =	ssettm $0x7FFFFFFF  }
tec
execute0_lowered:
.L_overlay_start_1:
0x0: {  	(tag) =	ssettag $0x1  }
0x1: {  	s0 =	rddreg [dreg:$0x0]  }
0x2: {  	s13 =	rddreg [dreg:$0x1]  }
0x3: {  	s1 =	rddreg [dreg:$0x2]  }
0x4: {  	s2 =	rddreg [dreg:$0x3]  }
0x5: {  	s4 =	rddreg [dreg:$0x4]  }
0x6: {  	s3 =	srdreg.scid;
	s14 =	stileid.u32  }
0x7: {  	s5 =	rddreg [dreg:$0x5];
	s8 =	simm.s32 $0x0;
	s28 =	simm.s32 $0x1000  }
0x8: {  	s29 =	simm.s32 $0x2000;
	s30 =	simm.s32 $0x3000;
	s6 =	smul.u32 $0x9E00, s14  }
0x9: {  	s31 =	simm.s32 $0x4000;
	s3 =	sand.u32 $0x1, s3;
	s26 =	smul.u32 $0x2780, s14  }
0xa: {  	[smem:$0x7FF] =	sst s8;
	s15 =	sadd.s32 $0xE00, s1;
	s11 =	smul.u32 $0x13C00, s14  }
0xb: {  	s10 =	sadd.s32 $0xB400, s1;
	s12 =	sadd.s32 $0xAE00, s1;
	s19 =	smul.u32 $0x27800, s14  }
0xc: {  	p0 =	seq.s32 s14, $0xF;
	s8 =	simm.s32 $0x7000;
	s7 =	smul.u32 $0x9E000, s3  }
0xd: {  	_ =	strace $0x80000047;
	s9 =	smul.u32 $0x27800, s3;
	[dreg:$0x8] =	wrdreg s10  }
0xe: {  	[dreg:$0x9] =	wrdreg s12;
	s16 =	ssub.s32 $0x2, s3;
	s12 =	smul.u32 $0x5000, s14  }
0xf: {  	[dreg:$0x7] =	wrdreg s15;
	s20 =	sshll.u32 s3, $0x6;
	s22 =	sshll.u32 s3, $0x3  }
0x10: {  	p1 =	seq.s32 s3, $0x0;
	s3 =	simm.s32 $0x5000;
	s14 =	simm.s32 $0x5  }
0x11: {  	s17 =	sshrl.u32 s16, $0x1;
	s21 =	sshrl.u32 s19, $0x2;
	s24 =	sadd.s32 s26, s5  }
0x12: {  	s7 =	sadd.s32 s6, s7;
	s9 =	sadd.s32 s26, s9;
	[dreg:$0xa] =	wrdreg s12  }
0x13: {  	s18 =	sshrl.u32 s12, $0x3;
	s12 =	sadd.s32 s22, s0;
	s6 =	sadd.s32 s6, s4  }
0x14: {  	[dreg:$0x10] =	wrdreg s24;
	s24 =	simm.s32 $0x4;
	s22 =	simm.s32 $0x0  }
0x15: {  	s7 =	sshrl.u32 s7, $0x3;
	s9 =	sshrl.u32 s9, $0x3;
	s13 =	sadd.s32 s13, s18  }
0x16: {  	s10 =	sadd.s32 s15, s18;
	s23 =	sadd.s32 $0x25080, s12;
	[dreg:$0xf] =	wrdreg s6  }
0x17: {  	s18 =	simm.s32 $0x7;
	s6 =	simm.s32 $0x0;
	s7 =	sadd.s32 s7, s1  }
0x18: {  	s1 =	sadd.s32 s9, s1;
	s9 =	ssub.s32 s16, s17;
	[dreg:$0xb] =	wrdreg s13  }
0x19: {  	[dreg:$0xc] =	wrdreg s10;
	s10 =	sor.u32 s20, s11;
	s11 =	sadd.s32 s21, s2  }
0x1a: {  	[dreg:$0xe] =	wrdreg s23;
	s23 =	simm.s32 $0x3;
	s20 =	simm.s32 $0x6000  }
0x1b: {  	s16 =	simm.s32 $0x6;
	s21 =	simm.s32 $0x8;
	s25 =	sadd.s32 $0xC800, s7  }
0x1c: {  	s10 =	sshrl.u32 s10, $0x3;
	s1 =	sadd.s32 $0x34000, s1;
	[dreg:$0x11] =	wrdreg s25  }
0x1d: {  	s26 =	smax.u32 s9, $0x1;
	s9 =	simm.s32 $0x8000;
	[dreg:$0x12] =	wrdreg s1  }
.Ltmp0:
0x1e: {  	s0 =	sadd.s32 s0, s10;
	[dreg:$0x13] =	wrdreg s26;
	(pc) =	sbr.rel .LBB2_1-.Ltmp0, $4  }
0x1f: {  	s7 =	simm.s32 $0x11;
	[dreg:$0xd] =	wrdreg s0;
	s0 =	sadd.s32 $0x94200, s2  }
0x20: {  	s25 =	simm.s32 $0x1;
	s26 =	simm.s32 $0x40;
	s0 =	sshrl.u32 @p0 s0, $0x3  }
0x21: {  	s10 =	simm.s32 $0x9000;
	[dreg:$0x14] =	wrdreg s0;
	s0 =	sshrl.u32 @!p0 s11, $0x3  }
0x22: {  	v0 =	vimm.f32 $1.000000000e+00;
	s11 =	simm.s32 $0x2;
	[dreg:$0x15] =	wrdreg s0;
	s0 =	simm.s32 $0x9  }
.LBB2_9:
0x23: {  	s1 =	simm.s32 $0xA  }
0x24: {  	_ =	swait.ge [sflag:s1], $0x1000  }
0x25: {  	[sflag:s1] =	ssyncset.done $0x0  }
0x26: {  	s13 =	simm.s32 $0xB;
	[sflag:s1] =	ssyncadd.s32 $0xFFFFF000  }
0x27: {  	_ =	swait.ge [sflag:s13], $0x1000  }
0x28: {  	[sflag:s13] =	ssyncset.done $0x0  }
0x29: {  	s15 =	simm.s32 $0xC;
	[sflag:s13] =	ssyncadd.s32 $0xFFFFF000  }
0x2a: {  	_ =	swait.ge [sflag:s15], $0x1000  }
0x2b: {  	[sflag:s15] =	ssyncset.done $0x0  }
0x2c: {  	s17 =	simm.s32 $0xD;
	[sflag:s15] =	ssyncadd.s32 $0xFFFFF000  }
0x2d: {  	_ =	swait.ge [sflag:s17], $0x1000  }
0x2e: {  	[sflag:s17] =	ssyncset.done $0x0  }
0x2f: {  	s19 =	simm.s32 $0xE;
	[sflag:s17] =	ssyncadd.s32 $0xFFFFF000  }
0x30: {  	_ =	swait.ge [sflag:s19], $0x1000  }
0x31: {  	[sflag:s19] =	ssyncset.done $0x0  }
0x32: {  	s6 =	simm.s32 $0xF;
	[sflag:s19] =	ssyncadd.s32 $0xFFFFF000  }
0x33: {  	_ =	swait.ge [sflag:s6], $0x1000  }
0x34: {  	[sflag:s6] =	ssyncset.done $0x0  }
0x35: {  	s12 =	simm.s32 $0x10;
	[sflag:s6] =	ssyncadd.s32 $0xFFFFF000  }
0x36: {  	_ =	swait.ge [sflag:s12], $0x1000  }
0x37: {  	[sflag:s12] =	ssyncset.done $0x0  }
0x38: {  	[sflag:s12] =	ssyncadd.s32 $0xFFFFF000  }
0x39: {  	_ =	swait.ge [sflag:s7], $0x1000  }
0x3a: {  	[sflag:s7] =	ssyncset.done $0x0  }
0x3b: {  	[sflag:s7] =	ssyncadd.s32 $0xFFFFF000  }
0x3c: {  	[bflag:$0x0] =	sbarrier.arrive $0xFFFF  }
0x3d: {  	s13 =	rddreg [dreg:$0x17]  }
0x3e: {  	s6 =	rddreg [dreg:$0x11]  }
0x3f: {  	s12 =	rddreg [dreg:$0x19];
	s1 =	sor.u32 $0x1C13, s13  }
0x40: {  	[hbm:s6], [sflag:s1] =	dma.local [spmem:s12], $0x13C0  }
0x41: {  	s12 =	simm.s32 $0x13  }
0x42: {  	_ =	swait.ge [sflag:s12], $0x13C0  }
0x43: {  	[sflag:s12] =	ssyncset.done $0x0;
	s15 =	rddreg [dreg:$0x12]  }
0x44: {  	s13 =	rddreg [dreg:$0x18];
	[sflag:s12] =	ssyncadd.s32 $0xFFFFEC40  }
0x45: {  	[hbm:s15], [sflag:s1] =	dma.local [spmem:s13], $0x4F0  }
0x46: {  	_ =	swait.ge [sflag:s12], $0x4F0  }
0x47: {  	s17 =	rddreg [dreg:$0x16]  }
0x48: {  	s19 =	rddreg [dreg:$0x13];
	s6 =	sadd.s32 $0x1, s17  }
0x49: {  	p2 =	sne.s32 s6, s19  }
.Ltmp1:
0x4a: {  	_ = 	snop;
	(pc) =	sbr.rel @!p2 .LBB2_10-.Ltmp1, $3  }
0x4b: {  	_ =	sdelay $0x1  }
0x4c: {  	[sflag:s12] =	ssyncset.done $0x0  }
0x4d: {  	[sflag:s12] =	ssyncadd.s32 $0xFFFFFB10  }
.LBB2_1:
0x4e: {  	[dreg:$0x16] =	wrdreg s6;
	s6 =	simm.s32 $0x40;
	s12 =	simm.s32 $0x0  }
.LBB2_2:
0x4f: {  	p2 =	sne.s32 s6, $0xFC0;
	[tilespmem:s12+$0x9000] =	vst v0;
	s12 =	smov.u32 s6;
	s6 =	sadd.s32 $0x40, s6  }
.Ltmp2:
0x50: {  	(pc) =	sbr.rel @p2 .LBB2_2-.Ltmp2, $2  }
0x51: {  	_ =	sdelay $0x2  }
0x52: {  	s12 =	sshra.s32 s12, $0x2  }
0x53: {  	s6 =	rddreg [dreg:$0xb]  }
0x54: {  	[tilespmem:s12+$0x9000] =	vst v0;
	s1 =	simm.s32 $0x0;
	s17 =	rddreg [dreg:$0xc];
	s19 =	simm.s32 $0x800  }
0x55: {  	[tilespmem:s1], [sflag:$0x1] =	stream.linear.gather [hbm4b:s6+s1], $0x400, $0x38;
	[tilespmem:$0x1F780] =	vst v63  }
0x56: {  	s12 =	simm.s32 @p0 $0x8;
	s13 =	simm.s32 @p0 $0x10;
	s15 =	rddreg [dreg:$0x14]  }
0x57: {  	[tilespmem:s19], [sflag:$0x1] =	stream.linear.gather [hbm4b:s17+s1], $0x400, $0x38;
	[tilespmem:$0x1F780] =	vst v63  }
0x58: {  	s6 =	simm.s32 @p0 $0x1FC2;
	s17 =	simm.s32 @p0 $0x1;
	s1 =	rddreg [dreg:$0xe]  }
0x59: {  	[spmem:s15@s12], [sflag:s6] =	dma.strided @p0 [hbm:s1@s13], $0x1040, s17, $0x8   }
0x5a: {  	s6 =	simm.s32 @p0 $0x2  }
0x5b: {  	s19 =	simm.s32 @!p0 $0x1;
	_ =	swait.ge @p0 [sflag:s6], $0x1040  }
0x5c: {  	s1 =	stileid.u32;
	s13 =	simm.s32 @!p0 $0x8;
	s15 =	rddreg [dreg:$0xd]  }
0x5d: {  	s12 =	sshll.u32 @!p0 s1, $0x6;
	[sflag:s6] =	ssyncset.done @p0 $0x0;
	s17 =	rddreg [dreg:$0x15]  }
0x5e: {  	[sflag:s6] =	ssyncadd.s32 @p0 $0xFFFFEFC0;
	s6 =	sor.u32 @!p0 $0x1C02, s12;
	s12 =	simm.s32 @!p0 $0x10  }
0x5f: {  	[spmem:s17@s13], [sflag:s6] =	dma.strided @!p0 [hbm:s15@s12], $0x13C0, s19, $0x8   }
0x60: {  	s6 =	simm.s32 @!p0 $0x2  }
0x61: {  	_ =	swait.ge @!p0 [sflag:s6], $0x13C0  }
0x62: {  	s12 =	sshll.u32 s1, $0x6;
	s15 =	rddreg [dreg:$0xf]  }
0x63: {  	[sflag:s6] =	ssyncset.done @!p0 $0x0;
	s19 =	rddreg [dreg:$0x8];
	s17 =	sshrl.u32 s15, $0x3  }
0x64: {  	s13 =	sor.u32 $0x1C03, s12;
	[sflag:s6] =	ssyncadd.s32 @!p0 $0xFFFFEC40;
	[dreg:$0x19] =	wrdreg s17  }
0x65: {  	[spmem:s17], [sflag:s13] =	dma.local [hbm:s19], $0x13C0  }
0x66: {  	[dreg:$0x17] =	wrdreg s12  }
0x67: {  	s1 =	rddreg [dreg:$0x10]  }
0x68: {  	s19 =	rddreg [dreg:$0x9];
	s17 =	sshrl.u32 s1, $0x3  }
0x69: {  	s15 =	sor.u32 $0x1C04, s12;
	[dreg:$0x18] =	wrdreg s17  }
0x6a: {  	[spmem:s17], [sflag:s15] =	dma.local [hbm:s19], $0x4F0  }
0x6b: {  	_ =	swait.ge [sflag:s23], $0x13C0  }
0x6c: {  	[sflag:s23] =	ssyncset.done $0x0  }
0x6d: {  	[sflag:s23] =	ssyncadd.s32 $0xFFFFEC40  }
.Ltmp3:
0x6e: {  	_ =	swait.ge [sflag:s24], $0x4F0;
	(pc) =	sbr.rel .LBB2_4-.Ltmp3, $4  }
0x6f: {  	[sflag:s24] =	ssyncset.done $0x0  }
0x70: {  	[sflag:s24] =	ssyncadd.s32 $0xFFFFFB10  }
0x71: {  	[bflag:$0x0] =	sbarrier.arrive $0xFFFF  }
0x72: {  	s6 =	simm.s32 $0x0  }
.LBB2_7:
0x73: {  	[spmem:s5] =	stream.indirect.scatter.add.f32 [tilespmem:s10], [sflag:$0x12], $0x10, s13, s26, $0xb8;
	[tilespmem:$0x1F780] =	vst v63  }
0x74: {  	s1 =	sadd.s32 $0x840, s12  }
0x75: {  	[spmem:s5] =	stream.indirect.scatter.add.f32 [tilespmem:s10], [sflag:$0x12], $0x10, s1, s26, $0xb8;
	[tilespmem:$0x1F780] =	vst v63  }
0x76: {  	s17 =	sadd.s32 $0x880, s12  }
0x77: {  	[spmem:s5] =	stream.indirect.scatter.add.f32 [tilespmem:s10], [sflag:$0x12], $0x10, s17, s26, $0xb8;
	[tilespmem:$0x1F780] =	vst v63  }
0x78: {  	s19 =	sadd.s32 $0x8C0, s12  }
0x79: {  	[spmem:s5] =	stream.indirect.scatter.add.f32 [tilespmem:s10], [sflag:$0x12], $0x10, s19, s26, $0xb8;
	[tilespmem:$0x1F780] =	vst v63  }
0x7a: {  	s15 =	sadd.s32 $0x900, s12  }
0x7b: {  	[spmem:s5] =	stream.indirect.scatter.add.f32 [tilespmem:s10], [sflag:$0x12], $0x10, s15, s26, $0xb8;
	[tilespmem:$0x1F780] =	vst v63  }
0x7c: {  	s17 =	sadd.s32 $0x940, s12  }
0x7d: {  	[spmem:s5] =	stream.indirect.scatter.add.f32 [tilespmem:s10], [sflag:$0x12], $0x10, s17, s26, $0xb8;
	[tilespmem:$0x1F780] =	vst v63  }
0x7e: {  	s19 =	sadd.s32 $0x980, s12  }
0x7f: {  	[spmem:s5] =	stream.indirect.scatter.add.f32 [tilespmem:s10], [sflag:$0x12], $0x10, s19, s26, $0xb8;
	[tilespmem:$0x1F780] =	vst v63  }
0x80: {  	s15 =	sadd.s32 $0x9C0, s12  }
0x81: {  	[spmem:s5] =	stream.indirect.scatter.add.f32 [tilespmem:s10], [sflag:$0x12], $0x10, s15, s26, $0xb8;
	[tilespmem:$0x1F780] =	vst v63  }
0x82: {  	s17 =	sadd.s32 $0xA00, s12  }
0x83: {  	[spmem:s5] =	stream.indirect.scatter.add.f32 [tilespmem:s10], [sflag:$0x12], $0x10, s17, s26, $0xb8;
	[tilespmem:$0x1F780] =	vst v63  }
0x84: {  	s19 =	sadd.s32 $0xA40, s12  }
0x85: {  	[spmem:s5] =	stream.indirect.scatter.add.f32 [tilespmem:s10], [sflag:$0x12], $0x10, s19, s26, $0xb8;
	[tilespmem:$0x1F780] =	vst v63  }
0x86: {  	s15 =	sadd.s32 $0xA80, s12  }
0x87: {  	[spmem:s5] =	stream.indirect.scatter.add.f32 [tilespmem:s10], [sflag:$0x12], $0x10, s15, s26, $0xb8;
	[tilespmem:$0x1F780] =	vst v63  }
0x88: {  	s17 =	sadd.s32 $0xAC0, s12  }
0x89: {  	[spmem:s5] =	stream.indirect.scatter.add.f32 [tilespmem:s10], [sflag:$0x12], $0x10, s17, s26, $0xb8;
	[tilespmem:$0x1F780] =	vst v63  }
0x8a: {  	s19 =	sadd.s32 $0xB00, s12  }
0x8b: {  	[spmem:s5] =	stream.indirect.scatter.add.f32 [tilespmem:s10], [sflag:$0x12], $0x10, s19, s26, $0xb8;
	[tilespmem:$0x1F780] =	vst v63  }
0x8c: {  	s15 =	sadd.s32 $0xB40, s12  }
0x8d: {  	[spmem:s5] =	stream.indirect.scatter.add.f32 [tilespmem:s10], [sflag:$0x12], $0x10, s15, s26, $0xb8;
	[tilespmem:$0x1F780] =	vst v63  }
0x8e: {  	s17 =	sadd.s32 $0xB80, s12  }
0x8f: {  	[spmem:s5] =	stream.indirect.scatter.add.f32 [tilespmem:s10], [sflag:$0x12], $0x10, s17, s26, $0xb8;
	[tilespmem:$0x1F780] =	vst v63  }
0x90: {  	p2 =	por $0x1, $0x1;
	s19 =	sadd.s32 $0xBC0, s12  }
0x91: {  	[spmem:s5] =	stream.indirect.scatter.add.f32 [tilespmem:s10], [sflag:$0x12], $0x10, s19, s26, $0xb8;
	[tilespmem:$0x1F780] =	vst v63  }
.LBB2_8:
0x92: {  	[tilespmem:s28], [sflag:$0x2] =	stream.indirect.gather [spmem:s2], $0x40, s12, s26, $0xb8;
	[tilespmem:$0x1F780] =	vst v63  }
0x93: {  	s1 =	sadd.s32 $0x40, s12  }
0x94: {  	[tilespmem:s29], [sflag:$0x3] =	stream.indirect.gather [spmem:s2], $0x40, s1, s26, $0xb8;
	[tilespmem:$0x1F780] =	vst v63  }
0x95: {  	s17 =	sadd.s32 $0x80, s12  }
0x96: {  	[tilespmem:s30], [sflag:$0x4] =	stream.indirect.gather [spmem:s2], $0x40, s17, s26, $0xb8;
	[tilespmem:$0x1F780] =	vst v63  }
0x97: {  	s19 =	sadd.s32 $0xC0, s12  }
0x98: {  	[tilespmem:s31], [sflag:$0x5] =	stream.indirect.gather [spmem:s2], $0x40, s19, s26, $0xb8;
	[tilespmem:$0x1F780] =	vst v63  }
0x99: {  	s15 =	sadd.s32 $0x100, s12  }
0x9a: {  	[tilespmem:s3], [sflag:$0x6] =	stream.indirect.gather [spmem:s2], $0x40, s15, s26, $0xb8;
	[tilespmem:$0x1F780] =	vst v63  }
0x9b: {  	s17 =	sadd.s32 $0x140, s12  }
0x9c: {  	[tilespmem:s20], [sflag:$0x7] =	stream.indirect.gather [spmem:s2], $0x40, s17, s26, $0xb8;
	[tilespmem:$0x1F780] =	vst v63  }
0x9d: {  	s19 =	sadd.s32 $0x180, s12  }
0x9e: {  	[tilespmem:s8], [sflag:$0x8] =	stream.indirect.gather [spmem:s2], $0x40, s19, s26, $0xb8;
	[tilespmem:$0x1F780] =	vst v63  }
0x9f: {  	s15 =	sadd.s32 $0x1C0, s12  }
0xa0: {  	[tilespmem:s9], [sflag:$0x9] =	stream.indirect.gather [spmem:s2], $0x40, s15, s26, $0xb8;
	[tilespmem:$0x1F780] =	vst v63  }
0xa1: {  	_ =	swait.ge [sflag:s11], $0x1000  }
0xa2: {  	[sflag:s11] =	ssyncset.done $0x0  }
0xa3: {  	s17 =	simm.s32 $0xA;
	[sflag:s11] =	ssyncadd.s32 $0xFFFFF000  }
0xa4: {  	[spmem:s4] =	stream.indirect.scatter.add.f32 [tilespmem:s28], [sflag:$0xA], $0x40, s13, s26, $0xb8;
	[tilespmem:$0x1F780] =	vst v63  }
0xa5: {  	_ =	swait.ge [sflag:s17], $0x1000  }
0xa6: {  	[sflag:s17] =	ssyncset.done $0x0  }
0xa7: {  	s19 =	sadd.s32 $0x200, s12;
	[sflag:s17] =	ssyncadd.s32 $0xFFFFF000  }
0xa8: {  	[tilespmem:s28], [sflag:$0x2] =	stream.indirect.gather [spmem:s2], $0x40, s19, s26, $0xb8;
	[tilespmem:$0x1F780] =	vst v63  }
0xa9: {  	_ =	swait.ge [sflag:s23], $0x1000  }
0xaa: {  	[sflag:s23] =	ssyncset.done $0x0  }
0xab: {  	s15 =	simm.s32 $0xB;
	s13 =	sadd.s32 $0x840, s12;
	[sflag:s23] =	ssyncadd.s32 $0xFFFFF000  }
0xac: {  	[spmem:s4] =	stream.indirect.scatter.add.f32 [tilespmem:s29], [sflag:$0xB], $0x40, s13, s26, $0xb8;
	[tilespmem:$0x1F780] =	vst v63  }
0xad: {  	_ =	swait.ge [sflag:s15], $0x1000  }
0xae: {  	[sflag:s15] =	ssyncset.done $0x0  }
0xaf: {  	s17 =	sadd.s32 $0x240, s12;
	[sflag:s15] =	ssyncadd.s32 $0xFFFFF000  }
0xb0: {  	[tilespmem:s29], [sflag:$0x3] =	stream.indirect.gather [spmem:s2], $0x40, s17, s26, $0xb8;
	[tilespmem:$0x1F780] =	vst v63  }
0xb1: {  	_ =	swait.ge [sflag:s24], $0x1000  }
0xb2: {  	[sflag:s24] =	ssyncset.done $0x0  }
0xb3: {  	s19 =	sadd.s32 $0x880, s12;
	s13 =	simm.s32 $0xC;
	[sflag:s24] =	ssyncadd.s32 $0xFFFFF000  }
0xb4: {  	[spmem:s4] =	stream.indirect.scatter.add.f32 [tilespmem:s30], [sflag:$0xC], $0x40, s19, s26, $0xb8;
	[tilespmem:$0x1F780] =	vst v63  }
0xb5: {  	_ =	swait.ge [sflag:s13], $0x1000  }
0xb6: {  	[sflag:s13] =	ssyncset.done $0x0  }
0xb7: {  	s15 =	sadd.s32 $0x280, s12;
	[sflag:s13] =	ssyncadd.s32 $0xFFFFF000  }
0xb8: {  	[tilespmem:s30], [sflag:$0x4] =	stream.indirect.gather [spmem:s2], $0x40, s15, s26, $0xb8;
	[tilespmem:$0x1F780] =	vst v63  }
0xb9: {  	_ =	swait.ge [sflag:s14], $0x1000  }
0xba: {  	[sflag:s14] =	ssyncset.done $0x0  }
0xbb: {  	s17 =	sadd.s32 $0x8C0, s12;
	s19 =	simm.s32 $0xD;
	[sflag:s14] =	ssyncadd.s32 $0xFFFFF000  }
0xbc: {  	[spmem:s4] =	stream.indirect.scatter.add.f32 [tilespmem:s31], [sflag:$0xD], $0x40, s17, s26, $0xb8;
	[tilespmem:$0x1F780] =	vst v63  }
0xbd: {  	_ =	swait.ge [sflag:s19], $0x1000  }
0xbe: {  	[sflag:s19] =	ssyncset.done $0x0  }
0xbf: {  	s13 =	sadd.s32 $0x2C0, s12;
	[sflag:s19] =	ssyncadd.s32 $0xFFFFF000  }
0xc0: {  	[tilespmem:s31], [sflag:$0x5] =	stream.indirect.gather [spmem:s2], $0x40, s13, s26, $0xb8;
	[tilespmem:$0x1F780] =	vst v63  }
0xc1: {  	_ =	swait.ge [sflag:s16], $0x1000  }
0xc2: {  	[sflag:s16] =	ssyncset.done $0x0  }
0xc3: {  	s15 =	sadd.s32 $0x900, s12;
	s17 =	simm.s32 $0xE;
	[sflag:s16] =	ssyncadd.s32 $0xFFFFF000  }
0xc4: {  	[spmem:s4] =	stream.indirect.scatter.add.f32 [tilespmem:s3], [sflag:$0xE], $0x40, s15, s26, $0xb8;
	[tilespmem:$0x1F780] =	vst v63  }
0xc5: {  	_ =	swait.ge [sflag:s17], $0x1000  }
0xc6: {  	[sflag:s17] =	ssyncset.done $0x0  }
0xc7: {  	s19 =	sadd.s32 $0x300, s12;
	[sflag:s17] =	ssyncadd.s32 $0xFFFFF000  }
0xc8: {  	[tilespmem:s3], [sflag:$0x6] =	stream.indirect.gather [spmem:s2], $0x40, s19, s26, $0xb8;
	[tilespmem:$0x1F780] =	vst v63  }
0xc9: {  	_ =	swait.ge [sflag:s18], $0x1000  }
0xca: {  	[sflag:s18] =	ssyncset.done $0x0  }
0xcb: {  	s13 =	sadd.s32 $0x940, s12;
	s15 =	simm.s32 $0xF;
	[sflag:s18] =	ssyncadd.s32 $0xFFFFF000  }
0xcc: {  	[spmem:s4] =	stream.indirect.scatter.add.f32 [tilespmem:s20], [sflag:$0xF], $0x40, s13, s26, $0xb8;
	[tilespmem:$0x1F780] =	vst v63  }
0xcd: {  	_ =	swait.ge [sflag:s15], $0x1000  }
0xce: {  	[sflag:s15] =	ssyncset.done $0x0  }
0xcf: {  	s17 =	sadd.s32 $0x340, s12;
	[sflag:s15] =	ssyncadd.s32 $0xFFFFF000  }
0xd0: {  	[tilespmem:s20], [sflag:$0x7] =	stream.indirect.gather [spmem:s2], $0x40, s17, s26, $0xb8;
	[tilespmem:$0x1F780] =	vst v63  }
0xd1: {  	_ =	swait.ge [sflag:s21], $0x1000  }
0xd2: {  	[sflag:s21] =	ssyncset.done $0x0  }
0xd3: {  	s19 =	sadd.s32 $0x980, s12;
	s13 =	simm.s32 $0x10;
	[sflag:s21] =	ssyncadd.s32 $0xFFFFF000  }
0xd4: {  	[spmem:s4] =	stream.indirect.scatter.add.f32 [tilespmem:s8], [sflag:$0x10], $0x40, s19, s26, $0xb8;
	[tilespmem:$0x1F780] =	vst v63  }
0xd5: {  	_ =	swait.ge [sflag:s13], $0x1000  }
0xd6: {  	[sflag:s13] =	ssyncset.done $0x0  }
0xd7: {  	s15 =	sadd.s32 $0x380, s12;
	[sflag:s13] =	ssyncadd.s32 $0xFFFFF000  }
0xd8: {  	[tilespmem:s8], [sflag:$0x8] =	stream.indirect.gather [spmem:s2], $0x40, s15, s26, $0xb8;
	[tilespmem:$0x1F780] =	vst v63  }
0xd9: {  	_ =	swait.ge [sflag:s0], $0x1000  }
0xda: {  	[sflag:s0] =	ssyncset.done $0x0  }
0xdb: {  	s17 =	sadd.s32 $0x9C0, s12;
	[sflag:s0] =	ssyncadd.s32 $0xFFFFF000  }
0xdc: {  	[spmem:s4] =	stream.indirect.scatter.add.f32 [tilespmem:s9], [sflag:$0x11], $0x40, s17, s26, $0xb8;
	[tilespmem:$0x1F780] =	vst v63  }
0xdd: {  	_ =	swait.ge [sflag:s7], $0x1000  }
0xde: {  	[sflag:s7] =	ssyncset.done $0x0  }
0xdf: {  	s19 =	sadd.s32 $0x3C0, s12;
	[sflag:s7] =	ssyncadd.s32 $0xFFFFF000  }
0xe0: {  	[tilespmem:s9], [sflag:$0x9] =	stream.indirect.gather [spmem:s2], $0x40, s19, s26, $0xb8;
	[tilespmem:$0x1F780] =	vst v63  }
0xe1: {  	_ =	swait.ge [sflag:s11], $0x1000  }
0xe2: {  	[sflag:s11] =	ssyncset.done $0x0  }
0xe3: {  	s13 =	sadd.s32 $0xA00, s12;
	[sflag:s11] =	ssyncadd.s32 $0xFFFFF000  }
0xe4: {  	[spmem:s4] =	stream.indirect.scatter.add.f32 [tilespmem:s28], [sflag:$0xA], $0x40, s13, s26, $0xb8;
	[tilespmem:$0x1F780] =	vst v63  }
0xe5: {  	_ =	swait.ge [sflag:s23], $0x1000  }
0xe6: {  	[sflag:s23] =	ssyncset.done $0x0  }
0xe7: {  	s15 =	sadd.s32 $0xA40, s12;
	[sflag:s23] =	ssyncadd.s32 $0xFFFFF000  }
0xe8: {  	[spmem:s4] =	stream.indirect.scatter.add.f32 [tilespmem:s29], [sflag:$0xB], $0x40, s15, s26, $0xb8;
	[tilespmem:$0x1F780] =	vst v63  }
0xe9: {  	_ =	swait.ge [sflag:s24], $0x1000  }
0xea: {  	[sflag:s24] =	ssyncset.done $0x0  }
0xeb: {  	s17 =	sadd.s32 $0xA80, s12;
	[sflag:s24] =	ssyncadd.s32 $0xFFFFF000  }
0xec: {  	[spmem:s4] =	stream.indirect.scatter.add.f32 [tilespmem:s30], [sflag:$0xC], $0x40, s17, s26, $0xb8;
	[tilespmem:$0x1F780] =	vst v63  }
0xed: {  	_ =	swait.ge [sflag:s14], $0x1000  }
0xee: {  	[sflag:s14] =	ssyncset.done $0x0  }
0xef: {  	s19 =	sadd.s32 $0xAC0, s12;
	[sflag:s14] =	ssyncadd.s32 $0xFFFFF000  }
0xf0: {  	[spmem:s4] =	stream.indirect.scatter.add.f32 [tilespmem:s31], [sflag:$0xD], $0x40, s19, s26, $0xb8;
	[tilespmem:$0x1F780] =	vst v63  }
0xf1: {  	_ =	swait.ge [sflag:s16], $0x1000  }
0xf2: {  	[sflag:s16] =	ssyncset.done $0x0  }
0xf3: {  	s13 =	sadd.s32 $0xB00, s12;
	[sflag:s16] =	ssyncadd.s32 $0xFFFFF000  }
0xf4: {  	[spmem:s4] =	stream.indirect.scatter.add.f32 [tilespmem:s3], [sflag:$0xE], $0x40, s13, s26, $0xb8;
	[tilespmem:$0x1F780] =	vst v63  }
0xf5: {  	_ =	swait.ge [sflag:s18], $0x1000  }
0xf6: {  	[sflag:s18] =	ssyncset.done $0x0  }
0xf7: {  	s15 =	sadd.s32 $0xB40, s12;
	[sflag:s18] =	ssyncadd.s32 $0xFFFFF000  }
0xf8: {  	[spmem:s4] =	stream.indirect.scatter.add.f32 [tilespmem:s20], [sflag:$0xF], $0x40, s15, s26, $0xb8;
	[tilespmem:$0x1F780] =	vst v63  }
0xf9: {  	_ =	swait.ge [sflag:s21], $0x1000  }
0xfa: {  	[sflag:s21] =	ssyncset.done $0x0  }
0xfb: {  	s17 =	sadd.s32 $0xB80, s12;
	[sflag:s21] =	ssyncadd.s32 $0xFFFFF000  }
0xfc: {  	[spmem:s4] =	stream.indirect.scatter.add.f32 [tilespmem:s8], [sflag:$0x10], $0x40, s17, s26, $0xb8;
	[tilespmem:$0x1F780] =	vst v63  }
0xfd: {  	_ =	swait.ge [sflag:s0], $0x1000  }
0xfe: {  	[sflag:s0] =	ssyncset.done $0x0  }
0xff: {  	s1 =	simm.s32 @p2 $0x12;
	s19 =	sadd.s32 $0xBC0, s12;
	[sflag:s0] =	ssyncadd.s32 $0xFFFFF000  }
0x100: {  	[spmem:s4] =	stream.indirect.scatter.add.f32 [tilespmem:s9], [sflag:$0x11], $0x40, s19, s26, $0xb8;
	[tilespmem:$0x1F780] =	vst v63  }
0x101: {  	_ =	swait.ge @p2 [sflag:s1], $0x400  }
0x102: {  	[sflag:s1] =	ssyncset.done @p2 $0x0  }
0x103: {  	[sflag:s1] =	ssyncadd.s32 @p2 $0xFFFFFC00  }
0x104: {  	_ =	swait.ge @p2 [sflag:s1], $0x400  }
0x105: {  	[sflag:s1] =	ssyncset.done @p2 $0x0  }
0x106: {  	[sflag:s1] =	ssyncadd.s32 @p2 $0xFFFFFC00  }
0x107: {  	_ =	swait.ge @p2 [sflag:s1], $0x400  }
0x108: {  	[sflag:s1] =	ssyncset.done @p2 $0x0  }
0x109: {  	[sflag:s1] =	ssyncadd.s32 @p2 $0xFFFFFC00  }
0x10a: {  	_ =	swait.ge @p2 [sflag:s1], $0x400  }
0x10b: {  	[sflag:s1] =	ssyncset.done @p2 $0x0  }
0x10c: {  	[sflag:s1] =	ssyncadd.s32 @p2 $0xFFFFFC00  }
0x10d: {  	_ =	swait.ge @p2 [sflag:s1], $0x400  }
0x10e: {  	[sflag:s1] =	ssyncset.done @p2 $0x0  }
0x10f: {  	[sflag:s1] =	ssyncadd.s32 @p2 $0xFFFFFC00  }
0x110: {  	_ =	swait.ge @p2 [sflag:s1], $0x400  }
0x111: {  	[sflag:s1] =	ssyncset.done @p2 $0x0  }
0x112: {  	[sflag:s1] =	ssyncadd.s32 @p2 $0xFFFFFC00  }
0x113: {  	_ =	swait.ge @p2 [sflag:s1], $0x400  }
0x114: {  	[sflag:s1] =	ssyncset.done @p2 $0x0  }
0x115: {  	[sflag:s1] =	ssyncadd.s32 @p2 $0xFFFFFC00  }
0x116: {  	_ =	swait.ge @p2 [sflag:s1], $0x400  }
0x117: {  	[sflag:s1] =	ssyncset.done @p2 $0x0  }
0x118: {  	[sflag:s1] =	ssyncadd.s32 @p2 $0xFFFFFC00  }
0x119: {  	_ =	swait.ge @p2 [sflag:s1], $0x400  }
0x11a: {  	[sflag:s1] =	ssyncset.done @p2 $0x0  }
0x11b: {  	[sflag:s1] =	ssyncadd.s32 @p2 $0xFFFFFC00  }
0x11c: {  	_ =	swait.ge @p2 [sflag:s1], $0x400  }
0x11d: {  	[sflag:s1] =	ssyncset.done @p2 $0x0  }
0x11e: {  	[sflag:s1] =	ssyncadd.s32 @p2 $0xFFFFFC00  }
0x11f: {  	_ =	swait.ge @p2 [sflag:s1], $0x400  }
0x120: {  	[sflag:s1] =	ssyncset.done @p2 $0x0  }
0x121: {  	[sflag:s1] =	ssyncadd.s32 @p2 $0xFFFFFC00  }
0x122: {  	_ =	swait.ge @p2 [sflag:s1], $0x400  }
0x123: {  	[sflag:s1] =	ssyncset.done @p2 $0x0  }
0x124: {  	[sflag:s1] =	ssyncadd.s32 @p2 $0xFFFFFC00  }
0x125: {  	_ =	swait.ge @p2 [sflag:s1], $0x400  }
0x126: {  	[sflag:s1] =	ssyncset.done @p2 $0x0  }
0x127: {  	[sflag:s1] =	ssyncadd.s32 @p2 $0xFFFFFC00  }
0x128: {  	_ =	swait.ge @p2 [sflag:s1], $0x400  }
0x129: {  	[sflag:s1] =	ssyncset.done @p2 $0x0  }
0x12a: {  	[sflag:s1] =	ssyncadd.s32 @p2 $0xFFFFFC00  }
0x12b: {  	p3 =	slt.u32 s6, $0x14;
	_ =	swait.ge @p2 [sflag:s1], $0x400  }
.Ltmp4:
0x12c: {  	[sflag:s1] =	ssyncset.done @p2 $0x0;
	(pc) =	sbr.rel @!p3 .LBB2_9-.Ltmp4, $4  }
0x12d: {  	[sflag:s1] =	ssyncadd.s32 @p2 $0xFFFFFC00  }
0x12e: {  	_ =	swait.ge @p2 [sflag:s1], $0x400  }
0x12f: {  	[sflag:s1] =	ssyncset.done @p2 $0x0  }
0x130: {  	[sflag:s1] =	ssyncadd.s32 @p2 $0xFFFFFC00  }
.LBB2_4:
0x131: {  	_ =	swait.ge [sflag:s25], $0x400  }
0x132: {  	[sflag:s25] =	ssyncset.done $0x0  }
0x133: {  	[sflag:s25] =	ssyncadd.s32 $0xFFFFFC00  }
0x134: {  	_ =	swait.ge [sflag:s25], $0x400  }
0x135: {  	p2 =	seq.s32 s6, $0x0;
	[sflag:s25] =	ssyncset.done $0x0  }
0x136: {  	s12 =	simm.s32 @!p2 $0xA;
	[sflag:s25] =	ssyncadd.s32 $0xFFFFFC00  }
0x137: {  	_ =	swait.ge @!p2 [sflag:s12], $0x1000  }
0x138: {  	[sflag:s12] =	ssyncset.done @!p2 $0x0  }
0x139: {  	[sflag:s12] =	ssyncadd.s32 @!p2 $0xFFFFF000;
	s12 =	simm.s32 @!p2 $0xB  }
0x13a: {  	_ =	swait.ge @!p2 [sflag:s12], $0x1000  }
0x13b: {  	[sflag:s12] =	ssyncset.done @!p2 $0x0  }
0x13c: {  	[sflag:s12] =	ssyncadd.s32 @!p2 $0xFFFFF000;
	s12 =	simm.s32 @!p2 $0xC  }
0x13d: {  	_ =	swait.ge @!p2 [sflag:s12], $0x1000  }
0x13e: {  	[sflag:s12] =	ssyncset.done @!p2 $0x0  }
0x13f: {  	[sflag:s12] =	ssyncadd.s32 @!p2 $0xFFFFF000;
	s12 =	simm.s32 @!p2 $0xD  }
0x140: {  	_ =	swait.ge @!p2 [sflag:s12], $0x1000  }
0x141: {  	[sflag:s12] =	ssyncset.done @!p2 $0x0  }
0x142: {  	[sflag:s12] =	ssyncadd.s32 @!p2 $0xFFFFF000;
	s12 =	simm.s32 @!p2 $0xE  }
0x143: {  	_ =	swait.ge @!p2 [sflag:s12], $0x1000  }
0x144: {  	[sflag:s12] =	ssyncset.done @!p2 $0x0  }
0x145: {  	[sflag:s12] =	ssyncadd.s32 @!p2 $0xFFFFF000;
	s12 =	simm.s32 @!p2 $0xF  }
0x146: {  	_ =	swait.ge @!p2 [sflag:s12], $0x1000  }
0x147: {  	[sflag:s12] =	ssyncset.done @!p2 $0x0  }
0x148: {  	p3 =	sne.s32 @!p2 s6, $0x13;
	[sflag:s12] =	ssyncadd.s32 @!p2 $0xFFFFF000;
	s12 =	simm.s32 @!p2 $0x10  }
0x149: {  	p3 =	por p2, p3;
	_ =	swait.ge @!p2 [sflag:s12], $0x1000  }
.Ltmp5:
0x14a: {  	[sflag:s12] =	ssyncset.done @!p2 $0x0;
	(pc) =	sbr.rel @!p3 .LBB2_5-.Ltmp5, $4  }
0x14b: {  	s1 =	simm.s32 @!p2 $0x11;
	[sflag:s12] =	ssyncadd.s32 @!p2 $0xFFFFF000  }
0x14c: {  	s19 =	sshll.u32 s6, $0xA;
	_ =	swait.ge @!p2 [sflag:s1], $0x1000  }
0x14d: {  	s12 =	sand.u32 $0x400, s19;
	[sflag:s1] =	ssyncset.done @!p2 $0x0  }
0x14e: {  	s13 =	sor.u32 $0x800, s12;
	[sflag:s1] =	ssyncadd.s32 @!p2 $0xFFFFF000  }
0x14f: {  	s1 =	sadd.s32 @!p2 $0x1, s6  }
0x150: {  	s1 =	simm.s32 @p2 $0x1  }
0x151: {  	s17 =	rddreg [dreg:$0xa];
	s15 =	sshll.u32 s1, $0xA  }
0x152: {  	s15 =	sadd.s32 s17, s15  }
0x153: {  	s19 =	rddreg [dreg:$0x1];
	s15 =	sshrl.u32 s15, $0x3  }
0x154: {  	s17 =	ssub.s32 $0x400, s12;
	s19 =	sadd.s32 s19, s15  }
0x155: {  	[tilespmem:s17], [sflag:$0x1] =	stream.linear.gather [hbm4b:s19+s22], $0x400, $0x38;
	[tilespmem:$0x1F780] =	vst v63  }
0x156: {  	s19 =	rddreg [dreg:$0x7]  }
0x157: {  	s17 =	ssub.s32 $0xC00, s12;
	s15 =	sadd.s32 s19, s15  }
0x158: {  	[tilespmem:s17], [sflag:$0x1] =	stream.linear.gather [hbm4b:s15+s22], $0x400, $0x38;
	[tilespmem:$0x1F780] =	vst v63  }
0x159: {  	p2 =	sgt.u32 s6, $0x9;
	s6 =	simm.s32 $0x1;
	s15 =	simm.s32 $0x1  }
0x15a: {  	s6 =	simm.s32 @!p2 $0x0;
	s15 =	simm.s32 @!p1 $0x0  }
0x15b: {  	p3 =	seq.s32 s15, s6  }
.Ltmp6:
0x15c: {  	_ = 	snop;
	(pc) =	sbr.rel @p3 .LBB2_8-.Ltmp6, $4  }
.Ltmp7:
0x15d: {  	_ = 	snop;
	(pc) =	sbr.rel @!p3 .LBB2_7-.Ltmp7, $4  }
0x15e: {  	_ = 	snop  }
0x15f: {  	_ = 	snop  }
0x160: {  	p2 =	por $0x0, $0x0;
	s6 =	smov.u32 s1  }
0x161: {  	_ = 	snop  }
.LBB2_5:
.Ltmp8:
0x162: {  	(pc) =	sbr.rel @p1 .LBB2_8-.Ltmp8, $4  }
.Ltmp9:
0x163: {  	(pc) =	sbr.rel @!p1 .LBB2_7-.Ltmp9, $4  }
0x164: {  	_ = 	snop  }
0x165: {  	_ = 	snop  }
0x166: {  	s6 =	simm.s32 $0x14;
	p2 =	por $0x0, $0x0  }
0x167: {  	_ = 	snop  }
.LBB2_10:
0x168: {  	_ =	sfence.sel $0x180000  }
0x169: {  	[bflag:$0x0] =	sbarrier.arrive $0xFFFF  }
0x16a: {  	_ =	strace $0x90000047  }
0x16b: {  	s0 =	stileid.u32;
	[bflag:$0x2] =	sbarrier.arrive $0xFFFF  }
0x16c: {  	p0 =	sne.s32 s0, $0x0;
	s0 =	rddreg [dreg:$0x6]  }
0x16d: {  	s0 =	sadd.s32 @!p0 $0x100000, s0  }
0x16e: {  	[sflag:s0] =	ssyncadd.tile.s32 @!p0 $0x1;
	_ =	shalt  }
.Lfunc_end2:
_tile_overlayer_lowered:
.L_overlay_start_2:
0x16f: {  	(tag) =	ssettag $0x2  }
0x170: {  	s0 =	rddreg [dreg:$0x0];
	s2 =	stileid.u32  }
0x171: {  	s1 =	rddreg [dreg:$0x1];
	p0 =	sne.s32 s2, $0x0  }
0x172: {  	s3 =	rddreg [dreg:$0x2];
	[bflag:$0x3] =	sbarrier.arrive $0xFFFF;
	s2 =	simm.s32 @!p0 $0x1C13  }
0x173: {  	[timem:s3], [sflag:s2] =	dma.local @!p0 [hbm:s0], s1  }
0x174: {  	s0 =	simm.s32 @!p0 $0x13  }
0x175: {  	_ =	swait.ge @!p0 [sflag:s0], s1  }
0x176: {  	s1 =	ssub.s32 @!p0 $0x0, s1;
	[sflag:s0] =	ssyncset.done @!p0 $0x0  }
0x177: {  	[sflag:s0] =	ssyncadd.s32 @!p0 s1  }
0x178: {  	[bflag:$0x3] =	sbarrier.arrive $0xFFFF  }
0x179: {  	_ =	shalt  }

</sc_bundles>
